<compile_context>
chip_gen: v7x
topology: tpu7x:2x2x1
jax: 0.10.2.dev20260603
libtpu: 0.0.44.dev20260713+nightly
codegen_flags: <defaults>
</compile_context>

<pallas_src>
import functools

import jax
import jax.numpy as jnp
from jax import lax
from jax.experimental import pallas as pl
from jax.experimental.pallas import tpu as pltpu
from jax.experimental.pallas import tpu_sc as plsc

N_NODES = 10000
N_EDGES = 320000
NW = 32

_MESH = dict(core_axis_name="c", subcore_axis_name="s")


def _wid():
    return lax.axis_index("s") * 2 + lax.axis_index("c")


def _sc_gather(in_vc, src, dst):
    CH = 80
    per_w = N_EDGES // NW

    @functools.partial(
        pl.kernel,
        mesh=plsc.VectorSubcoreMesh(**_MESH),
        compiler_params=pltpu.CompilerParams(needs_layout_passes=False),
        out_type=[
            jax.ShapeDtypeStruct((N_EDGES, 128), jnp.float32),
            jax.ShapeDtypeStruct((N_EDGES, 128), jnp.float32),
        ],
        scratch_types=[
            pltpu.VMEM((CH,), jnp.int32),
            pltpu.VMEM((CH, 128), jnp.float32),
            pltpu.SemaphoreType.DMA,
        ],
    )
    def k(vc_hbm, src_hbm, dst_hbm, gs_hbm, gd_hbm, idx_v, rows_v, sem):
        w = _wid()
        base0 = w * per_w

        def step(i, _):
            base = base0 + i * CH
            pltpu.sync_copy(src_hbm.at[pl.ds(base, CH)], idx_v)
            pltpu.async_copy(vc_hbm.at[idx_v], rows_v, sem).wait()
            pltpu.sync_copy(rows_v, gs_hbm.at[pl.ds(base, CH)])
            pltpu.sync_copy(dst_hbm.at[pl.ds(base, CH)], idx_v)
            pltpu.async_copy(vc_hbm.at[idx_v], rows_v, sem).wait()
            pltpu.sync_copy(rows_v, gd_hbm.at[pl.ds(base, CH)])
            return ()

        lax.fori_loop(0, per_w // CH, step, ())

    return k(in_vc, src, dst)


def _edge_mlp_body(gs, gd, ve, w1s, w1d, w1e, b1, w2f, b2f, w2k, b2k,
                   wvf, wve, bv, f1o, f4o, fmmo, oveo):
    f32 = jnp.float32
    gs16 = gs[...].astype(jnp.bfloat16)
    gd16 = gd[...].astype(jnp.bfloat16)
    ve16 = ve[...].astype(jnp.bfloat16)
    h1 = (jnp.dot(gs16, w1s[...], preferred_element_type=f32)
          + jnp.dot(gd16, w1d[...], preferred_element_type=f32)
          + jnp.dot(ve16, w1e[...], preferred_element_type=f32) + b1[...])
    h1 = jnp.maximum(h1, 0.0)
    h1b = h1.astype(jnp.bfloat16)
    hf = jnp.dot(h1b, w2f[...], preferred_element_type=f32) + b2f[...]
    hk = jnp.sum(h1 * w2k[...], axis=1, keepdims=True) + b2k[...]
    kgate = jax.nn.sigmoid(hk)
    f = hf * kgate
    f1o[...] = f[:, :128]
    f4o[...] = f[:, 384:]
    fmmo[...] = f[:, 128:384]
    oveo[...] = (jnp.dot(f.astype(jnp.bfloat16), wvf[...], preferred_element_type=f32)
                 + jnp.dot(ve16, wve[...], preferred_element_type=f32) + bv[...])


def _edge_mlp(gs, gd, ve, w1s, w1d, w1e, b1, w2f, b2f, w2k, b2k, wvf, wve, bv,
              interpret=False):
    EB = 2560
    grid = (N_EDGES // EB,)
    ebs = lambda cols: pl.BlockSpec((EB, cols), lambda i: (i, 0))
    full = lambda a: pl.BlockSpec(a.shape, lambda i: (0,) * a.ndim)
    return pl.pallas_call(
        _edge_mlp_body,
        grid=grid,
        in_specs=[ebs(128), ebs(128), ebs(128), full(w1s), full(w1d),
                  full(w1e), full(b1), full(w2f), full(b2f), full(w2k),
                  full(b2k), full(wvf), full(wve), full(bv)],
        out_specs=[ebs(128), ebs(128), ebs(256), ebs(128)],
        out_shape=[
            jax.ShapeDtypeStruct((N_EDGES, 128), jnp.float32),
            jax.ShapeDtypeStruct((N_EDGES, 128), jnp.float32),
            jax.ShapeDtypeStruct((N_EDGES, 256), jnp.float32),
            jax.ShapeDtypeStruct((N_EDGES, 128), jnp.float32),
        ],
        interpret=interpret,
    )(gs, gd, ve, w1s, w1d, w1e, b1, w2f, b2f, w2k, b2k, wvf, wve, bv)


def _sc_sums(f1, f4, dst, zrows, ones128):
    CH = 160
    per_w = N_EDGES // 16
    HN = N_NODES // 2
    AR = HN + 16
    ZR = 200
    NZC = HN // ZR

    @functools.partial(
        pl.kernel,
        mesh=plsc.VectorSubcoreMesh(**_MESH),
        compiler_params=pltpu.CompilerParams(needs_layout_passes=False),
        out_type=[
            jax.ShapeDtypeStruct((N_NODES, 128), jnp.float32),
            jax.ShapeDtypeStruct((N_NODES, 128), jnp.float32),
            jax.ShapeDtypeStruct((N_NODES, 128), jnp.float32),
        ],
        scratch_types=[
            pltpu.VMEM((CH,), jnp.int32),
            pltpu.VMEM((CH,), jnp.int32),
            pltpu.VMEM((CH, 128), jnp.float32),
            pltpu.VMEM((80, 128), jnp.float32),
            pltpu.VMEM_SHARED((AR, 128), jnp.float32),
        ],
    )
    def k(f1_hbm, f4_hbm, dst_hbm, z_hbm, o_hbm, nf1_hbm, nf4_hbm, deg_hbm,
          dbuf, dbuf2, fbuf, obuf, acc_sh):
        core = lax.axis_index("c")
        s = lax.axis_index("s")
        nzc = (NZC - 1 - s) // 16 + 1
        pltpu.sync_copy(o_hbm, obuf)

        def zero_acc():
            def zinit(q, _):
                r0 = (s + q * 16) * ZR
                pltpu.sync_copy(z_hbm, acc_sh.at[pl.ds(r0, ZR)])
                return ()

            lax.fori_loop(0, nzc, zinit, ())

            @pl.when(s == 0)
            def _():
                pltpu.sync_copy(z_hbm.at[pl.ds(0, 16)], acc_sh.at[pl.ds(HN, 16)])

        def remap(base):
            def sub(j, _):
                dv = dbuf[pl.ds(j * 16, 16)]
                inr = (dv >= base) & (dv < base + HN)
                tr = HN + jnp.bitwise_and(dv, 15)
                dbuf2[pl.ds(j * 16, 16)] = jnp.where(inr, dv - base, tr)
                return ()
            lax.fori_loop(0, CH // 16, sub, ())

        def writeout(dst_out, base):
            def wo(q, _):
                r0 = (s + q * 16) * ZR
                pltpu.sync_copy(acc_sh.at[pl.ds(r0, ZR)],
                                dst_out.at[pl.ds(base + r0, ZR)])
                return ()
            lax.fori_loop(0, nzc, wo, ())

        def f_pass(p):
            base = p * HN
            zero_acc()
            plsc.subcore_barrier()

            def step(i, _):
                eb = s * per_w + i * CH
                pltpu.sync_copy(dst_hbm.at[pl.ds(eb, CH)], dbuf)
                remap(base)

                @pl.when(core == 0)
                def _():
                    pltpu.sync_copy(f1_hbm.at[pl.ds(eb, CH)], fbuf)
                    pltpu.sync_copy(fbuf, acc_sh.at[dbuf2], add=True)

                @pl.when(core == 1)
                def _():
                    pltpu.sync_copy(f4_hbm.at[pl.ds(eb, CH)], fbuf)
                    pltpu.sync_copy(fbuf, acc_sh.at[dbuf2], add=True)
                return ()

            lax.fori_loop(0, per_w // CH, step, ())
            plsc.subcore_barrier()

            @pl.when(core == 0)
            def _():
                writeout(nf1_hbm, base)

            @pl.when(core == 1)
            def _():
                writeout(nf4_hbm, base)

            plsc.subcore_barrier()

        def deg_pass(p):
            base = p * HN
            zero_acc()
            plsc.subcore_barrier()

            def step(i, _):
                eb = s * per_w + i * CH
                pltpu.sync_copy(dst_hbm.at[pl.ds(eb, CH)], dbuf)
                remap(base)
                pltpu.sync_copy(obuf, acc_sh.at[dbuf2.at[pl.ds(0, 80)]], add=True)
                pltpu.sync_copy(obuf, acc_sh.at[dbuf2.at[pl.ds(80, 80)]], add=True)
                return ()

            @pl.when(core == 1)
            def _():
                lax.fori_loop(0, per_w // CH, step, ())

            plsc.subcore_barrier()

            @pl.when(core == 1)
            def _():
                writeout(deg_hbm, base)

            plsc.subcore_barrier()

        f_pass(0)
        f_pass(1)
        deg_pass(0)
        deg_pass(1)

    return k(f1, f4, dst, zrows, ones128)


def _sc_maxmin(fmm_t, dst):
    CH = 640
    NG = CH // 16
    TMPN = 4096

    @functools.partial(
        pl.kernel,
        mesh=plsc.VectorSubcoreMesh(**_MESH),
        compiler_params=pltpu.CompilerParams(needs_layout_passes=False),
        out_type=[jax.ShapeDtypeStruct((256, N_NODES), jnp.float32)],
        scratch_types=[
            pltpu.VMEM((CH,), jnp.int32),
            pltpu.VMEM((4, CH), jnp.float32),
            pltpu.VMEM((4, N_NODES), jnp.float32),
            pltpu.VMEM((TMPN,), jnp.int32),
        ],
    )
    def k(fmm_hbm, dst_hbm, out_hbm, dbuf, fbuf, acc, tmp):
        w = _wid()
        ninf = jnp.full((16,), -jnp.inf, jnp.float32)
        iota = lax.iota(jnp.int32, 16)
        csplat = [jnp.full((16,), c, jnp.int32) for c in range(4)]

        def one_round(r):
            sgn = jnp.where(r == 0, 1.0, -1.0).astype(jnp.float32)
            sgnv = jnp.full((16,), 1.0, jnp.float32) * sgn
            c0 = (w + r * 32) * 4

            def ini(j, _):
                acc[j // (N_NODES // 16),
                    pl.ds((j % (N_NODES // 16)) * 16, 16)] = ninf
                return ()

            lax.fori_loop(0, 4 * (N_NODES // 16), ini, ())

            def rmw(d, rowv, mask):
                for c in range(4):
                    vc = plsc.load_gather(fbuf, [csplat[c], rowv]) * sgnv
                    a = plsc.load_gather(acc, [csplat[c], d])
                    na = jnp.maximum(a, vc)
                    if mask is None:
                        plsc.store_scatter(acc, [csplat[c], d], na)
                    else:
                        plsc.store_scatter(acc, [csplat[c], d], na, mask=mask)

            def group(g, _):
                d = dbuf[pl.ds(g * 16, 16)]
                rowv = iota + g * 16
                dh = jnp.bitwise_and(d, TMPN - 1)
                plsc.store_scatter(tmp, [dh], iota)
                rr = plsc.load_gather(tmp, [dh])
                ndup = jnp.max(jnp.where(rr != iota, 1, 0))

                @pl.when(ndup == 0)
                def _():
                    rmw(d, rowv, None)

                @pl.when(ndup != 0)
                def _():
                    def lane(l, _):
                        rmw(d, rowv, iota == l)
                        return ()
                    lax.fori_loop(0, 16, lane, ())
                return ()

            def chunk(i, _):
                e0 = i * CH
                pltpu.sync_copy(dst_hbm.at[pl.ds(e0, CH)], dbuf)
                pltpu.sync_copy(fmm_hbm.at[pl.ds(c0, 4), pl.ds(e0, CH)], fbuf)
                lax.fori_loop(0, NG, group, ())
                return ()

            lax.fori_loop(0, N_EDGES // CH, chunk, ())
            pltpu.sync_copy(acc, out_hbm.at[pl.ds(c0, 4)])

        one_round(0)
        one_round(1)

    return k(fmm_t, dst)


def _node_head_body(vc, nf1, nfmm, nf4, degx, wr, br, out):
    d = degx[...][:, :1]
    has = d > 0.0
    nf2 = jnp.where(has, nfmm[...][:, :128], 0.0)
    nf3 = jnp.where(has, -nfmm[...][:, 128:], 0.0)
    nf4v = nf4[...] / jnp.maximum(d, 1.0)
    x = jnp.concatenate([vc[...], nf1[...], nf2, nf3, nf4v], axis=1)
    out[...] = jnp.dot(x.astype(jnp.bfloat16), wr[...],
                       preferred_element_type=jnp.float32) + br[...]


def _node_head(in_vc, nf1, nfmm, nf4, degx, wr, br, interpret=False):
    NB = 2000
    grid = (N_NODES // NB,)
    nbs = lambda cols: pl.BlockSpec((NB, cols), lambda i: (i, 0))
    full = lambda a: pl.BlockSpec(a.shape, lambda i: (0,) * a.ndim)
    return pl.pallas_call(
        _node_head_body,
        grid=grid,
        in_specs=[nbs(128), nbs(128), nbs(256), nbs(128), nbs(128),
                  full(wr), full(br)],
        out_specs=nbs(128),
        out_shape=jax.ShapeDtypeStruct((N_NODES, 128), jnp.float32),
        interpret=interpret,
    )(in_vc, nf1, nfmm, nf4, degx, wr, br)


def kernel(in_vc, in_ve, edge_index, W1, b1, W2, b2, Wr, br, Wv, bv):
    bf16 = jnp.bfloat16
    src = edge_index[0]
    dst = edge_index[1]
    w1s = W1[:128].astype(bf16)
    w1d = W1[128:256].astype(bf16)
    w1e = W1[256:].astype(bf16)
    b1r = b1.reshape(1, 384)
    w2f = W2[:, 1:513].astype(bf16)
    b2f = b2[1:513].reshape(1, 512)
    w2k = W2[:, 0].reshape(1, 384)
    b2k = b2[0].reshape(1, 1)
    wvf = Wv[:512].astype(bf16)
    wve = Wv[512:].astype(bf16)
    bvr = bv.reshape(1, 128)
    wr16 = Wr.astype(bf16)
    brr = br.reshape(1, 128)

    gs, gd = _sc_gather(in_vc, src, dst)
    f1, f4, fmm, out_ve = _edge_mlp(gs, gd, in_ve, w1s, w1d, w1e, b1r, w2f,
                                    b2f, w2k, b2k, wvf, wve, bvr)
    zrows = jnp.zeros((200, 128), jnp.float32)
    ones128 = jnp.ones((80, 128), jnp.float32)
    nf1, nf4, degx = _sc_sums(f1, f4, dst, zrows, ones128)
    (nfmm_t,) = _sc_maxmin(jnp.transpose(fmm), dst)
    nfmm = jnp.transpose(nfmm_t)
    out_vc = _node_head(in_vc, nf1, nfmm, nf4, degx, wr16, brr)
    return (out_vc, out_ve)

# --- scband reference (transcript-rebuilt; emitter-appended) ---
"""Pipeline reference for scband-gsmp-4879082848655 (READ-ONLY COPY).

The authoritative reference and input builder live on the scoring server;
editing this copy changes nothing except your own understanding.
"""

import jax, jax.numpy as jnp
import numpy as np

N_NODES = 10000
N_EDGES = 320000
N_IN = 128
N_OUT = 128


def setup_inputs(seed: int = 0):
    key = jax.random.key(seed)
    ks = jax.random.split(key, 12)
    in_vc = jax.random.normal(ks[0], (N_NODES, N_IN), dtype=jnp.float32)
    in_ve = jax.random.normal(ks[1], (N_EDGES, N_IN), dtype=jnp.float32)
    edge_index = jax.random.randint(ks[2], (2, N_EDGES), 0, N_NODES, dtype=jnp.int32)
    s = 0.05
    W1 = jax.random.normal(ks[3], (N_IN * 3, N_OUT * 3), dtype=jnp.float32) * s
    b1 = jnp.zeros((N_OUT * 3,), jnp.float32)
    W2 = jax.random.normal(ks[4], (N_OUT * 3, N_OUT * 4 + 1), dtype=jnp.float32) * s
    b2 = jnp.zeros((N_OUT * 4 + 1,), jnp.float32)
    Wr = jax.random.normal(ks[5], (N_OUT * 4 + N_IN, N_OUT), dtype=jnp.float32) * s
    br = jnp.zeros((N_OUT,), jnp.float32)
    Wv = jax.random.normal(ks[6], (N_OUT * 4 + N_IN, N_OUT), dtype=jnp.float32) * s
    bv = jnp.zeros((N_OUT,), jnp.float32)
    return {"in_vc": in_vc, "in_ve": in_ve, "edge_index": edge_index, "W1": W1, "b1": b1, "W2": W2, "b2": b2, "Wr": Wr, "br": br, "Wv": Wv, "bv": bv}


def reference(in_vc, in_ve, edge_index, W1, b1, W2, b2, Wr, br, Wv, bv):
    n_nodes = in_vc.shape[0]
    n_out = Wr.shape[1]
    src = edge_index[0]
    dst = edge_index[1]
    # msg_ss: per-edge MLP on [src_nf, dst_nf, ef]
    x = jnp.concatenate([in_vc[src], in_vc[dst], in_ve], axis=1)
    h = jnp.dot(jax.nn.relu(jnp.dot(x, W1) + b1), W2) + b2
    k = jax.nn.sigmoid(h[:, :1])
    f1 = h[:, 1:1 + n_out] * k
    f2 = h[:, 1 + n_out:1 + 2 * n_out] * k
    f3 = h[:, 1 + 2 * n_out:1 + 3 * n_out] * k
    f4 = h[:, 1 + 3 * n_out:1 + 4 * n_out] * k
    # update_all: sum / max / min / mean aggregated at dst nodes
    deg = jax.ops.segment_sum(jnp.ones((dst.shape[0],), jnp.float32), dst, num_segments=n_nodes)
    has_edge = (deg > 0)[:, None]
    nf1 = jax.ops.segment_sum(f1, dst, num_segments=n_nodes)
    nf2 = jnp.where(has_edge, jax.ops.segment_max(f2, dst, num_segments=n_nodes), 0.0)
    nf3 = jnp.where(has_edge, jax.ops.segment_min(f3, dst, num_segments=n_nodes), 0.0)
    nf4 = jax.ops.segment_sum(f4, dst, num_segments=n_nodes) / jnp.maximum(deg, 1.0)[:, None]
    # reduce_ss
    out_vc = jnp.dot(jnp.concatenate([in_vc, nf1, nf2, nf3, nf4], axis=1), Wr) + br
    # edge output head
    out_ve = jnp.dot(jnp.concatenate([f1, f2, f3, f4, in_ve], axis=1), Wv) + bv
    return (out_vc, out_ve)

if __name__ == "__main__":
    import jax
    _d = setup_inputs()
    print(jax.jit(kernel)(*tuple(_d.values())))

</pallas_src>

<mosaic_0001>
#map = affine_map<(d0, d1) -> (0, 0)>
#map1 = affine_map<(d0, d1) -> (0)>
module attributes {stable_mosaic.version = 14 : i64} {
  func.func @k(%arg0: i32, %arg1: i32, %arg2: memref<256x320000xf32, #tpu.memory_space<hbm>>, %arg3: memref<320000xi32, #tpu.memory_space<hbm>>, %arg4: memref<256x10000xf32, #tpu.memory_space<hbm>>, %arg5: memref<640xi32, #tpu.memory_space<vmem>>, %arg6: memref<4x640xf32, #tpu.memory_space<vmem>>, %arg7: memref<4x10000xf32, #tpu.memory_space<vmem>>, %arg8: memref<4096xi32, #tpu.memory_space<vmem>>) attributes {dimension_semantics = [#tpu.dimension_semantics<core_parallel>, #tpu.dimension_semantics<subcore_parallel>], iteration_bounds = array<i64: 2, 16>, scalar_prefetch = 0 : i64, scratch_operands = 4 : i64, tpu.core_type = #tpu.core_type<sc_vector_subcore>, window_params = [{transform_indices = #map}, {transform_indices = #map1}, {transform_indices = #map}]} {
    %mul3A = arith.constant 2 : i32
    %mul3A_0 = arith.muli %arg1, %mul3A : i32
    %add3A = arith.addi %mul3A_0, %arg0 : i32
    %broadcast_in_dim3A = arith.constant 0xFF800000 : f32
    %broadcast_in_dim3A_1 = vector.broadcast %broadcast_in_dim3A : f32 to vector<16xf32>
    %iota3A = tpu.iota {dimensions = array<i32: 0>} : vector<16xi32>
    %broadcast_in_dim3A_2 = arith.constant 0 : i32
    %broadcast_in_dim3A_3 = vector.broadcast %broadcast_in_dim3A_2 : i32 to vector<16xi32>
    %broadcast_in_dim3A_4 = arith.constant 1 : i32
    %broadcast_in_dim3A_5 = vector.broadcast %broadcast_in_dim3A_4 : i32 to vector<16xi32>
    %broadcast_in_dim3A_6 = arith.constant 2 : i32
    %broadcast_in_dim3A_7 = vector.broadcast %broadcast_in_dim3A_6 : i32 to vector<16xi32>
    %broadcast_in_dim3A_8 = arith.constant 3 : i32
    %broadcast_in_dim3A_9 = vector.broadcast %broadcast_in_dim3A_8 : i32 to vector<16xi32>
    %jit3A = arith.constant true
    %jit3A_10 = arith.constant 1.000000e+00 : f32
    %jit3A_11 = arith.constant -1.000000e+00 : f32
    %select_n3A = arith.select %jit3A, %jit3A_10, %jit3A_11 : f32
    %broadcast_in_dim3A_12 = arith.constant 1.000000e+00 : f32
    %broadcast_in_dim3A_13 = vector.broadcast %broadcast_in_dim3A_12 : f32 to vector<16xf32>
    %mul3A_14 = vector.broadcast %select_n3A : f32 to vector<16xf32>
    %mul3A_15 = arith.mulf %broadcast_in_dim3A_13, %mul3A_14 : vector<16xf32>
    %add3A_16 = arith.constant 0 : i32
    %add3A_17 = arith.addi %add3A, %add3A_16 : i32
    %mul3A_18 = arith.constant 4 : i32
    %mul3A_19 = arith.muli %add3A_17, %mul3A_18 : i32
    %scan3A = arith.constant 0 : i32
    %scan3A_20 = arith.constant 2500 : i32
    %scan3A_21 = arith.addi %scan3A, %scan3A_20 : i32
    %scan3A_22 = arith.constant 1 : i32
    scf.for %scan3A_51 = %scan3A to %scan3A_21 step %scan3A_22  : i32 {
      %jit3A_52 = arith.constant 625 : i32
      %div3A = arith.divsi %scan3A_51, %jit3A_52 : i32
      %sign3A = arith.constant 0 : i32
      %sign3A_53 = arith.cmpi sgt, %scan3A_51, %sign3A : i32
      %sign3A_54 = arith.extui %sign3A_53 : i1 to i32
      %sign3A_55 = arith.constant 0 : i32
      %sign3A_56 = arith.cmpi slt, %scan3A_51, %sign3A_55 : i32
      %sign3A_57 = arith.extui %sign3A_56 : i1 to i32
      %sign3A_58 = arith.subi %sign3A_54, %sign3A_57 : i32
      %sign3A_59 = arith.constant 0 : i32
      %sign3A_60 = arith.cmpi sgt, %jit3A_52, %sign3A_59 : i32
      %sign3A_61 = arith.extui %sign3A_60 : i1 to i32
      %sign3A_62 = arith.constant 0 : i32
      %sign3A_63 = arith.cmpi slt, %jit3A_52, %sign3A_62 : i32
      %sign3A_64 = arith.extui %sign3A_63 : i1 to i32
      %sign3A_65 = arith.subi %sign3A_61, %sign3A_64 : i32
      %ne3A = arith.cmpi ne, %sign3A_58, %sign3A_65 : i32
      %rem3A = arith.remsi %scan3A_51, %jit3A_52 : i32
      %ne3A_66 = arith.constant 0 : i32
      %ne3A_67 = arith.cmpi ne, %rem3A, %ne3A_66 : i32
      %and3A = arith.andi %ne3A, %ne3A_67 : i1
      %sub3A = arith.constant 1 : i32
      %sub3A_68 = arith.subi %div3A, %sub3A : i32
      %select_n3A_69 = arith.select %and3A, %sub3A_68, %div3A : i32
      %jit3A_70 = arith.constant 625 : i32
      %eq3A = arith.constant 0 : i32
      %eq3A_71 = arith.cmpi eq, %jit3A_70, %eq3A : i32
      %jit3A_72 = arith.constant 1 : i32
      %select_n3A_73 = arith.select %eq3A_71, %jit3A_72, %jit3A_70 : i32
      %rem3A_74 = arith.remsi %scan3A_51, %select_n3A_73 : i32
      %ne3A_75 = arith.constant 0 : i32
      %ne3A_76 = arith.cmpi ne, %rem3A_74, %ne3A_75 : i32
      %lt3A = arith.constant 0 : i32
      %lt3A_77 = arith.cmpi slt, %rem3A_74, %lt3A : i32
      %lt3A_78 = arith.constant 0 : i32
      %lt3A_79 = arith.cmpi slt, %select_n3A_73, %lt3A_78 : i32
      %ne3A_80 = arith.xori %lt3A_77, %lt3A_79 : i1
      %and3A_81 = arith.andi %ne3A_80, %ne3A_76 : i1
      %add3A_82 = arith.addi %rem3A_74, %select_n3A_73 : i32
      %select_n3A_83 = arith.select %and3A_81, %add3A_82, %rem3A_74 : i32
      %mul3A_84 = arith.constant 16 : i32
      %mul3A_85 = arith.muli %select_n3A_83, %mul3A_84 : i32
      %swap3A = arith.index_cast %select_n3A_69 : i32 to index
      %swap3A_86 = arith.index_cast %mul3A_85 : i32 to index
      %swap3A_87 = tpu.vector_load %arg7[%swap3A, %swap3A_86] {strides = array<i32>} : memref<4x10000xf32, #tpu.memory_space<vmem>>, vector<16xf32>,
      tpu.vector_store %arg7[%swap3A, %swap3A_86], %broadcast_in_dim3A_1 {strides = array<i32>} : memref<4x10000xf32, #tpu.memory_space<vmem>>, vector<16xf32>,
    }
    %scan3A_23 = arith.constant 2500 : i32
    %scan3A_24 = arith.constant 0 : i32
    %scan3A_25 = arith.constant 500 : i32
    %scan3A_26 = arith.addi %scan3A_24, %scan3A_25 : i32
    %scan3A_27 = arith.constant 1 : i32
    scf.for %scan3A_51 = %scan3A_24 to %scan3A_26 step %scan3A_27  : i32 {
      %mul3A_52 = arith.constant 640 : i32
      %mul3A_53 = arith.muli %scan3A_51, %mul3A_52 : i32
      "tpu.region"() ({
        %run_scoped3A = tpu.sem_alloc : memref<!tpu.dma_semaphore, #tpu.memory_space<semaphore_mem>>
        %dma_start3A = tpu.memref_slice %arg3[%mul3A_53] : memref<320000xi32, #tpu.memory_space<hbm>> -> memref<640xi32, #tpu.memory_space<hbm>>
        %dma_start3A_59 = tpu.memref_slice %arg3[%mul3A_53] : memref<320000xi32, #tpu.memory_space<hbm>> -> memref<640xi32, #tpu.memory_space<hbm>>
        tpu.enqueue_dma source(%dma_start3A_59 : memref<640xi32, #tpu.memory_space<hbm>>) target(%arg5 : memref<640xi32, #tpu.memory_space<vmem>>) target_semaphore(%run_scoped3A : memref<!tpu.dma_semaphore, #tpu.memory_space<semaphore_mem>>)
        %dma_wait3A = tpu.memref_slice %arg3[%mul3A_53] : memref<320000xi32, #tpu.memory_space<hbm>> -> memref<640xi32, #tpu.memory_space<hbm>>
        %dma_wait3A_60 = tpu.memref_slice %arg3[%mul3A_53] : memref<320000xi32, #tpu.memory_space<hbm>> -> memref<640xi32, #tpu.memory_space<hbm>>
        tpu.wait_dma2 semaphore(%run_scoped3A : memref<!tpu.dma_semaphore, #tpu.memory_space<semaphore_mem>>) src(%dma_wait3A_60 : memref<640xi32, #tpu.memory_space<hbm>>) dst(%arg5 : memref<640xi32, #tpu.memory_space<vmem>>)
        tpu.yield
      }) : () -> ()
      "tpu.region"() ({
        %run_scoped3A = tpu.sem_alloc : memref<!tpu.dma_semaphore, #tpu.memory_space<semaphore_mem>>
        %dma_start3A = tpu.memref_slice %arg2[%mul3A_19, %mul3A_53] : memref<256x320000xf32, #tpu.memory_space<hbm>> -> memref<4x640xf32, #tpu.memory_space<hbm>>
        %dma_start3A_59 = tpu.memref_slice %arg2[%mul3A_19, %mul3A_53] : memref<256x320000xf32, #tpu.memory_space<hbm>> -> memref<4x640xf32, #tpu.memory_space<hbm>>
        tpu.enqueue_dma source(%dma_start3A_59 : memref<4x640xf32, #tpu.memory_space<hbm>>) target(%arg6 : memref<4x640xf32, #tpu.memory_space<vmem>>) target_semaphore(%run_scoped3A : memref<!tpu.dma_semaphore, #tpu.memory_space<semaphore_mem>>)
        %dma_wait3A = tpu.memref_slice %arg2[%mul3A_19, %mul3A_53] : memref<256x320000xf32, #tpu.memory_space<hbm>> -> memref<4x640xf32, #tpu.memory_space<hbm>>
        %dma_wait3A_60 = tpu.memref_slice %arg2[%mul3A_19, %mul3A_53] : memref<256x320000xf32, #tpu.memory_space<hbm>> -> memref<4x640xf32, #tpu.memory_space<hbm>>
        tpu.wait_dma2 semaphore(%run_scoped3A : memref<!tpu.dma_semaphore, #tpu.memory_space<semaphore_mem>>) src(%dma_wait3A_60 : memref<4x640xf32, #tpu.memory_space<hbm>>) dst(%arg6 : memref<4x640xf32, #tpu.memory_space<vmem>>)
        tpu.yield
      }) : () -> ()
      %scan3A_54 = arith.constant 0 : i32
      %scan3A_55 = arith.constant 40 : i32
      %scan3A_56 = arith.addi %scan3A_54, %scan3A_55 : i32
      %scan3A_57 = arith.constant 1 : i32
      scf.for %scan3A_59 = %scan3A_54 to %scan3A_56 step %scan3A_57  : i32 {
        %mul3A_60 = arith.constant 16 : i32
        %mul3A_61 = arith.muli %scan3A_59, %mul3A_60 : i32
        %get3A = arith.index_cast %mul3A_61 : i32 to index
        %get3A_62 = tpu.vector_load %arg5[%get3A] {strides = array<i32>} : memref<640xi32, #tpu.memory_space<vmem>>, vector<16xi32>,
        %mul3A_63 = arith.constant 16 : i32
        %mul3A_64 = arith.muli %scan3A_59, %mul3A_63 : i32
        %add3A_65 = vector.broadcast %mul3A_64 : i32 to vector<16xi32>
        %add3A_66 = arith.addi %iota3A, %add3A_65 : vector<16xi32>
        %and3A = arith.constant 4095 : i32
        %and3A_67 = vector.broadcast %and3A : i32 to vector<16xi32>
        %and3A_68 = arith.andi %get3A_62, %and3A_67 : vector<16xi32>
        tpu.vector_store_idx %arg8[%and3A_68], %iota3A : memref<4096xi32, #tpu.memory_space<vmem>>[vector<16xi32>], vector<16xi32>,
        %gather3A = tpu.vector_load_idx %arg8[%and3A_68] : memref<4096xi32, #tpu.memory_space<vmem>>[vector<16xi32>], vector<16xi32>,
        %ne3A = arith.cmpi ne, %gather3A, %iota3A : vector<16xi32>
        %jit3A_69 = arith.constant 1 : i32
        %jit3A_70 = arith.constant 0 : i32
        %broadcast_in_dim3A_71 = vector.broadcast %jit3A_69 : i32 to vector<16xi32>
        %broadcast_in_dim3A_72 = vector.broadcast %jit3A_70 : i32 to vector<16xi32>
        %select_n3A_73 = arith.select %ne3A, %broadcast_in_dim3A_71, %broadcast_in_dim3A_72 : vector<16xi1>, vector<16xi32>
        %reduce_max3A = arith.constant true
        %reduce_max3A_74 = vector.broadcast %reduce_max3A : i1 to vector<16xi1>
        %reduce_max3A_75 = arith.constant -2147483648 : i32
        %reduce_max3A_76 = vector.broadcast %reduce_max3A_75 : i32 to vector<16xi32>
        %reduce_max3A_77 = arith.xori %select_n3A_73, %reduce_max3A_76 : vector<16xi32>
        %reduce_max3A_78 = tpu.scan <max>, %reduce_max3A_77 masked %reduce_max3A_74 : vector<16xi32>, vector<16xi1> -> vector<16xi32>
        %reduce_max3A_79 = arith.xori %reduce_max3A_78, %reduce_max3A_76 : vector<16xi32>
        %reduce_max3A_80 = vector.extract %reduce_max3A_79[15] : i32 from vector<16xi32>
        %eq3A = arith.constant 0 : i32
        %eq3A_81 = arith.cmpi eq, %reduce_max3A_80, %eq3A : i32
        %convert_element_type3A = arith.extui %eq3A_81 : i1 to i32
        %cond3A = arith.constant 0 : i32
        %cond3A_82 = arith.cmpi ne, %convert_element_type3A, %cond3A : i32
        scf.if %cond3A_82 {
          %gather3A_88 = tpu.vector_load_idx %arg6[%broadcast_in_dim3A_3, %add3A_66] : memref<4x640xf32, #tpu.memory_space<vmem>>[vector<16xi32>, vector<16xi32>], vector<16xf32>,
          %mul3A_89 = arith.mulf %gather3A_88, %mul3A_15 : vector<16xf32>
          %gather3A_90 = tpu.vector_load_idx %arg7[%broadcast_in_dim3A_3, %get3A_62] : memref<4x10000xf32, #tpu.memory_space<vmem>>[vector<16xi32>, vector<16xi32>], vector<16xf32>,
          %max3A = arith.maximumf %gather3A_90, %mul3A_89 : vector<16xf32>
          tpu.vector_store_idx %arg7[%broadcast_in_dim3A_3, %get3A_62], %max3A : memref<4x10000xf32, #tpu.memory_space<vmem>>[vector<16xi32>, vector<16xi32>], vector<16xf32>,
          %gather3A_91 = tpu.vector_load_idx %arg6[%broadcast_in_dim3A_5, %add3A_66] : memref<4x640xf32, #tpu.memory_space<vmem>>[vector<16xi32>, vector<16xi32>], vector<16xf32>,
          %mul3A_92 = arith.mulf %gather3A_91, %mul3A_15 : vector<16xf32>
          %gather3A_93 = tpu.vector_load_idx %arg7[%broadcast_in_dim3A_5, %get3A_62] : memref<4x10000xf32, #tpu.memory_space<vmem>>[vector<16xi32>, vector<16xi32>], vector<16xf32>,
          %max3A_94 = arith.maximumf %gather3A_93, %mul3A_92 : vector<16xf32>
          tpu.vector_store_idx %arg7[%broadcast_in_dim3A_5, %get3A_62], %max3A_94 : memref<4x10000xf32, #tpu.memory_space<vmem>>[vector<16xi32>, vector<16xi32>], vector<16xf32>,
          %gather3A_95 = tpu.vector_load_idx %arg6[%broadcast_in_dim3A_7, %add3A_66] : memref<4x640xf32, #tpu.memory_space<vmem>>[vector<16xi32>, vector<16xi32>], vector<16xf32>,
          %mul3A_96 = arith.mulf %gather3A_95, %mul3A_15 : vector<16xf32>
          %gather3A_97 = tpu.vector_load_idx %arg7[%broadcast_in_dim3A_7, %get3A_62] : memref<4x10000xf32, #tpu.memory_space<vmem>>[vector<16xi32>, vector<16xi32>], vector<16xf32>,
          %max3A_98 = arith.maximumf %gather3A_97, %mul3A_96 : vector<16xf32>
          tpu.vector_store_idx %arg7[%broadcast_in_dim3A_7, %get3A_62], %max3A_98 : memref<4x10000xf32, #tpu.memory_space<vmem>>[vector<16xi32>, vector<16xi32>], vector<16xf32>,
          %gather3A_99 = tpu.vector_load_idx %arg6[%broadcast_in_dim3A_9, %add3A_66] : memref<4x640xf32, #tpu.memory_space<vmem>>[vector<16xi32>, vector<16xi32>], vector<16xf32>,
          %mul3A_100 = arith.mulf %gather3A_99, %mul3A_15 : vector<16xf32>
          %gather3A_101 = tpu.vector_load_idx %arg7[%broadcast_in_dim3A_9, %get3A_62] : memref<4x10000xf32, #tpu.memory_space<vmem>>[vector<16xi32>, vector<16xi32>], vector<16xf32>,
          %max3A_102 = arith.maximumf %gather3A_101, %mul3A_100 : vector<16xf32>
          tpu.vector_store_idx %arg7[%broadcast_in_dim3A_9, %get3A_62], %max3A_102 : memref<4x10000xf32, #tpu.memory_space<vmem>>[vector<16xi32>, vector<16xi32>], vector<16xf32>,
        } else {
        }
        %ne3A_83 = arith.constant 0 : i32
        %ne3A_84 = arith.cmpi ne, %reduce_max3A_80, %ne3A_83 : i32
        %convert_element_type3A_85 = arith.extui %ne3A_84 : i1 to i32
        %cond3A_86 = arith.constant 0 : i32
        %cond3A_87 = arith.cmpi ne, %convert_element_type3A_85, %cond3A_86 : i32
        scf.if %cond3A_87 {
          %scan3A_88 = arith.constant 0 : i32
          %scan3A_89 = arith.constant 16 : i32
          %scan3A_90 = arith.addi %scan3A_88, %scan3A_89 : i32
          %scan3A_91 = arith.constant 1 : i32
          scf.for %scan3A_93 = %scan3A_88 to %scan3A_90 step %scan3A_91  : i32 {
            %eq3A_94 = vector.broadcast %scan3A_93 : i32 to vector<16xi32>
            %eq3A_95 = arith.cmpi eq, %iota3A, %eq3A_94 : vector<16xi32>
            %gather3A_96 = tpu.vector_load_idx %arg6[%broadcast_in_dim3A_3, %add3A_66] : memref<4x640xf32, #tpu.memory_space<vmem>>[vector<16xi32>, vector<16xi32>], vector<16xf32>,
            %mul3A_97 = arith.mulf %gather3A_96, %mul3A_15 : vector<16xf32>
            %gather3A_98 = tpu.vector_load_idx %arg7[%broadcast_in_dim3A_3, %get3A_62] : memref<4x10000xf32, #tpu.memory_space<vmem>>[vector<16xi32>, vector<16xi32>], vector<16xf32>,
            %max3A = arith.maximumf %gather3A_98, %mul3A_97 : vector<16xf32>
            tpu.vector_store_idx %arg7[%broadcast_in_dim3A_3, %get3A_62], %max3A masked %eq3A_95 : memref<4x10000xf32, #tpu.memory_space<vmem>>[vector<16xi32>, vector<16xi32>], vector<16xf32>, vector<16xi1>
            %gather3A_99 = tpu.vector_load_idx %arg6[%broadcast_in_dim3A_5, %add3A_66] : memref<4x640xf32, #tpu.memory_space<vmem>>[vector<16xi32>, vector<16xi32>], vector<16xf32>,
            %mul3A_100 = arith.mulf %gather3A_99, %mul3A_15 : vector<16xf32>
            %gather3A_101 = tpu.vector_load_idx %arg7[%broadcast_in_dim3A_5, %get3A_62] : memref<4x10000xf32, #tpu.memory_space<vmem>>[vector<16xi32>, vector<16xi32>], vector<16xf32>,
            %max3A_102 = arith.maximumf %gather3A_101, %mul3A_100 : vector<16xf32>
            tpu.vector_store_idx %arg7[%broadcast_in_dim3A_5, %get3A_62], %max3A_102 masked %eq3A_95 : memref<4x10000xf32, #tpu.memory_space<vmem>>[vector<16xi32>, vector<16xi32>], vector<16xf32>, vector<16xi1>
            %gather3A_103 = tpu.vector_load_idx %arg6[%broadcast_in_dim3A_7, %add3A_66] : memref<4x640xf32, #tpu.memory_space<vmem>>[vector<16xi32>, vector<16xi32>], vector<16xf32>,
            %mul3A_104 = arith.mulf %gather3A_103, %mul3A_15 : vector<16xf32>
            %gather3A_105 = tpu.vector_load_idx %arg7[%broadcast_in_dim3A_7, %get3A_62] : memref<4x10000xf32, #tpu.memory_space<vmem>>[vector<16xi32>, vector<16xi32>], vector<16xf32>,
            %max3A_106 = arith.maximumf %gather3A_105, %mul3A_104 : vector<16xf32>
            tpu.vector_store_idx %arg7[%broadcast_in_dim3A_7, %get3A_62], %max3A_106 masked %eq3A_95 : memref<4x10000xf32, #tpu.memory_space<vmem>>[vector<16xi32>, vector<16xi32>], vector<16xf32>, vector<16xi1>
            %gather3A_107 = tpu.vector_load_idx %arg6[%broadcast_in_dim3A_9, %add3A_66] : memref<4x640xf32, #tpu.memory_space<vmem>>[vector<16xi32>, vector<16xi32>], vector<16xf32>,
            %mul3A_108 = arith.mulf %gather3A_107, %mul3A_15 : vector<16xf32>
            %gather3A_109 = tpu.vector_load_idx %arg7[%broadcast_in_dim3A_9, %get3A_62] : memref<4x10000xf32, #tpu.memory_space<vmem>>[vector<16xi32>, vector<16xi32>], vector<16xf32>,
            %max3A_110 = arith.maximumf %gather3A_109, %mul3A_108 : vector<16xf32>
            tpu.vector_store_idx %arg7[%broadcast_in_dim3A_9, %get3A_62], %max3A_110 masked %eq3A_95 : memref<4x10000xf32, #tpu.memory_space<vmem>>[vector<16xi32>, vector<16xi32>], vector<16xf32>, vector<16xi1>
          }
          %scan3A_92 = arith.constant 16 : i32
        } else {
        }
      }
      %scan3A_58 = arith.constant 40 : i32
    }
    %scan3A_28 = arith.constant 500 : i32
    "tpu.region"() ({
      %run_scoped3A = tpu.sem_alloc : memref<!tpu.dma_semaphore, #tpu.memory_space<semaphore_mem>>
      %dma_start3A = arith.constant 0 : i32
      %dma_start3A_51 = tpu.memref_slice %arg4[%mul3A_19, %dma_start3A] : memref<256x10000xf32, #tpu.memory_space<hbm>> -> memref<4x10000xf32, #tpu.memory_space<hbm>>
      %dma_start3A_52 = arith.constant 0 : i32
      %dma_start3A_53 = tpu.memref_slice %arg4[%mul3A_19, %dma_start3A_52] : memref<256x10000xf32, #tpu.memory_space<hbm>> -> memref<4x10000xf32, #tpu.memory_space<hbm>>
      tpu.enqueue_dma source(%arg7 : memref<4x10000xf32, #tpu.memory_space<vmem>>) target(%dma_start3A_53 : memref<4x10000xf32, #tpu.memory_space<hbm>>) target_semaphore(%run_scoped3A : memref<!tpu.dma_semaphore, #tpu.memory_space<semaphore_mem>>)
      %dma_wait3A = arith.constant 0 : i32
      %dma_wait3A_54 = tpu.memref_slice %arg4[%mul3A_19, %dma_wait3A] : memref<256x10000xf32, #tpu.memory_space<hbm>> -> memref<4x10000xf32, #tpu.memory_space<hbm>>
      %dma_wait3A_55 = arith.constant 0 : i32
      %dma_wait3A_56 = tpu.memref_slice %arg4[%mul3A_19, %dma_wait3A_55] : memref<256x10000xf32, #tpu.memory_space<hbm>> -> memref<4x10000xf32, #tpu.memory_space<hbm>>
      tpu.wait_dma2 semaphore(%run_scoped3A : memref<!tpu.dma_semaphore, #tpu.memory_space<semaphore_mem>>) src(%arg7 : memref<4x10000xf32, #tpu.memory_space<vmem>>) dst(%dma_wait3A_56 : memref<4x10000xf32, #tpu.memory_space<hbm>>)
      tpu.yield
    }) : () -> ()
    %jit3A_29 = arith.constant false
    %jit3A_30 = arith.constant 1.000000e+00 : f32
    %jit3A_31 = arith.constant -1.000000e+00 : f32
    %select_n3A_32 = arith.select %jit3A_29, %jit3A_30, %jit3A_31 : f32
    %broadcast_in_dim3A_33 = arith.constant 1.000000e+00 : f32
    %broadcast_in_dim3A_34 = vector.broadcast %broadcast_in_dim3A_33 : f32 to vector<16xf32>
    %mul3A_35 = vector.broadcast %select_n3A_32 : f32 to vector<16xf32>
    %mul3A_36 = arith.mulf %broadcast_in_dim3A_34, %mul3A_35 : vector<16xf32>
    %add3A_37 = arith.constant 32 : i32
    %add3A_38 = arith.addi %add3A, %add3A_37 : i32
    %mul3A_39 = arith.constant 4 : i32
    %mul3A_40 = arith.muli %add3A_38, %mul3A_39 : i32
    %scan3A_41 = arith.constant 0 : i32
    %scan3A_42 = arith.constant 2500 : i32
    %scan3A_43 = arith.addi %scan3A_41, %scan3A_42 : i32
    %scan3A_44 = arith.constant 1 : i32
    scf.for %scan3A_51 = %scan3A_41 to %scan3A_43 step %scan3A_44  : i32 {
      %jit3A_52 = arith.constant 625 : i32
      %div3A = arith.divsi %scan3A_51, %jit3A_52 : i32
      %sign3A = arith.constant 0 : i32
      %sign3A_53 = arith.cmpi sgt, %scan3A_51, %sign3A : i32
      %sign3A_54 = arith.extui %sign3A_53 : i1 to i32
      %sign3A_55 = arith.constant 0 : i32
      %sign3A_56 = arith.cmpi slt, %scan3A_51, %sign3A_55 : i32
      %sign3A_57 = arith.extui %sign3A_56 : i1 to i32
      %sign3A_58 = arith.subi %sign3A_54, %sign3A_57 : i32
      %sign3A_59 = arith.constant 0 : i32
      %sign3A_60 = arith.cmpi sgt, %jit3A_52, %sign3A_59 : i32
      %sign3A_61 = arith.extui %sign3A_60 : i1 to i32
      %sign3A_62 = arith.constant 0 : i32
      %sign3A_63 = arith.cmpi slt, %jit3A_52, %sign3A_62 : i32
      %sign3A_64 = arith.extui %sign3A_63 : i1 to i32
      %sign3A_65 = arith.subi %sign3A_61, %sign3A_64 : i32
      %ne3A = arith.cmpi ne, %sign3A_58, %sign3A_65 : i32
      %rem3A = arith.remsi %scan3A_51, %jit3A_52 : i32
      %ne3A_66 = arith.constant 0 : i32
      %ne3A_67 = arith.cmpi ne, %rem3A, %ne3A_66 : i32
      %and3A = arith.andi %ne3A, %ne3A_67 : i1
      %sub3A = arith.constant 1 : i32
      %sub3A_68 = arith.subi %div3A, %sub3A : i32
      %select_n3A_69 = arith.select %and3A, %sub3A_68, %div3A : i32
      %jit3A_70 = arith.constant 625 : i32
      %eq3A = arith.constant 0 : i32
      %eq3A_71 = arith.cmpi eq, %jit3A_70, %eq3A : i32
      %jit3A_72 = arith.constant 1 : i32
      %select_n3A_73 = arith.select %eq3A_71, %jit3A_72, %jit3A_70 : i32
      %rem3A_74 = arith.remsi %scan3A_51, %select_n3A_73 : i32
      %ne3A_75 = arith.constant 0 : i32
      %ne3A_76 = arith.cmpi ne, %rem3A_74, %ne3A_75 : i32
      %lt3A = arith.constant 0 : i32
      %lt3A_77 = arith.cmpi slt, %rem3A_74, %lt3A : i32
      %lt3A_78 = arith.constant 0 : i32
      %lt3A_79 = arith.cmpi slt, %select_n3A_73, %lt3A_78 : i32
      %ne3A_80 = arith.xori %lt3A_77, %lt3A_79 : i1
      %and3A_81 = arith.andi %ne3A_80, %ne3A_76 : i1
      %add3A_82 = arith.addi %rem3A_74, %select_n3A_73 : i32
      %select_n3A_83 = arith.select %and3A_81, %add3A_82, %rem3A_74 : i32
      %mul3A_84 = arith.constant 16 : i32
      %mul3A_85 = arith.muli %select_n3A_83, %mul3A_84 : i32
      %swap3A = arith.index_cast %select_n3A_69 : i32 to index
      %swap3A_86 = arith.index_cast %mul3A_85 : i32 to index
      %swap3A_87 = tpu.vector_load %arg7[%swap3A, %swap3A_86] {strides = array<i32>} : memref<4x10000xf32, #tpu.memory_space<vmem>>, vector<16xf32>,
      tpu.vector_store %arg7[%swap3A, %swap3A_86], %broadcast_in_dim3A_1 {strides = array<i32>} : memref<4x10000xf32, #tpu.memory_space<vmem>>, vector<16xf32>,
    }
    %scan3A_45 = arith.constant 2500 : i32
    %scan3A_46 = arith.constant 0 : i32
    %scan3A_47 = arith.constant 500 : i32
    %scan3A_48 = arith.addi %scan3A_46, %scan3A_47 : i32
    %scan3A_49 = arith.constant 1 : i32
    scf.for %scan3A_51 = %scan3A_46 to %scan3A_48 step %scan3A_49  : i32 {
      %mul3A_52 = arith.constant 640 : i32
      %mul3A_53 = arith.muli %scan3A_51, %mul3A_52 : i32
      "tpu.region"() ({
        %run_scoped3A = tpu.sem_alloc : memref<!tpu.dma_semaphore, #tpu.memory_space<semaphore_mem>>
        %dma_start3A = tpu.memref_slice %arg3[%mul3A_53] : memref<320000xi32, #tpu.memory_space<hbm>> -> memref<640xi32, #tpu.memory_space<hbm>>
        %dma_start3A_59 = tpu.memref_slice %arg3[%mul3A_53] : memref<320000xi32, #tpu.memory_space<hbm>> -> memref<640xi32, #tpu.memory_space<hbm>>
        tpu.enqueue_dma source(%dma_start3A_59 : memref<640xi32, #tpu.memory_space<hbm>>) target(%arg5 : memref<640xi32, #tpu.memory_space<vmem>>) target_semaphore(%run_scoped3A : memref<!tpu.dma_semaphore, #tpu.memory_space<semaphore_mem>>)
        %dma_wait3A = tpu.memref_slice %arg3[%mul3A_53] : memref<320000xi32, #tpu.memory_space<hbm>> -> memref<640xi32, #tpu.memory_space<hbm>>
        %dma_wait3A_60 = tpu.memref_slice %arg3[%mul3A_53] : memref<320000xi32, #tpu.memory_space<hbm>> -> memref<640xi32, #tpu.memory_space<hbm>>
        tpu.wait_dma2 semaphore(%run_scoped3A : memref<!tpu.dma_semaphore, #tpu.memory_space<semaphore_mem>>) src(%dma_wait3A_60 : memref<640xi32, #tpu.memory_space<hbm>>) dst(%arg5 : memref<640xi32, #tpu.memory_space<vmem>>)
        tpu.yield
      }) : () -> ()
      "tpu.region"() ({
        %run_scoped3A = tpu.sem_alloc : memref<!tpu.dma_semaphore, #tpu.memory_space<semaphore_mem>>
        %dma_start3A = tpu.memref_slice %arg2[%mul3A_40, %mul3A_53] : memref<256x320000xf32, #tpu.memory_space<hbm>> -> memref<4x640xf32, #tpu.memory_space<hbm>>
        %dma_start3A_59 = tpu.memref_slice %arg2[%mul3A_40, %mul3A_53] : memref<256x320000xf32, #tpu.memory_space<hbm>> -> memref<4x640xf32, #tpu.memory_space<hbm>>
        tpu.enqueue_dma source(%dma_start3A_59 : memref<4x640xf32, #tpu.memory_space<hbm>>) target(%arg6 : memref<4x640xf32, #tpu.memory_space<vmem>>) target_semaphore(%run_scoped3A : memref<!tpu.dma_semaphore, #tpu.memory_space<semaphore_mem>>)
        %dma_wait3A = tpu.memref_slice %arg2[%mul3A_40, %mul3A_53] : memref<256x320000xf32, #tpu.memory_space<hbm>> -> memref<4x640xf32, #tpu.memory_space<hbm>>
        %dma_wait3A_60 = tpu.memref_slice %arg2[%mul3A_40, %mul3A_53] : memref<256x320000xf32, #tpu.memory_space<hbm>> -> memref<4x640xf32, #tpu.memory_space<hbm>>
        tpu.wait_dma2 semaphore(%run_scoped3A : memref<!tpu.dma_semaphore, #tpu.memory_space<semaphore_mem>>) src(%dma_wait3A_60 : memref<4x640xf32, #tpu.memory_space<hbm>>) dst(%arg6 : memref<4x640xf32, #tpu.memory_space<vmem>>)
        tpu.yield
      }) : () -> ()
      %scan3A_54 = arith.constant 0 : i32
      %scan3A_55 = arith.constant 40 : i32
      %scan3A_56 = arith.addi %scan3A_54, %scan3A_55 : i32
      %scan3A_57 = arith.constant 1 : i32
      scf.for %scan3A_59 = %scan3A_54 to %scan3A_56 step %scan3A_57  : i32 {
        %mul3A_60 = arith.constant 16 : i32
        %mul3A_61 = arith.muli %scan3A_59, %mul3A_60 : i32
        %get3A = arith.index_cast %mul3A_61 : i32 to index
        %get3A_62 = tpu.vector_load %arg5[%get3A] {strides = array<i32>} : memref<640xi32, #tpu.memory_space<vmem>>, vector<16xi32>,
        %mul3A_63 = arith.constant 16 : i32
        %mul3A_64 = arith.muli %scan3A_59, %mul3A_63 : i32
        %add3A_65 = vector.broadcast %mul3A_64 : i32 to vector<16xi32>
        %add3A_66 = arith.addi %iota3A, %add3A_65 : vector<16xi32>
        %and3A = arith.constant 4095 : i32
        %and3A_67 = vector.broadcast %and3A : i32 to vector<16xi32>
        %and3A_68 = arith.andi %get3A_62, %and3A_67 : vector<16xi32>
        tpu.vector_store_idx %arg8[%and3A_68], %iota3A : memref<4096xi32, #tpu.memory_space<vmem>>[vector<16xi32>], vector<16xi32>,
        %gather3A = tpu.vector_load_idx %arg8[%and3A_68] : memref<4096xi32, #tpu.memory_space<vmem>>[vector<16xi32>], vector<16xi32>,
        %ne3A = arith.cmpi ne, %gather3A, %iota3A : vector<16xi32>
        %jit3A_69 = arith.constant 1 : i32
        %jit3A_70 = arith.constant 0 : i32
        %broadcast_in_dim3A_71 = vector.broadcast %jit3A_69 : i32 to vector<16xi32>
        %broadcast_in_dim3A_72 = vector.broadcast %jit3A_70 : i32 to vector<16xi32>
        %select_n3A_73 = arith.select %ne3A, %broadcast_in_dim3A_71, %broadcast_in_dim3A_72 : vector<16xi1>, vector<16xi32>
        %reduce_max3A = arith.constant true
        %reduce_max3A_74 = vector.broadcast %reduce_max3A : i1 to vector<16xi1>
        %reduce_max3A_75 = arith.constant -2147483648 : i32
        %reduce_max3A_76 = vector.broadcast %reduce_max3A_75 : i32 to vector<16xi32>
        %reduce_max3A_77 = arith.xori %select_n3A_73, %reduce_max3A_76 : vector<16xi32>
        %reduce_max3A_78 = tpu.scan <max>, %reduce_max3A_77 masked %reduce_max3A_74 : vector<16xi32>, vector<16xi1> -> vector<16xi32>
        %reduce_max3A_79 = arith.xori %reduce_max3A_78, %reduce_max3A_76 : vector<16xi32>
        %reduce_max3A_80 = vector.extract %reduce_max3A_79[15] : i32 from vector<16xi32>
        %eq3A = arith.constant 0 : i32
        %eq3A_81 = arith.cmpi eq, %reduce_max3A_80, %eq3A : i32
        %convert_element_type3A = arith.extui %eq3A_81 : i1 to i32
        %cond3A = arith.constant 0 : i32
        %cond3A_82 = arith.cmpi ne, %convert_element_type3A, %cond3A : i32
        scf.if %cond3A_82 {
          %gather3A_88 = tpu.vector_load_idx %arg6[%broadcast_in_dim3A_3, %add3A_66] : memref<4x640xf32, #tpu.memory_space<vmem>>[vector<16xi32>, vector<16xi32>], vector<16xf32>,
          %mul3A_89 = arith.mulf %gather3A_88, %mul3A_36 : vector<16xf32>
          %gather3A_90 = tpu.vector_load_idx %arg7[%broadcast_in_dim3A_3, %get3A_62] : memref<4x10000xf32, #tpu.memory_space<vmem>>[vector<16xi32>, vector<16xi32>], vector<16xf32>,
          %max3A = arith.maximumf %gather3A_90, %mul3A_89 : vector<16xf32>
          tpu.vector_store_idx %arg7[%broadcast_in_dim3A_3, %get3A_62], %max3A : memref<4x10000xf32, #tpu.memory_space<vmem>>[vector<16xi32>, vector<16xi32>], vector<16xf32>,
          %gather3A_91 = tpu.vector_load_idx %arg6[%broadcast_in_dim3A_5, %add3A_66] : memref<4x640xf32, #tpu.memory_space<vmem>>[vector<16xi32>, vector<16xi32>], vector<16xf32>,
          %mul3A_92 = arith.mulf %gather3A_91, %mul3A_36 : vector<16xf32>
          %gather3A_93 = tpu.vector_load_idx %arg7[%broadcast_in_dim3A_5, %get3A_62] : memref<4x10000xf32, #tpu.memory_space<vmem>>[vector<16xi32>, vector<16xi32>], vector<16xf32>,
          %max3A_94 = arith.maximumf %gather3A_93, %mul3A_92 : vector<16xf32>
          tpu.vector_store_idx %arg7[%broadcast_in_dim3A_5, %get3A_62], %max3A_94 : memref<4x10000xf32, #tpu.memory_space<vmem>>[vector<16xi32>, vector<16xi32>], vector<16xf32>,
          %gather3A_95 = tpu.vector_load_idx %arg6[%broadcast_in_dim3A_7, %add3A_66] : memref<4x640xf32, #tpu.memory_space<vmem>>[vector<16xi32>, vector<16xi32>], vector<16xf32>,
          %mul3A_96 = arith.mulf %gather3A_95, %mul3A_36 : vector<16xf32>
          %gather3A_97 = tpu.vector_load_idx %arg7[%broadcast_in_dim3A_7, %get3A_62] : memref<4x10000xf32, #tpu.memory_space<vmem>>[vector<16xi32>, vector<16xi32>], vector<16xf32>,
          %max3A_98 = arith.maximumf %gather3A_97, %mul3A_96 : vector<16xf32>
          tpu.vector_store_idx %arg7[%broadcast_in_dim3A_7, %get3A_62], %max3A_98 : memref<4x10000xf32, #tpu.memory_space<vmem>>[vector<16xi32>, vector<16xi32>], vector<16xf32>,
          %gather3A_99 = tpu.vector_load_idx %arg6[%broadcast_in_dim3A_9, %add3A_66] : memref<4x640xf32, #tpu.memory_space<vmem>>[vector<16xi32>, vector<16xi32>], vector<16xf32>,
          %mul3A_100 = arith.mulf %gather3A_99, %mul3A_36 : vector<16xf32>
          %gather3A_101 = tpu.vector_load_idx %arg7[%broadcast_in_dim3A_9, %get3A_62] : memref<4x10000xf32, #tpu.memory_space<vmem>>[vector<16xi32>, vector<16xi32>], vector<16xf32>,
          %max3A_102 = arith.maximumf %gather3A_101, %mul3A_100 : vector<16xf32>
          tpu.vector_store_idx %arg7[%broadcast_in_dim3A_9, %get3A_62], %max3A_102 : memref<4x10000xf32, #tpu.memory_space<vmem>>[vector<16xi32>, vector<16xi32>], vector<16xf32>,
        } else {
        }
        %ne3A_83 = arith.constant 0 : i32
        %ne3A_84 = arith.cmpi ne, %reduce_max3A_80, %ne3A_83 : i32
        %convert_element_type3A_85 = arith.extui %ne3A_84 : i1 to i32
        %cond3A_86 = arith.constant 0 : i32
        %cond3A_87 = arith.cmpi ne, %convert_element_type3A_85, %cond3A_86 : i32
        scf.if %cond3A_87 {
          %scan3A_88 = arith.constant 0 : i32
          %scan3A_89 = arith.constant 16 : i32
          %scan3A_90 = arith.addi %scan3A_88, %scan3A_89 : i32
          %scan3A_91 = arith.constant 1 : i32
          scf.for %scan3A_93 = %scan3A_88 to %scan3A_90 step %scan3A_91  : i32 {
            %eq3A_94 = vector.broadcast %scan3A_93 : i32 to vector<16xi32>
            %eq3A_95 = arith.cmpi eq, %iota3A, %eq3A_94 : vector<16xi32>
            %gather3A_96 = tpu.vector_load_idx %arg6[%broadcast_in_dim3A_3, %add3A_66] : memref<4x640xf32, #tpu.memory_space<vmem>>[vector<16xi32>, vector<16xi32>], vector<16xf32>,
            %mul3A_97 = arith.mulf %gather3A_96, %mul3A_36 : vector<16xf32>
            %gather3A_98 = tpu.vector_load_idx %arg7[%broadcast_in_dim3A_3, %get3A_62] : memref<4x10000xf32, #tpu.memory_space<vmem>>[vector<16xi32>, vector<16xi32>], vector<16xf32>,
            %max3A = arith.maximumf %gather3A_98, %mul3A_97 : vector<16xf32>
            tpu.vector_store_idx %arg7[%broadcast_in_dim3A_3, %get3A_62], %max3A masked %eq3A_95 : memref<4x10000xf32, #tpu.memory_space<vmem>>[vector<16xi32>, vector<16xi32>], vector<16xf32>, vector<16xi1>
            %gather3A_99 = tpu.vector_load_idx %arg6[%broadcast_in_dim3A_5, %add3A_66] : memref<4x640xf32, #tpu.memory_space<vmem>>[vector<16xi32>, vector<16xi32>], vector<16xf32>,
            %mul3A_100 = arith.mulf %gather3A_99, %mul3A_36 : vector<16xf32>
            %gather3A_101 = tpu.vector_load_idx %arg7[%broadcast_in_dim3A_5, %get3A_62] : memref<4x10000xf32, #tpu.memory_space<vmem>>[vector<16xi32>, vector<16xi32>], vector<16xf32>,
            %max3A_102 = arith.maximumf %gather3A_101, %mul3A_100 : vector<16xf32>
            tpu.vector_store_idx %arg7[%broadcast_in_dim3A_5, %get3A_62], %max3A_102 masked %eq3A_95 : memref<4x10000xf32, #tpu.memory_space<vmem>>[vector<16xi32>, vector<16xi32>], vector<16xf32>, vector<16xi1>
            %gather3A_103 = tpu.vector_load_idx %arg6[%broadcast_in_dim3A_7, %add3A_66] : memref<4x640xf32, #tpu.memory_space<vmem>>[vector<16xi32>, vector<16xi32>], vector<16xf32>,
            %mul3A_104 = arith.mulf %gather3A_103, %mul3A_36 : vector<16xf32>
            %gather3A_105 = tpu.vector_load_idx %arg7[%broadcast_in_dim3A_7, %get3A_62] : memref<4x10000xf32, #tpu.memory_space<vmem>>[vector<16xi32>, vector<16xi32>], vector<16xf32>,
            %max3A_106 = arith.maximumf %gather3A_105, %mul3A_104 : vector<16xf32>
            tpu.vector_store_idx %arg7[%broadcast_in_dim3A_7, %get3A_62], %max3A_106 masked %eq3A_95 : memref<4x10000xf32, #tpu.memory_space<vmem>>[vector<16xi32>, vector<16xi32>], vector<16xf32>, vector<16xi1>
            %gather3A_107 = tpu.vector_load_idx %arg6[%broadcast_in_dim3A_9, %add3A_66] : memref<4x640xf32, #tpu.memory_space<vmem>>[vector<16xi32>, vector<16xi32>], vector<16xf32>,
            %mul3A_108 = arith.mulf %gather3A_107, %mul3A_36 : vector<16xf32>
            %gather3A_109 = tpu.vector_load_idx %arg7[%broadcast_in_dim3A_9, %get3A_62] : memref<4x10000xf32, #tpu.memory_space<vmem>>[vector<16xi32>, vector<16xi32>], vector<16xf32>,
            %max3A_110 = arith.maximumf %gather3A_109, %mul3A_108 : vector<16xf32>
            tpu.vector_store_idx %arg7[%broadcast_in_dim3A_9, %get3A_62], %max3A_110 masked %eq3A_95 : memref<4x10000xf32, #tpu.memory_space<vmem>>[vector<16xi32>, vector<16xi32>], vector<16xf32>, vector<16xi1>
          }
          %scan3A_92 = arith.constant 16 : i32
        } else {
        }
      }
      %scan3A_58 = arith.constant 40 : i32
    }
    %scan3A_50 = arith.constant 500 : i32
    "tpu.region"() ({
      %run_scoped3A = tpu.sem_alloc : memref<!tpu.dma_semaphore, #tpu.memory_space<semaphore_mem>>
      %dma_start3A = arith.constant 0 : i32
      %dma_start3A_51 = tpu.memref_slice %arg4[%mul3A_40, %dma_start3A] : memref<256x10000xf32, #tpu.memory_space<hbm>> -> memref<4x10000xf32, #tpu.memory_space<hbm>>
      %dma_start3A_52 = arith.constant 0 : i32
      %dma_start3A_53 = tpu.memref_slice %arg4[%mul3A_40, %dma_start3A_52] : memref<256x10000xf32, #tpu.memory_space<hbm>> -> memref<4x10000xf32, #tpu.memory_space<hbm>>
      tpu.enqueue_dma source(%arg7 : memref<4x10000xf32, #tpu.memory_space<vmem>>) target(%dma_start3A_53 : memref<4x10000xf32, #tpu.memory_space<hbm>>) target_semaphore(%run_scoped3A : memref<!tpu.dma_semaphore, #tpu.memory_space<semaphore_mem>>)
      %dma_wait3A = arith.constant 0 : i32
      %dma_wait3A_54 = tpu.memref_slice %arg4[%mul3A_40, %dma_wait3A] : memref<256x10000xf32, #tpu.memory_space<hbm>> -> memref<4x10000xf32, #tpu.memory_space<hbm>>
      %dma_wait3A_55 = arith.constant 0 : i32
      %dma_wait3A_56 = tpu.memref_slice %arg4[%mul3A_40, %dma_wait3A_55] : memref<256x10000xf32, #tpu.memory_space<hbm>> -> memref<4x10000xf32, #tpu.memory_space<hbm>>
      tpu.wait_dma2 semaphore(%run_scoped3A : memref<!tpu.dma_semaphore, #tpu.memory_space<semaphore_mem>>) src(%arg7 : memref<4x10000xf32, #tpu.memory_space<vmem>>) dst(%dma_wait3A_56 : memref<4x10000xf32, #tpu.memory_space<hbm>>)
      tpu.yield
    }) : () -> ()
    return
  }
}

#map = affine_map<(d0, d1) -> (0, 0)>
#map1 = affine_map<(d0, d1) -> (0)>
module attributes {stable_mosaic.version = 14 : i64} {
  func.func @k(%arg0: i32, %arg1: i32, %arg2: memref<320000x128xf32, #tpu.memory_space<hbm>>, %arg3: memref<320000x128xf32, #tpu.memory_space<hbm>>, %arg4: memref<320000xi32, #tpu.memory_space<hbm>>, %arg5: memref<200x128xf32, #tpu.memory_space<hbm>>, %arg6: memref<80x128xf32, #tpu.memory_space<hbm>>, %arg7: memref<10000x128xf32, #tpu.memory_space<hbm>>, %arg8: memref<10000x128xf32, #tpu.memory_space<hbm>>, %arg9: memref<10000x128xf32, #tpu.memory_space<hbm>>, %arg10: memref<160xi32, #tpu.memory_space<vmem>>, %arg11: memref<160xi32, #tpu.memory_space<vmem>>, %arg12: memref<160x128xf32, #tpu.memory_space<vmem>>, %arg13: memref<80x128xf32, #tpu.memory_space<vmem>>, %arg14: memref<5016x128xf32, #tpu.memory_space<vmem_shared>>) attributes {dimension_semantics = [#tpu.dimension_semantics<core_parallel>, #tpu.dimension_semantics<subcore_parallel>], iteration_bounds = array<i64: 2, 16>, scalar_prefetch = 0 : i64, scratch_operands = 5 : i64, tpu.core_type = #tpu.core_type<sc_vector_subcore>, window_params = [{transform_indices = #map}, {transform_indices = #map}, {transform_indices = #map1}, {transform_indices = #map}, {transform_indices = #map}, {transform_indices = #map}, {transform_indices = #map}, {transform_indices = #map}]} {
    %sub3A = arith.constant 24 : i32
    %sub3A_0 = arith.subi %sub3A, %arg1 : i32
    %jit3A = arith.constant 16 : i32
    %div3A = arith.divsi %sub3A_0, %jit3A : i32
    %sign3A = arith.constant 0 : i32
    %sign3A_1 = arith.cmpi sgt, %sub3A_0, %sign3A : i32
    %sign3A_2 = arith.extui %sign3A_1 : i1 to i32
    %sign3A_3 = arith.constant 0 : i32
    %sign3A_4 = arith.cmpi slt, %sub3A_0, %sign3A_3 : i32
    %sign3A_5 = arith.extui %sign3A_4 : i1 to i32
    %sign3A_6 = arith.subi %sign3A_2, %sign3A_5 : i32
    %sign3A_7 = arith.constant 0 : i32
    %sign3A_8 = arith.cmpi sgt, %jit3A, %sign3A_7 : i32
    %sign3A_9 = arith.extui %sign3A_8 : i1 to i32
    %sign3A_10 = arith.constant 0 : i32
    %sign3A_11 = arith.cmpi slt, %jit3A, %sign3A_10 : i32
    %sign3A_12 = arith.extui %sign3A_11 : i1 to i32
    %sign3A_13 = arith.subi %sign3A_9, %sign3A_12 : i32
    %ne3A = arith.cmpi ne, %sign3A_6, %sign3A_13 : i32
    %rem3A = arith.remsi %sub3A_0, %jit3A : i32
    %ne3A_14 = arith.constant 0 : i32
    %ne3A_15 = arith.cmpi ne, %rem3A, %ne3A_14 : i32
    %and3A = arith.andi %ne3A, %ne3A_15 : i1
    %sub3A_16 = arith.constant 1 : i32
    %sub3A_17 = arith.subi %div3A, %sub3A_16 : i32
    %select_n3A = arith.select %and3A, %sub3A_17, %div3A : i32
    %add3A = arith.constant 1 : i32
    %add3A_18 = arith.addi %select_n3A, %add3A : i32
    "tpu.region"() ({
      %run_scoped3A = tpu.sem_alloc : memref<!tpu.dma_semaphore, #tpu.memory_space<semaphore_mem>>
      tpu.enqueue_dma source(%arg6 : memref<80x128xf32, #tpu.memory_space<hbm>>) target(%arg13 : memref<80x128xf32, #tpu.memory_space<vmem>>) target_semaphore(%run_scoped3A : memref<!tpu.dma_semaphore, #tpu.memory_space<semaphore_mem>>)
      tpu.wait_dma2 semaphore(%run_scoped3A : memref<!tpu.dma_semaphore, #tpu.memory_space<semaphore_mem>>) src(%arg6 : memref<80x128xf32, #tpu.memory_space<hbm>>) dst(%arg13 : memref<80x128xf32, #tpu.memory_space<vmem>>)
      tpu.yield
    }) : () -> ()
    %while3A = arith.constant 0 : i32
    %while3A_19 = arith.subi %add3A_18, %while3A : i32
    %while3A_20 = arith.addi %while3A, %while3A_19 : i32
    %while3A_21 = arith.constant 1 : i32
    %while3A_22 = arith.divsi %while3A_19, %while3A_21 : i32
    %while3A_23 = arith.muli %while3A_22, %while3A_21 : i32
    %while3A_24 = arith.addi %while3A, %while3A_23 : i32
    %while3A_25 = arith.constant 1 : i32
    scf.for %while3A_131 = %while3A to %while3A_24 step %while3A_25  : i32 {
      %mul3A = arith.constant 16 : i32
      %mul3A_132 = arith.muli %while3A_131, %mul3A : i32
      %add3A_133 = arith.addi %arg1, %mul3A_132 : i32
      %mul3A_134 = arith.constant 200 : i32
      %mul3A_135 = arith.muli %add3A_133, %mul3A_134 : i32
      "tpu.region"() ({
        %run_scoped3A = tpu.sem_alloc : memref<!tpu.dma_semaphore, #tpu.memory_space<semaphore_mem>>
        %dma_start3A = arith.constant 0 : i32
        %dma_start3A_136 = tpu.memref_slice %arg14[%mul3A_135, %dma_start3A] : memref<5016x128xf32, #tpu.memory_space<vmem_shared>> -> memref<200x128xf32, #tpu.memory_space<vmem_shared>>
        tpu.enqueue_dma source(%arg5 : memref<200x128xf32, #tpu.memory_space<hbm>>) target(%dma_start3A_136 : memref<200x128xf32, #tpu.memory_space<vmem_shared>>) target_semaphore(%run_scoped3A : memref<!tpu.dma_semaphore, #tpu.memory_space<semaphore_mem>>)
        %dma_wait3A = arith.constant 0 : i32
        %dma_wait3A_137 = tpu.memref_slice %arg14[%mul3A_135, %dma_wait3A] : memref<5016x128xf32, #tpu.memory_space<vmem_shared>> -> memref<200x128xf32, #tpu.memory_space<vmem_shared>>
        tpu.wait_dma2 semaphore(%run_scoped3A : memref<!tpu.dma_semaphore, #tpu.memory_space<semaphore_mem>>) src(%arg5 : memref<200x128xf32, #tpu.memory_space<hbm>>) dst(%dma_wait3A_137 : memref<200x128xf32, #tpu.memory_space<vmem_shared>>)
        tpu.yield
      }) : () -> ()
    }
    %while3A_26 = arith.constant 1 : i32
    scf.for %while3A_131 = %while3A_24 to %while3A_20 step %while3A_26  : i32 {
      %mul3A = arith.constant 16 : i32
      %mul3A_132 = arith.muli %while3A_131, %mul3A : i32
      %add3A_133 = arith.addi %arg1, %mul3A_132 : i32
      %mul3A_134 = arith.constant 200 : i32
      %mul3A_135 = arith.muli %add3A_133, %mul3A_134 : i32
      "tpu.region"() ({
        %run_scoped3A = tpu.sem_alloc : memref<!tpu.dma_semaphore, #tpu.memory_space<semaphore_mem>>
        %dma_start3A = arith.constant 0 : i32
        %dma_start3A_136 = tpu.memref_slice %arg14[%mul3A_135, %dma_start3A] : memref<5016x128xf32, #tpu.memory_space<vmem_shared>> -> memref<200x128xf32, #tpu.memory_space<vmem_shared>>
        tpu.enqueue_dma source(%arg5 : memref<200x128xf32, #tpu.memory_space<hbm>>) target(%dma_start3A_136 : memref<200x128xf32, #tpu.memory_space<vmem_shared>>) target_semaphore(%run_scoped3A : memref<!tpu.dma_semaphore, #tpu.memory_space<semaphore_mem>>)
        %dma_wait3A = arith.constant 0 : i32
        %dma_wait3A_137 = tpu.memref_slice %arg14[%mul3A_135, %dma_wait3A] : memref<5016x128xf32, #tpu.memory_space<vmem_shared>> -> memref<200x128xf32, #tpu.memory_space<vmem_shared>>
        tpu.wait_dma2 semaphore(%run_scoped3A : memref<!tpu.dma_semaphore, #tpu.memory_space<semaphore_mem>>) src(%arg5 : memref<200x128xf32, #tpu.memory_space<hbm>>) dst(%dma_wait3A_137 : memref<200x128xf32, #tpu.memory_space<vmem_shared>>)
        tpu.yield
      }) : () -> ()
    }
    %eq3A = arith.constant 0 : i32
    %eq3A_27 = arith.cmpi eq, %arg1, %eq3A : i32
    %convert_element_type3A = arith.extui %eq3A_27 : i1 to i32
    %cond3A = arith.constant 0 : i32
    %cond3A_28 = arith.cmpi ne, %convert_element_type3A, %cond3A : i32
    scf.if %cond3A_28 {
      "tpu.region"() ({
        %run_scoped3A = tpu.sem_alloc : memref<!tpu.dma_semaphore, #tpu.memory_space<semaphore_mem>>
        %dma_start3A = arith.constant 5000 : i32
        %dma_start3A_131 = arith.constant 0 : i32
        %dma_start3A_132 = tpu.memref_slice %arg14[%dma_start3A, %dma_start3A_131] : memref<5016x128xf32, #tpu.memory_space<vmem_shared>> -> memref<16x128xf32, #tpu.memory_space<vmem_shared>>
        %dma_start3A_133 = arith.constant 0 : i32
        %dma_start3A_134 = arith.constant 0 : i32
        %dma_start3A_135 = tpu.memref_slice %arg5[%dma_start3A_133, %dma_start3A_134] : memref<200x128xf32, #tpu.memory_space<hbm>> -> memref<16x128xf32, #tpu.memory_space<hbm>>
        tpu.enqueue_dma source(%dma_start3A_135 : memref<16x128xf32, #tpu.memory_space<hbm>>) target(%dma_start3A_132 : memref<16x128xf32, #tpu.memory_space<vmem_shared>>) target_semaphore(%run_scoped3A : memref<!tpu.dma_semaphore, #tpu.memory_space<semaphore_mem>>)
        %dma_wait3A = arith.constant 5000 : i32
        %dma_wait3A_136 = arith.constant 0 : i32
        %dma_wait3A_137 = tpu.memref_slice %arg14[%dma_wait3A, %dma_wait3A_136] : memref<5016x128xf32, #tpu.memory_space<vmem_shared>> -> memref<16x128xf32, #tpu.memory_space<vmem_shared>>
        %dma_wait3A_138 = arith.constant 0 : i32
        %dma_wait3A_139 = arith.constant 0 : i32
        %dma_wait3A_140 = tpu.memref_slice %arg5[%dma_wait3A_138, %dma_wait3A_139] : memref<200x128xf32, #tpu.memory_space<hbm>> -> memref<16x128xf32, #tpu.memory_space<hbm>>
        tpu.wait_dma2 semaphore(%run_scoped3A : memref<!tpu.dma_semaphore, #tpu.memory_space<semaphore_mem>>) src(%dma_wait3A_140 : memref<16x128xf32, #tpu.memory_space<hbm>>) dst(%dma_wait3A_137 : memref<16x128xf32, #tpu.memory_space<vmem_shared>>)
        tpu.yield
      }) : () -> ()
    } else {
    }
    %barrier3A = arith.constant 0 : index
    tpu.barrier barrier_id(%barrier3A)
    %scan3A = arith.constant 0 : i32
    %scan3A_29 = arith.constant 125 : i32
    %scan3A_30 = arith.addi %scan3A, %scan3A_29 : i32
    %scan3A_31 = arith.constant 1 : i32
    scf.for %scan3A_131 = %scan3A to %scan3A_30 step %scan3A_31  : i32 {
      %mul3A = arith.constant 20000 : i32
      %mul3A_132 = arith.muli %arg1, %mul3A : i32
      %mul3A_133 = arith.constant 160 : i32
      %mul3A_134 = arith.muli %scan3A_131, %mul3A_133 : i32
      %add3A_135 = arith.addi %mul3A_132, %mul3A_134 : i32
      "tpu.region"() ({
        %run_scoped3A = tpu.sem_alloc : memref<!tpu.dma_semaphore, #tpu.memory_space<semaphore_mem>>
        %dma_start3A = tpu.memref_slice %arg4[%add3A_135] : memref<320000xi32, #tpu.memory_space<hbm>> -> memref<160xi32, #tpu.memory_space<hbm>>
        %dma_start3A_151 = tpu.memref_slice %arg4[%add3A_135] : memref<320000xi32, #tpu.memory_space<hbm>> -> memref<160xi32, #tpu.memory_space<hbm>>
        tpu.enqueue_dma source(%dma_start3A_151 : memref<160xi32, #tpu.memory_space<hbm>>) target(%arg10 : memref<160xi32, #tpu.memory_space<vmem>>) target_semaphore(%run_scoped3A : memref<!tpu.dma_semaphore, #tpu.memory_space<semaphore_mem>>)
        %dma_wait3A = tpu.memref_slice %arg4[%add3A_135] : memref<320000xi32, #tpu.memory_space<hbm>> -> memref<160xi32, #tpu.memory_space<hbm>>
        %dma_wait3A_152 = tpu.memref_slice %arg4[%add3A_135] : memref<320000xi32, #tpu.memory_space<hbm>> -> memref<160xi32, #tpu.memory_space<hbm>>
        tpu.wait_dma2 semaphore(%run_scoped3A : memref<!tpu.dma_semaphore, #tpu.memory_space<semaphore_mem>>) src(%dma_wait3A_152 : memref<160xi32, #tpu.memory_space<hbm>>) dst(%arg10 : memref<160xi32, #tpu.memory_space<vmem>>)
        tpu.yield
      }) : () -> ()
      %scan3A_136 = arith.constant 0 : i32
      %scan3A_137 = arith.constant 10 : i32
      %scan3A_138 = arith.addi %scan3A_136, %scan3A_137 : i32
      %scan3A_139 = arith.constant 1 : i32
      scf.for %scan3A_151 = %scan3A_136 to %scan3A_138 step %scan3A_139  : i32 {
        %mul3A_152 = arith.constant 16 : i32
        %mul3A_153 = arith.muli %scan3A_151, %mul3A_152 : i32
        %get3A = arith.index_cast %mul3A_153 : i32 to index
        %get3A_154 = tpu.vector_load %arg10[%get3A] {strides = array<i32>} : memref<160xi32, #tpu.memory_space<vmem>>, vector<16xi32>,
        %ge3A = arith.constant 0 : i32
        %ge3A_155 = vector.broadcast %ge3A : i32 to vector<16xi32>
        %ge3A_156 = arith.cmpi sge, %get3A_154, %ge3A_155 : vector<16xi32>
        %lt3A = arith.constant 5000 : i32
        %lt3A_157 = vector.broadcast %lt3A : i32 to vector<16xi32>
        %lt3A_158 = arith.cmpi slt, %get3A_154, %lt3A_157 : vector<16xi32>
        %and3A_159 = arith.andi %ge3A_156, %lt3A_158 : vector<16xi1>
        %and3A_160 = arith.constant 15 : i32
        %and3A_161 = vector.broadcast %and3A_160 : i32 to vector<16xi32>
        %and3A_162 = arith.andi %get3A_154, %and3A_161 : vector<16xi32>
        %add3A_163 = arith.constant 5000 : i32
        %add3A_164 = vector.broadcast %add3A_163 : i32 to vector<16xi32>
        %add3A_165 = arith.addi %add3A_164, %and3A_162 : vector<16xi32>
        %sub3A_166 = arith.constant 0 : i32
        %sub3A_167 = vector.broadcast %sub3A_166 : i32 to vector<16xi32>
        %sub3A_168 = arith.subi %get3A_154, %sub3A_167 : vector<16xi32>
        %select_n3A_169 = arith.select %and3A_159, %sub3A_168, %add3A_165 : vector<16xi1>, vector<16xi32>
        %mul3A_170 = arith.constant 16 : i32
        %mul3A_171 = arith.muli %scan3A_151, %mul3A_170 : i32
        %swap3A = arith.index_cast %mul3A_171 : i32 to index
        %swap3A_172 = tpu.vector_load %arg11[%swap3A] {strides = array<i32>} : memref<160xi32, #tpu.memory_space<vmem>>, vector<16xi32>,
        tpu.vector_store %arg11[%swap3A], %select_n3A_169 {strides = array<i32>} : memref<160xi32, #tpu.memory_space<vmem>>, vector<16xi32>,
      }
      %scan3A_140 = arith.constant 10 : i32
      %eq3A_141 = arith.constant 0 : i32
      %eq3A_142 = arith.cmpi eq, %arg0, %eq3A_141 : i32
      %convert_element_type3A_143 = arith.extui %eq3A_142 : i1 to i32
      %cond3A_144 = arith.constant 0 : i32
      %cond3A_145 = arith.cmpi ne, %convert_element_type3A_143, %cond3A_144 : i32
      scf.if %cond3A_145 {
        "tpu.region"() ({
          %run_scoped3A = tpu.sem_alloc : memref<!tpu.dma_semaphore, #tpu.memory_space<semaphore_mem>>
          %dma_start3A = arith.constant 0 : i32
          %dma_start3A_151 = tpu.memref_slice %arg2[%add3A_135, %dma_start3A] : memref<320000x128xf32, #tpu.memory_space<hbm>> -> memref<160x128xf32, #tpu.memory_space<hbm>>
          %dma_start3A_152 = arith.constant 0 : i32
          %dma_start3A_153 = tpu.memref_slice %arg2[%add3A_135, %dma_start3A_152] : memref<320000x128xf32, #tpu.memory_space<hbm>> -> memref<160x128xf32, #tpu.memory_space<hbm>>
          tpu.enqueue_dma source(%dma_start3A_153 : memref<160x128xf32, #tpu.memory_space<hbm>>) target(%arg12 : memref<160x128xf32, #tpu.memory_space<vmem>>) target_semaphore(%run_scoped3A : memref<!tpu.dma_semaphore, #tpu.memory_space<semaphore_mem>>)
          %dma_wait3A = arith.constant 0 : i32
          %dma_wait3A_154 = tpu.memref_slice %arg2[%add3A_135, %dma_wait3A] : memref<320000x128xf32, #tpu.memory_space<hbm>> -> memref<160x128xf32, #tpu.memory_space<hbm>>
          %dma_wait3A_155 = arith.constant 0 : i32
          %dma_wait3A_156 = tpu.memref_slice %arg2[%add3A_135, %dma_wait3A_155] : memref<320000x128xf32, #tpu.memory_space<hbm>> -> memref<160x128xf32, #tpu.memory_space<hbm>>
          tpu.wait_dma2 semaphore(%run_scoped3A : memref<!tpu.dma_semaphore, #tpu.memory_space<semaphore_mem>>) src(%dma_wait3A_156 : memref<160x128xf32, #tpu.memory_space<hbm>>) dst(%arg12 : memref<160x128xf32, #tpu.memory_space<vmem>>)
          tpu.yield
        }) : () -> ()
        "tpu.region"() ({
          %run_scoped3A = tpu.sem_alloc : memref<!tpu.dma_semaphore, #tpu.memory_space<semaphore_mem>>
          %dma_start3A = arith.constant 0 : i32
          %dma_start3A_151 = arith.constant 0 : i32
          %dma_start3A_152 = tpu.memref_slice %arg14[%dma_start3A, %dma_start3A_151] : memref<5016x128xf32, #tpu.memory_space<vmem_shared>> -> memref<5016x128xf32, #tpu.memory_space<vmem_shared>>
          tpu.enqueue_indirect_dma source(%arg12 : memref<160x128xf32, #tpu.memory_space<vmem>>) target(%dma_start3A_152 : memref<5016x128xf32, #tpu.memory_space<vmem_shared>>) offsets(%arg11 : memref<160xi32, #tpu.memory_space<vmem>>) semaphore(%run_scoped3A : memref<!tpu.dma_semaphore, #tpu.memory_space<semaphore_mem>>) {add = true}
          %dma_wait3A = arith.constant 0 : i32
          %dma_wait3A_153 = arith.constant 0 : i32
          %dma_wait3A_154 = tpu.memref_slice %arg14[%dma_wait3A, %dma_wait3A_153] : memref<5016x128xf32, #tpu.memory_space<vmem_shared>> -> memref<5016x128xf32, #tpu.memory_space<vmem_shared>>
          tpu.wait_indirect_dma semaphore(%run_scoped3A : memref<!tpu.dma_semaphore, #tpu.memory_space<semaphore_mem>>) src(%arg12 : memref<160x128xf32, #tpu.memory_space<vmem>>) dst(%dma_wait3A_154 : memref<5016x128xf32, #tpu.memory_space<vmem_shared>>)
          tpu.yield
        }) : () -> ()
      } else {
      }
      %eq3A_146 = arith.constant 1 : i32
      %eq3A_147 = arith.cmpi eq, %arg0, %eq3A_146 : i32
      %convert_element_type3A_148 = arith.extui %eq3A_147 : i1 to i32
      %cond3A_149 = arith.constant 0 : i32
      %cond3A_150 = arith.cmpi ne, %convert_element_type3A_148, %cond3A_149 : i32
      scf.if %cond3A_150 {
        "tpu.region"() ({
          %run_scoped3A = tpu.sem_alloc : memref<!tpu.dma_semaphore, #tpu.memory_space<semaphore_mem>>
          %dma_start3A = arith.constant 0 : i32
          %dma_start3A_151 = tpu.memref_slice %arg3[%add3A_135, %dma_start3A] : memref<320000x128xf32, #tpu.memory_space<hbm>> -> memref<160x128xf32, #tpu.memory_space<hbm>>
          %dma_start3A_152 = arith.constant 0 : i32
          %dma_start3A_153 = tpu.memref_slice %arg3[%add3A_135, %dma_start3A_152] : memref<320000x128xf32, #tpu.memory_space<hbm>> -> memref<160x128xf32, #tpu.memory_space<hbm>>
          tpu.enqueue_dma source(%dma_start3A_153 : memref<160x128xf32, #tpu.memory_space<hbm>>) target(%arg12 : memref<160x128xf32, #tpu.memory_space<vmem>>) target_semaphore(%run_scoped3A : memref<!tpu.dma_semaphore, #tpu.memory_space<semaphore_mem>>)
          %dma_wait3A = arith.constant 0 : i32
          %dma_wait3A_154 = tpu.memref_slice %arg3[%add3A_135, %dma_wait3A] : memref<320000x128xf32, #tpu.memory_space<hbm>> -> memref<160x128xf32, #tpu.memory_space<hbm>>
          %dma_wait3A_155 = arith.constant 0 : i32
          %dma_wait3A_156 = tpu.memref_slice %arg3[%add3A_135, %dma_wait3A_155] : memref<320000x128xf32, #tpu.memory_space<hbm>> -> memref<160x128xf32, #tpu.memory_space<hbm>>
          tpu.wait_dma2 semaphore(%run_scoped3A : memref<!tpu.dma_semaphore, #tpu.memory_space<semaphore_mem>>) src(%dma_wait3A_156 : memref<160x128xf32, #tpu.memory_space<hbm>>) dst(%arg12 : memref<160x128xf32, #tpu.memory_space<vmem>>)
          tpu.yield
        }) : () -> ()
        "tpu.region"() ({
          %run_scoped3A = tpu.sem_alloc : memref<!tpu.dma_semaphore, #tpu.memory_space<semaphore_mem>>
          %dma_start3A = arith.constant 0 : i32
          %dma_start3A_151 = arith.constant 0 : i32
          %dma_start3A_152 = tpu.memref_slice %arg14[%dma_start3A, %dma_start3A_151] : memref<5016x128xf32, #tpu.memory_space<vmem_shared>> -> memref<5016x128xf32, #tpu.memory_space<vmem_shared>>
          tpu.enqueue_indirect_dma source(%arg12 : memref<160x128xf32, #tpu.memory_space<vmem>>) target(%dma_start3A_152 : memref<5016x128xf32, #tpu.memory_space<vmem_shared>>) offsets(%arg11 : memref<160xi32, #tpu.memory_space<vmem>>) semaphore(%run_scoped3A : memref<!tpu.dma_semaphore, #tpu.memory_space<semaphore_mem>>) {add = true}
          %dma_wait3A = arith.constant 0 : i32
          %dma_wait3A_153 = arith.constant 0 : i32
          %dma_wait3A_154 = tpu.memref_slice %arg14[%dma_wait3A, %dma_wait3A_153] : memref<5016x128xf32, #tpu.memory_space<vmem_shared>> -> memref<5016x128xf32, #tpu.memory_space<vmem_shared>>
          tpu.wait_indirect_dma semaphore(%run_scoped3A : memref<!tpu.dma_semaphore, #tpu.memory_space<semaphore_mem>>) src(%arg12 : memref<160x128xf32, #tpu.memory_space<vmem>>) dst(%dma_wait3A_154 : memref<5016x128xf32, #tpu.memory_space<vmem_shared>>)
          tpu.yield
        }) : () -> ()
      } else {
      }
    }
    %scan3A_32 = arith.constant 125 : i32
    %barrier3A_33 = arith.constant 0 : index
    tpu.barrier barrier_id(%barrier3A_33)
    %eq3A_34 = arith.constant 0 : i32
    %eq3A_35 = arith.cmpi eq, %arg0, %eq3A_34 : i32
    %convert_element_type3A_36 = arith.extui %eq3A_35 : i1 to i32
    %cond3A_37 = arith.constant 0 : i32
    %cond3A_38 = arith.cmpi ne, %convert_element_type3A_36, %cond3A_37 : i32
    scf.if %cond3A_38 {
      %while3A_131 = arith.constant 0 : i32
      %while3A_132 = arith.subi %add3A_18, %while3A_131 : i32
      %while3A_133 = arith.addi %while3A_131, %while3A_132 : i32
      %while3A_134 = arith.constant 1 : i32
      %while3A_135 = arith.divsi %while3A_132, %while3A_134 : i32
      %while3A_136 = arith.muli %while3A_135, %while3A_134 : i32
      %while3A_137 = arith.addi %while3A_131, %while3A_136 : i32
      %while3A_138 = arith.constant 1 : i32
      scf.for %while3A_140 = %while3A_131 to %while3A_137 step %while3A_138  : i32 {
        %mul3A = arith.constant 16 : i32
        %mul3A_141 = arith.muli %while3A_140, %mul3A : i32
        %add3A_142 = arith.addi %arg1, %mul3A_141 : i32
        %mul3A_143 = arith.constant 200 : i32
        %mul3A_144 = arith.muli %add3A_142, %mul3A_143 : i32
        %add3A_145 = arith.constant 0 : i32
        %add3A_146 = arith.addi %add3A_145, %mul3A_144 : i32
        "tpu.region"() ({
          %run_scoped3A = tpu.sem_alloc : memref<!tpu.dma_semaphore, #tpu.memory_space<semaphore_mem>>
          %dma_start3A = arith.constant 0 : i32
          %dma_start3A_147 = tpu.memref_slice %arg7[%add3A_146, %dma_start3A] : memref<10000x128xf32, #tpu.memory_space<hbm>> -> memref<200x128xf32, #tpu.memory_space<hbm>>
          %dma_start3A_148 = arith.constant 0 : i32
          %dma_start3A_149 = tpu.memref_slice %arg14[%mul3A_144, %dma_start3A_148] : memref<5016x128xf32, #tpu.memory_space<vmem_shared>> -> memref<200x128xf32, #tpu.memory_space<vmem_shared>>
          tpu.enqueue_dma source(%dma_start3A_149 : memref<200x128xf32, #tpu.memory_space<vmem_shared>>) target(%dma_start3A_147 : memref<200x128xf32, #tpu.memory_space<hbm>>) target_semaphore(%run_scoped3A : memref<!tpu.dma_semaphore, #tpu.memory_space<semaphore_mem>>)
          %dma_wait3A = arith.constant 0 : i32
          %dma_wait3A_150 = tpu.memref_slice %arg7[%add3A_146, %dma_wait3A] : memref<10000x128xf32, #tpu.memory_space<hbm>> -> memref<200x128xf32, #tpu.memory_space<hbm>>
          %dma_wait3A_151 = arith.constant 0 : i32
          %dma_wait3A_152 = tpu.memref_slice %arg14[%mul3A_144, %dma_wait3A_151] : memref<5016x128xf32, #tpu.memory_space<vmem_shared>> -> memref<200x128xf32, #tpu.memory_space<vmem_shared>>
          tpu.wait_dma2 semaphore(%run_scoped3A : memref<!tpu.dma_semaphore, #tpu.memory_space<semaphore_mem>>) src(%dma_wait3A_152 : memref<200x128xf32, #tpu.memory_space<vmem_shared>>) dst(%dma_wait3A_150 : memref<200x128xf32, #tpu.memory_space<hbm>>)
          tpu.yield
        }) : () -> ()
      }
      %while3A_139 = arith.constant 1 : i32
      scf.for %while3A_140 = %while3A_137 to %while3A_133 step %while3A_139  : i32 {
        %mul3A = arith.constant 16 : i32
        %mul3A_141 = arith.muli %while3A_140, %mul3A : i32
        %add3A_142 = arith.addi %arg1, %mul3A_141 : i32
        %mul3A_143 = arith.constant 200 : i32
        %mul3A_144 = arith.muli %add3A_142, %mul3A_143 : i32
        %add3A_145 = arith.constant 0 : i32
        %add3A_146 = arith.addi %add3A_145, %mul3A_144 : i32
        "tpu.region"() ({
          %run_scoped3A = tpu.sem_alloc : memref<!tpu.dma_semaphore, #tpu.memory_space<semaphore_mem>>
          %dma_start3A = arith.constant 0 : i32
          %dma_start3A_147 = tpu.memref_slice %arg7[%add3A_146, %dma_start3A] : memref<10000x128xf32, #tpu.memory_space<hbm>> -> memref<200x128xf32, #tpu.memory_space<hbm>>
          %dma_start3A_148 = arith.constant 0 : i32
          %dma_start3A_149 = tpu.memref_slice %arg14[%mul3A_144, %dma_start3A_148] : memref<5016x128xf32, #tpu.memory_space<vmem_shared>> -> memref<200x128xf32, #tpu.memory_space<vmem_shared>>
          tpu.enqueue_dma source(%dma_start3A_149 : memref<200x128xf32, #tpu.memory_space<vmem_shared>>) target(%dma_start3A_147 : memref<200x128xf32, #tpu.memory_space<hbm>>) target_semaphore(%run_scoped3A : memref<!tpu.dma_semaphore, #tpu.memory_space<semaphore_mem>>)
          %dma_wait3A = arith.constant 0 : i32
          %dma_wait3A_150 = tpu.memref_slice %arg7[%add3A_146, %dma_wait3A] : memref<10000x128xf32, #tpu.memory_space<hbm>> -> memref<200x128xf32, #tpu.memory_space<hbm>>
          %dma_wait3A_151 = arith.constant 0 : i32
          %dma_wait3A_152 = tpu.memref_slice %arg14[%mul3A_144, %dma_wait3A_151] : memref<5016x128xf32, #tpu.memory_space<vmem_shared>> -> memref<200x128xf32, #tpu.memory_space<vmem_shared>>
          tpu.wait_dma2 semaphore(%run_scoped3A : memref<!tpu.dma_semaphore, #tpu.memory_space<semaphore_mem>>) src(%dma_wait3A_152 : memref<200x128xf32, #tpu.memory_space<vmem_shared>>) dst(%dma_wait3A_150 : memref<200x128xf32, #tpu.memory_space<hbm>>)
          tpu.yield
        }) : () -> ()
      }
    } else {
    }
    %eq3A_39 = arith.constant 1 : i32
    %eq3A_40 = arith.cmpi eq, %arg0, %eq3A_39 : i32
    %convert_element_type3A_41 = arith.extui %eq3A_40 : i1 to i32
    %cond3A_42 = arith.constant 0 : i32
    %cond3A_43 = arith.cmpi ne, %convert_element_type3A_41, %cond3A_42 : i32
    scf.if %cond3A_43 {
      %while3A_131 = arith.constant 0 : i32
      %while3A_132 = arith.subi %add3A_18, %while3A_131 : i32
      %while3A_133 = arith.addi %while3A_131, %while3A_132 : i32
      %while3A_134 = arith.constant 1 : i32
      %while3A_135 = arith.divsi %while3A_132, %while3A_134 : i32
      %while3A_136 = arith.muli %while3A_135, %while3A_134 : i32
      %while3A_137 = arith.addi %while3A_131, %while3A_136 : i32
      %while3A_138 = arith.constant 1 : i32
      scf.for %while3A_140 = %while3A_131 to %while3A_137 step %while3A_138  : i32 {
        %mul3A = arith.constant 16 : i32
        %mul3A_141 = arith.muli %while3A_140, %mul3A : i32
        %add3A_142 = arith.addi %arg1, %mul3A_141 : i32
        %mul3A_143 = arith.constant 200 : i32
        %mul3A_144 = arith.muli %add3A_142, %mul3A_143 : i32
        %add3A_145 = arith.constant 0 : i32
        %add3A_146 = arith.addi %add3A_145, %mul3A_144 : i32
        "tpu.region"() ({
          %run_scoped3A = tpu.sem_alloc : memref<!tpu.dma_semaphore, #tpu.memory_space<semaphore_mem>>
          %dma_start3A = arith.constant 0 : i32
          %dma_start3A_147 = tpu.memref_slice %arg8[%add3A_146, %dma_start3A] : memref<10000x128xf32, #tpu.memory_space<hbm>> -> memref<200x128xf32, #tpu.memory_space<hbm>>
          %dma_start3A_148 = arith.constant 0 : i32
          %dma_start3A_149 = tpu.memref_slice %arg14[%mul3A_144, %dma_start3A_148] : memref<5016x128xf32, #tpu.memory_space<vmem_shared>> -> memref<200x128xf32, #tpu.memory_space<vmem_shared>>
          tpu.enqueue_dma source(%dma_start3A_149 : memref<200x128xf32, #tpu.memory_space<vmem_shared>>) target(%dma_start3A_147 : memref<200x128xf32, #tpu.memory_space<hbm>>) target_semaphore(%run_scoped3A : memref<!tpu.dma_semaphore, #tpu.memory_space<semaphore_mem>>)
          %dma_wait3A = arith.constant 0 : i32
          %dma_wait3A_150 = tpu.memref_slice %arg8[%add3A_146, %dma_wait3A] : memref<10000x128xf32, #tpu.memory_space<hbm>> -> memref<200x128xf32, #tpu.memory_space<hbm>>
          %dma_wait3A_151 = arith.constant 0 : i32
          %dma_wait3A_152 = tpu.memref_slice %arg14[%mul3A_144, %dma_wait3A_151] : memref<5016x128xf32, #tpu.memory_space<vmem_shared>> -> memref<200x128xf32, #tpu.memory_space<vmem_shared>>
          tpu.wait_dma2 semaphore(%run_scoped3A : memref<!tpu.dma_semaphore, #tpu.memory_space<semaphore_mem>>) src(%dma_wait3A_152 : memref<200x128xf32, #tpu.memory_space<vmem_shared>>) dst(%dma_wait3A_150 : memref<200x128xf32, #tpu.memory_space<hbm>>)
          tpu.yield
        }) : () -> ()
      }
      %while3A_139 = arith.constant 1 : i32
      scf.for %while3A_140 = %while3A_137 to %while3A_133 step %while3A_139  : i32 {
        %mul3A = arith.constant 16 : i32
        %mul3A_141 = arith.muli %while3A_140, %mul3A : i32
        %add3A_142 = arith.addi %arg1, %mul3A_141 : i32
        %mul3A_143 = arith.constant 200 : i32
        %mul3A_144 = arith.muli %add3A_142, %mul3A_143 : i32
        %add3A_145 = arith.constant 0 : i32
        %add3A_146 = arith.addi %add3A_145, %mul3A_144 : i32
        "tpu.region"() ({
          %run_scoped3A = tpu.sem_alloc : memref<!tpu.dma_semaphore, #tpu.memory_space<semaphore_mem>>
          %dma_start3A = arith.constant 0 : i32
          %dma_start3A_147 = tpu.memref_slice %arg8[%add3A_146, %dma_start3A] : memref<10000x128xf32, #tpu.memory_space<hbm>> -> memref<200x128xf32, #tpu.memory_space<hbm>>
          %dma_start3A_148 = arith.constant 0 : i32
          %dma_start3A_149 = tpu.memref_slice %arg14[%mul3A_144, %dma_start3A_148] : memref<5016x128xf32, #tpu.memory_space<vmem_shared>> -> memref<200x128xf32, #tpu.memory_space<vmem_shared>>
          tpu.enqueue_dma source(%dma_start3A_149 : memref<200x128xf32, #tpu.memory_space<vmem_shared>>) target(%dma_start3A_147 : memref<200x128xf32, #tpu.memory_space<hbm>>) target_semaphore(%run_scoped3A : memref<!tpu.dma_semaphore, #tpu.memory_space<semaphore_mem>>)
          %dma_wait3A = arith.constant 0 : i32
          %dma_wait3A_150 = tpu.memref_slice %arg8[%add3A_146, %dma_wait3A] : memref<10000x128xf32, #tpu.memory_space<hbm>> -> memref<200x128xf32, #tpu.memory_space<hbm>>
          %dma_wait3A_151 = arith.constant 0 : i32
          %dma_wait3A_152 = tpu.memref_slice %arg14[%mul3A_144, %dma_wait3A_151] : memref<5016x128xf32, #tpu.memory_space<vmem_shared>> -> memref<200x128xf32, #tpu.memory_space<vmem_shared>>
          tpu.wait_dma2 semaphore(%run_scoped3A : memref<!tpu.dma_semaphore, #tpu.memory_space<semaphore_mem>>) src(%dma_wait3A_152 : memref<200x128xf32, #tpu.memory_space<vmem_shared>>) dst(%dma_wait3A_150 : memref<200x128xf32, #tpu.memory_space<hbm>>)
          tpu.yield
        }) : () -> ()
      }
    } else {
    }
    %barrier3A_44 = arith.constant 0 : index
    tpu.barrier barrier_id(%barrier3A_44)
    %while3A_45 = arith.constant 0 : i32
    %while3A_46 = arith.subi %add3A_18, %while3A_45 : i32
    %while3A_47 = arith.addi %while3A_45, %while3A_46 : i32
    %while3A_48 = arith.constant 1 : i32
    %while3A_49 = arith.divsi %while3A_46, %while3A_48 : i32
    %while3A_50 = arith.muli %while3A_49, %while3A_48 : i32
    %while3A_51 = arith.addi %while3A_45, %while3A_50 : i32
    %while3A_52 = arith.constant 1 : i32
    scf.for %while3A_131 = %while3A_45 to %while3A_51 step %while3A_52  : i32 {
      %mul3A = arith.constant 16 : i32
      %mul3A_132 = arith.muli %while3A_131, %mul3A : i32
      %add3A_133 = arith.addi %arg1, %mul3A_132 : i32
      %mul3A_134 = arith.constant 200 : i32
      %mul3A_135 = arith.muli %add3A_133, %mul3A_134 : i32
      "tpu.region"() ({
        %run_scoped3A = tpu.sem_alloc : memref<!tpu.dma_semaphore, #tpu.memory_space<semaphore_mem>>
        %dma_start3A = arith.constant 0 : i32
        %dma_start3A_136 = tpu.memref_slice %arg14[%mul3A_135, %dma_start3A] : memref<5016x128xf32, #tpu.memory_space<vmem_shared>> -> memref<200x128xf32, #tpu.memory_space<vmem_shared>>
        tpu.enqueue_dma source(%arg5 : memref<200x128xf32, #tpu.memory_space<hbm>>) target(%dma_start3A_136 : memref<200x128xf32, #tpu.memory_space<vmem_shared>>) target_semaphore(%run_scoped3A : memref<!tpu.dma_semaphore, #tpu.memory_space<semaphore_mem>>)
        %dma_wait3A = arith.constant 0 : i32
        %dma_wait3A_137 = tpu.memref_slice %arg14[%mul3A_135, %dma_wait3A] : memref<5016x128xf32, #tpu.memory_space<vmem_shared>> -> memref<200x128xf32, #tpu.memory_space<vmem_shared>>
        tpu.wait_dma2 semaphore(%run_scoped3A : memref<!tpu.dma_semaphore, #tpu.memory_space<semaphore_mem>>) src(%arg5 : memref<200x128xf32, #tpu.memory_space<hbm>>) dst(%dma_wait3A_137 : memref<200x128xf32, #tpu.memory_space<vmem_shared>>)
        tpu.yield
      }) : () -> ()
    }
    %while3A_53 = arith.constant 1 : i32
    scf.for %while3A_131 = %while3A_51 to %while3A_47 step %while3A_53  : i32 {
      %mul3A = arith.constant 16 : i32
      %mul3A_132 = arith.muli %while3A_131, %mul3A : i32
      %add3A_133 = arith.addi %arg1, %mul3A_132 : i32
      %mul3A_134 = arith.constant 200 : i32
      %mul3A_135 = arith.muli %add3A_133, %mul3A_134 : i32
      "tpu.region"() ({
        %run_scoped3A = tpu.sem_alloc : memref<!tpu.dma_semaphore, #tpu.memory_space<semaphore_mem>>
        %dma_start3A = arith.constant 0 : i32
        %dma_start3A_136 = tpu.memref_slice %arg14[%mul3A_135, %dma_start3A] : memref<5016x128xf32, #tpu.memory_space<vmem_shared>> -> memref<200x128xf32, #tpu.memory_space<vmem_shared>>
        tpu.enqueue_dma source(%arg5 : memref<200x128xf32, #tpu.memory_space<hbm>>) target(%dma_start3A_136 : memref<200x128xf32, #tpu.memory_space<vmem_shared>>) target_semaphore(%run_scoped3A : memref<!tpu.dma_semaphore, #tpu.memory_space<semaphore_mem>>)
        %dma_wait3A = arith.constant 0 : i32
        %dma_wait3A_137 = tpu.memref_slice %arg14[%mul3A_135, %dma_wait3A] : memref<5016x128xf32, #tpu.memory_space<vmem_shared>> -> memref<200x128xf32, #tpu.memory_space<vmem_shared>>
        tpu.wait_dma2 semaphore(%run_scoped3A : memref<!tpu.dma_semaphore, #tpu.memory_space<semaphore_mem>>) src(%arg5 : memref<200x128xf32, #tpu.memory_space<hbm>>) dst(%dma_wait3A_137 : memref<200x128xf32, #tpu.memory_space<vmem_shared>>)
        tpu.yield
      }) : () -> ()
    }
    %eq3A_54 = arith.constant 0 : i32
    %eq3A_55 = arith.cmpi eq, %arg1, %eq3A_54 : i32
    %convert_element_type3A_56 = arith.extui %eq3A_55 : i1 to i32
    %cond3A_57 = arith.constant 0 : i32
    %cond3A_58 = arith.cmpi ne, %convert_element_type3A_56, %cond3A_57 : i32
    scf.if %cond3A_58 {
      "tpu.region"() ({
        %run_scoped3A = tpu.sem_alloc : memref<!tpu.dma_semaphore, #tpu.memory_space<semaphore_mem>>
        %dma_start3A = arith.constant 5000 : i32
        %dma_start3A_131 = arith.constant 0 : i32
        %dma_start3A_132 = tpu.memref_slice %arg14[%dma_start3A, %dma_start3A_131] : memref<5016x128xf32, #tpu.memory_space<vmem_shared>> -> memref<16x128xf32, #tpu.memory_space<vmem_shared>>
        %dma_start3A_133 = arith.constant 0 : i32
        %dma_start3A_134 = arith.constant 0 : i32
        %dma_start3A_135 = tpu.memref_slice %arg5[%dma_start3A_133, %dma_start3A_134] : memref<200x128xf32, #tpu.memory_space<hbm>> -> memref<16x128xf32, #tpu.memory_space<hbm>>
        tpu.enqueue_dma source(%dma_start3A_135 : memref<16x128xf32, #tpu.memory_space<hbm>>) target(%dma_start3A_132 : memref<16x128xf32, #tpu.memory_space<vmem_shared>>) target_semaphore(%run_scoped3A : memref<!tpu.dma_semaphore, #tpu.memory_space<semaphore_mem>>)
        %dma_wait3A = arith.constant 5000 : i32
        %dma_wait3A_136 = arith.constant 0 : i32
        %dma_wait3A_137 = tpu.memref_slice %arg14[%dma_wait3A, %dma_wait3A_136] : memref<5016x128xf32, #tpu.memory_space<vmem_shared>> -> memref<16x128xf32, #tpu.memory_space<vmem_shared>>
        %dma_wait3A_138 = arith.constant 0 : i32
        %dma_wait3A_139 = arith.constant 0 : i32
        %dma_wait3A_140 = tpu.memref_slice %arg5[%dma_wait3A_138, %dma_wait3A_139] : memref<200x128xf32, #tpu.memory_space<hbm>> -> memref<16x128xf32, #tpu.memory_space<hbm>>
        tpu.wait_dma2 semaphore(%run_scoped3A : memref<!tpu.dma_semaphore, #tpu.memory_space<semaphore_mem>>) src(%dma_wait3A_140 : memref<16x128xf32, #tpu.memory_space<hbm>>) dst(%dma_wait3A_137 : memref<16x128xf32, #tpu.memory_space<vmem_shared>>)
        tpu.yield
      }) : () -> ()
    } else {
    }
    %barrier3A_59 = arith.constant 0 : index
    tpu.barrier barrier_id(%barrier3A_59)
    %scan3A_60 = arith.constant 0 : i32
    %scan3A_61 = arith.constant 125 : i32
    %scan3A_62 = arith.addi %scan3A_60, %scan3A_61 : i32
    %scan3A_63 = arith.constant 1 : i32
    scf.for %scan3A_131 = %scan3A_60 to %scan3A_62 step %scan3A_63  : i32 {
      %mul3A = arith.constant 20000 : i32
      %mul3A_132 = arith.muli %arg1, %mul3A : i32
      %mul3A_133 = arith.constant 160 : i32
      %mul3A_134 = arith.muli %scan3A_131, %mul3A_133 : i32
      %add3A_135 = arith.addi %mul3A_132, %mul3A_134 : i32
      "tpu.region"() ({
        %run_scoped3A = tpu.sem_alloc : memref<!tpu.dma_semaphore, #tpu.memory_space<semaphore_mem>>
        %dma_start3A = tpu.memref_slice %arg4[%add3A_135] : memref<320000xi32, #tpu.memory_space<hbm>> -> memref<160xi32, #tpu.memory_space<hbm>>
        %dma_start3A_151 = tpu.memref_slice %arg4[%add3A_135] : memref<320000xi32, #tpu.memory_space<hbm>> -> memref<160xi32, #tpu.memory_space<hbm>>
        tpu.enqueue_dma source(%dma_start3A_151 : memref<160xi32, #tpu.memory_space<hbm>>) target(%arg10 : memref<160xi32, #tpu.memory_space<vmem>>) target_semaphore(%run_scoped3A : memref<!tpu.dma_semaphore, #tpu.memory_space<semaphore_mem>>)
        %dma_wait3A = tpu.memref_slice %arg4[%add3A_135] : memref<320000xi32, #tpu.memory_space<hbm>> -> memref<160xi32, #tpu.memory_space<hbm>>
        %dma_wait3A_152 = tpu.memref_slice %arg4[%add3A_135] : memref<320000xi32, #tpu.memory_space<hbm>> -> memref<160xi32, #tpu.memory_space<hbm>>
        tpu.wait_dma2 semaphore(%run_scoped3A : memref<!tpu.dma_semaphore, #tpu.memory_space<semaphore_mem>>) src(%dma_wait3A_152 : memref<160xi32, #tpu.memory_space<hbm>>) dst(%arg10 : memref<160xi32, #tpu.memory_space<vmem>>)
        tpu.yield
      }) : () -> ()
      %scan3A_136 = arith.constant 0 : i32
      %scan3A_137 = arith.constant 10 : i32
      %scan3A_138 = arith.addi %scan3A_136, %scan3A_137 : i32
      %scan3A_139 = arith.constant 1 : i32
      scf.for %scan3A_151 = %scan3A_136 to %scan3A_138 step %scan3A_139  : i32 {
        %mul3A_152 = arith.constant 16 : i32
        %mul3A_153 = arith.muli %scan3A_151, %mul3A_152 : i32
        %get3A = arith.index_cast %mul3A_153 : i32 to index
        %get3A_154 = tpu.vector_load %arg10[%get3A] {strides = array<i32>} : memref<160xi32, #tpu.memory_space<vmem>>, vector<16xi32>,
        %ge3A = arith.constant 5000 : i32
        %ge3A_155 = vector.broadcast %ge3A : i32 to vector<16xi32>
        %ge3A_156 = arith.cmpi sge, %get3A_154, %ge3A_155 : vector<16xi32>
        %lt3A = arith.constant 10000 : i32
        %lt3A_157 = vector.broadcast %lt3A : i32 to vector<16xi32>
        %lt3A_158 = arith.cmpi slt, %get3A_154, %lt3A_157 : vector<16xi32>
        %and3A_159 = arith.andi %ge3A_156, %lt3A_158 : vector<16xi1>
        %and3A_160 = arith.constant 15 : i32
        %and3A_161 = vector.broadcast %and3A_160 : i32 to vector<16xi32>
        %and3A_162 = arith.andi %get3A_154, %and3A_161 : vector<16xi32>
        %add3A_163 = arith.constant 5000 : i32
        %add3A_164 = vector.broadcast %add3A_163 : i32 to vector<16xi32>
        %add3A_165 = arith.addi %add3A_164, %and3A_162 : vector<16xi32>
        %sub3A_166 = arith.constant 5000 : i32
        %sub3A_167 = vector.broadcast %sub3A_166 : i32 to vector<16xi32>
        %sub3A_168 = arith.subi %get3A_154, %sub3A_167 : vector<16xi32>
        %select_n3A_169 = arith.select %and3A_159, %sub3A_168, %add3A_165 : vector<16xi1>, vector<16xi32>
        %mul3A_170 = arith.constant 16 : i32
        %mul3A_171 = arith.muli %scan3A_151, %mul3A_170 : i32
        %swap3A = arith.index_cast %mul3A_171 : i32 to index
        %swap3A_172 = tpu.vector_load %arg11[%swap3A] {strides = array<i32>} : memref<160xi32, #tpu.memory_space<vmem>>, vector<16xi32>,
        tpu.vector_store %arg11[%swap3A], %select_n3A_169 {strides = array<i32>} : memref<160xi32, #tpu.memory_space<vmem>>, vector<16xi32>,
      }
      %scan3A_140 = arith.constant 10 : i32
      %eq3A_141 = arith.constant 0 : i32
      %eq3A_142 = arith.cmpi eq, %arg0, %eq3A_141 : i32
      %convert_element_type3A_143 = arith.extui %eq3A_142 : i1 to i32
      %cond3A_144 = arith.constant 0 : i32
      %cond3A_145 = arith.cmpi ne, %convert_element_type3A_143, %cond3A_144 : i32
      scf.if %cond3A_145 {
        "tpu.region"() ({
          %run_scoped3A = tpu.sem_alloc : memref<!tpu.dma_semaphore, #tpu.memory_space<semaphore_mem>>
          %dma_start3A = arith.constant 0 : i32
          %dma_start3A_151 = tpu.memref_slice %arg2[%add3A_135, %dma_start3A] : memref<320000x128xf32, #tpu.memory_space<hbm>> -> memref<160x128xf32, #tpu.memory_space<hbm>>
          %dma_start3A_152 = arith.constant 0 : i32
          %dma_start3A_153 = tpu.memref_slice %arg2[%add3A_135, %dma_start3A_152] : memref<320000x128xf32, #tpu.memory_space<hbm>> -> memref<160x128xf32, #tpu.memory_space<hbm>>
          tpu.enqueue_dma source(%dma_start3A_153 : memref<160x128xf32, #tpu.memory_space<hbm>>) target(%arg12 : memref<160x128xf32, #tpu.memory_space<vmem>>) target_semaphore(%run_scoped3A : memref<!tpu.dma_semaphore, #tpu.memory_space<semaphore_mem>>)
          %dma_wait3A = arith.constant 0 : i32
          %dma_wait3A_154 = tpu.memref_slice %arg2[%add3A_135, %dma_wait3A] : memref<320000x128xf32, #tpu.memory_space<hbm>> -> memref<160x128xf32, #tpu.memory_space<hbm>>
          %dma_wait3A_155 = arith.constant 0 : i32
          %dma_wait3A_156 = tpu.memref_slice %arg2[%add3A_135, %dma_wait3A_155] : memref<320000x128xf32, #tpu.memory_space<hbm>> -> memref<160x128xf32, #tpu.memory_space<hbm>>
          tpu.wait_dma2 semaphore(%run_scoped3A : memref<!tpu.dma_semaphore, #tpu.memory_space<semaphore_mem>>) src(%dma_wait3A_156 : memref<160x128xf32, #tpu.memory_space<hbm>>) dst(%arg12 : memref<160x128xf32, #tpu.memory_space<vmem>>)
          tpu.yield
        }) : () -> ()
        "tpu.region"() ({
          %run_scoped3A = tpu.sem_alloc : memref<!tpu.dma_semaphore, #tpu.memory_space<semaphore_mem>>
          %dma_start3A = arith.constant 0 : i32
          %dma_start3A_151 = arith.constant 0 : i32
          %dma_start3A_152 = tpu.memref_slice %arg14[%dma_start3A, %dma_start3A_151] : memref<5016x128xf32, #tpu.memory_space<vmem_shared>> -> memref<5016x128xf32, #tpu.memory_space<vmem_shared>>
          tpu.enqueue_indirect_dma source(%arg12 : memref<160x128xf32, #tpu.memory_space<vmem>>) target(%dma_start3A_152 : memref<5016x128xf32, #tpu.memory_space<vmem_shared>>) offsets(%arg11 : memref<160xi32, #tpu.memory_space<vmem>>) semaphore(%run_scoped3A : memref<!tpu.dma_semaphore, #tpu.memory_space<semaphore_mem>>) {add = true}
          %dma_wait3A = arith.constant 0 : i32
          %dma_wait3A_153 = arith.constant 0 : i32
          %dma_wait3A_154 = tpu.memref_slice %arg14[%dma_wait3A, %dma_wait3A_153] : memref<5016x128xf32, #tpu.memory_space<vmem_shared>> -> memref<5016x128xf32, #tpu.memory_space<vmem_shared>>
          tpu.wait_indirect_dma semaphore(%run_scoped3A : memref<!tpu.dma_semaphore, #tpu.memory_space<semaphore_mem>>) src(%arg12 : memref<160x128xf32, #tpu.memory_space<vmem>>) dst(%dma_wait3A_154 : memref<5016x128xf32, #tpu.memory_space<vmem_shared>>)
          tpu.yield
        }) : () -> ()
      } else {
      }
      %eq3A_146 = arith.constant 1 : i32
      %eq3A_147 = arith.cmpi eq, %arg0, %eq3A_146 : i32
      %convert_element_type3A_148 = arith.extui %eq3A_147 : i1 to i32
      %cond3A_149 = arith.constant 0 : i32
      %cond3A_150 = arith.cmpi ne, %convert_element_type3A_148, %cond3A_149 : i32
      scf.if %cond3A_150 {
        "tpu.region"() ({
          %run_scoped3A = tpu.sem_alloc : memref<!tpu.dma_semaphore, #tpu.memory_space<semaphore_mem>>
          %dma_start3A = arith.constant 0 : i32
          %dma_start3A_151 = tpu.memref_slice %arg3[%add3A_135, %dma_start3A] : memref<320000x128xf32, #tpu.memory_space<hbm>> -> memref<160x128xf32, #tpu.memory_space<hbm>>
          %dma_start3A_152 = arith.constant 0 : i32
          %dma_start3A_153 = tpu.memref_slice %arg3[%add3A_135, %dma_start3A_152] : memref<320000x128xf32, #tpu.memory_space<hbm>> -> memref<160x128xf32, #tpu.memory_space<hbm>>
          tpu.enqueue_dma source(%dma_start3A_153 : memref<160x128xf32, #tpu.memory_space<hbm>>) target(%arg12 : memref<160x128xf32, #tpu.memory_space<vmem>>) target_semaphore(%run_scoped3A : memref<!tpu.dma_semaphore, #tpu.memory_space<semaphore_mem>>)
          %dma_wait3A = arith.constant 0 : i32
          %dma_wait3A_154 = tpu.memref_slice %arg3[%add3A_135, %dma_wait3A] : memref<320000x128xf32, #tpu.memory_space<hbm>> -> memref<160x128xf32, #tpu.memory_space<hbm>>
          %dma_wait3A_155 = arith.constant 0 : i32
          %dma_wait3A_156 = tpu.memref_slice %arg3[%add3A_135, %dma_wait3A_155] : memref<320000x128xf32, #tpu.memory_space<hbm>> -> memref<160x128xf32, #tpu.memory_space<hbm>>
          tpu.wait_dma2 semaphore(%run_scoped3A : memref<!tpu.dma_semaphore, #tpu.memory_space<semaphore_mem>>) src(%dma_wait3A_156 : memref<160x128xf32, #tpu.memory_space<hbm>>) dst(%arg12 : memref<160x128xf32, #tpu.memory_space<vmem>>)
          tpu.yield
        }) : () -> ()
        "tpu.region"() ({
          %run_scoped3A = tpu.sem_alloc : memref<!tpu.dma_semaphore, #tpu.memory_space<semaphore_mem>>
          %dma_start3A = arith.constant 0 : i32
          %dma_start3A_151 = arith.constant 0 : i32
          %dma_start3A_152 = tpu.memref_slice %arg14[%dma_start3A, %dma_start3A_151] : memref<5016x128xf32, #tpu.memory_space<vmem_shared>> -> memref<5016x128xf32, #tpu.memory_space<vmem_shared>>
          tpu.enqueue_indirect_dma source(%arg12 : memref<160x128xf32, #tpu.memory_space<vmem>>) target(%dma_start3A_152 : memref<5016x128xf32, #tpu.memory_space<vmem_shared>>) offsets(%arg11 : memref<160xi32, #tpu.memory_space<vmem>>) semaphore(%run_scoped3A : memref<!tpu.dma_semaphore, #tpu.memory_space<semaphore_mem>>) {add = true}
          %dma_wait3A = arith.constant 0 : i32
          %dma_wait3A_153 = arith.constant 0 : i32
          %dma_wait3A_154 = tpu.memref_slice %arg14[%dma_wait3A, %dma_wait3A_153] : memref<5016x128xf32, #tpu.memory_space<vmem_shared>> -> memref<5016x128xf32, #tpu.memory_space<vmem_shared>>
          tpu.wait_indirect_dma semaphore(%run_scoped3A : memref<!tpu.dma_semaphore, #tpu.memory_space<semaphore_mem>>) src(%arg12 : memref<160x128xf32, #tpu.memory_space<vmem>>) dst(%dma_wait3A_154 : memref<5016x128xf32, #tpu.memory_space<vmem_shared>>)
          tpu.yield
        }) : () -> ()
      } else {
      }
    }
    %scan3A_64 = arith.constant 125 : i32
    %barrier3A_65 = arith.constant 0 : index
    tpu.barrier barrier_id(%barrier3A_65)
    %eq3A_66 = arith.constant 0 : i32
    %eq3A_67 = arith.cmpi eq, %arg0, %eq3A_66 : i32
    %convert_element_type3A_68 = arith.extui %eq3A_67 : i1 to i32
    %cond3A_69 = arith.constant 0 : i32
    %cond3A_70 = arith.cmpi ne, %convert_element_type3A_68, %cond3A_69 : i32
    scf.if %cond3A_70 {
      %while3A_131 = arith.constant 0 : i32
      %while3A_132 = arith.subi %add3A_18, %while3A_131 : i32
      %while3A_133 = arith.addi %while3A_131, %while3A_132 : i32
      %while3A_134 = arith.constant 1 : i32
      %while3A_135 = arith.divsi %while3A_132, %while3A_134 : i32
      %while3A_136 = arith.muli %while3A_135, %while3A_134 : i32
      %while3A_137 = arith.addi %while3A_131, %while3A_136 : i32
      %while3A_138 = arith.constant 1 : i32
      scf.for %while3A_140 = %while3A_131 to %while3A_137 step %while3A_138  : i32 {
        %mul3A = arith.constant 16 : i32
        %mul3A_141 = arith.muli %while3A_140, %mul3A : i32
        %add3A_142 = arith.addi %arg1, %mul3A_141 : i32
        %mul3A_143 = arith.constant 200 : i32
        %mul3A_144 = arith.muli %add3A_142, %mul3A_143 : i32
        %add3A_145 = arith.constant 5000 : i32
        %add3A_146 = arith.addi %add3A_145, %mul3A_144 : i32
        "tpu.region"() ({
          %run_scoped3A = tpu.sem_alloc : memref<!tpu.dma_semaphore, #tpu.memory_space<semaphore_mem>>
          %dma_start3A = arith.constant 0 : i32
          %dma_start3A_147 = tpu.memref_slice %arg7[%add3A_146, %dma_start3A] : memref<10000x128xf32, #tpu.memory_space<hbm>> -> memref<200x128xf32, #tpu.memory_space<hbm>>
          %dma_start3A_148 = arith.constant 0 : i32
          %dma_start3A_149 = tpu.memref_slice %arg14[%mul3A_144, %dma_start3A_148] : memref<5016x128xf32, #tpu.memory_space<vmem_shared>> -> memref<200x128xf32, #tpu.memory_space<vmem_shared>>
          tpu.enqueue_dma source(%dma_start3A_149 : memref<200x128xf32, #tpu.memory_space<vmem_shared>>) target(%dma_start3A_147 : memref<200x128xf32, #tpu.memory_space<hbm>>) target_semaphore(%run_scoped3A : memref<!tpu.dma_semaphore, #tpu.memory_space<semaphore_mem>>)
          %dma_wait3A = arith.constant 0 : i32
          %dma_wait3A_150 = tpu.memref_slice %arg7[%add3A_146, %dma_wait3A] : memref<10000x128xf32, #tpu.memory_space<hbm>> -> memref<200x128xf32, #tpu.memory_space<hbm>>
          %dma_wait3A_151 = arith.constant 0 : i32
          %dma_wait3A_152 = tpu.memref_slice %arg14[%mul3A_144, %dma_wait3A_151] : memref<5016x128xf32, #tpu.memory_space<vmem_shared>> -> memref<200x128xf32, #tpu.memory_space<vmem_shared>>
          tpu.wait_dma2 semaphore(%run_scoped3A : memref<!tpu.dma_semaphore, #tpu.memory_space<semaphore_mem>>) src(%dma_wait3A_152 : memref<200x128xf32, #tpu.memory_space<vmem_shared>>) dst(%dma_wait3A_150 : memref<200x128xf32, #tpu.memory_space<hbm>>)
          tpu.yield
        }) : () -> ()
      }
      %while3A_139 = arith.constant 1 : i32
      scf.for %while3A_140 = %while3A_137 to %while3A_133 step %while3A_139  : i32 {
        %mul3A = arith.constant 16 : i32
        %mul3A_141 = arith.muli %while3A_140, %mul3A : i32
        %add3A_142 = arith.addi %arg1, %mul3A_141 : i32
        %mul3A_143 = arith.constant 200 : i32
        %mul3A_144 = arith.muli %add3A_142, %mul3A_143 : i32
        %add3A_145 = arith.constant 5000 : i32
        %add3A_146 = arith.addi %add3A_145, %mul3A_144 : i32
        "tpu.region"() ({
          %run_scoped3A = tpu.sem_alloc : memref<!tpu.dma_semaphore, #tpu.memory_space<semaphore_mem>>
          %dma_start3A = arith.constant 0 : i32
          %dma_start3A_147 = tpu.memref_slice %arg7[%add3A_146, %dma_start3A] : memref<10000x128xf32, #tpu.memory_space<hbm>> -> memref<200x128xf32, #tpu.memory_space<hbm>>
          %dma_start3A_148 = arith.constant 0 : i32
          %dma_start3A_149 = tpu.memref_slice %arg14[%mul3A_144, %dma_start3A_148] : memref<5016x128xf32, #tpu.memory_space<vmem_shared>> -> memref<200x128xf32, #tpu.memory_space<vmem_shared>>
          tpu.enqueue_dma source(%dma_start3A_149 : memref<200x128xf32, #tpu.memory_space<vmem_shared>>) target(%dma_start3A_147 : memref<200x128xf32, #tpu.memory_space<hbm>>) target_semaphore(%run_scoped3A : memref<!tpu.dma_semaphore, #tpu.memory_space<semaphore_mem>>)
          %dma_wait3A = arith.constant 0 : i32
          %dma_wait3A_150 = tpu.memref_slice %arg7[%add3A_146, %dma_wait3A] : memref<10000x128xf32, #tpu.memory_space<hbm>> -> memref<200x128xf32, #tpu.memory_space<hbm>>
          %dma_wait3A_151 = arith.constant 0 : i32
          %dma_wait3A_152 = tpu.memref_slice %arg14[%mul3A_144, %dma_wait3A_151] : memref<5016x128xf32, #tpu.memory_space<vmem_shared>> -> memref<200x128xf32, #tpu.memory_space<vmem_shared>>
          tpu.wait_dma2 semaphore(%run_scoped3A : memref<!tpu.dma_semaphore, #tpu.memory_space<semaphore_mem>>) src(%dma_wait3A_152 : memref<200x128xf32, #tpu.memory_space<vmem_shared>>) dst(%dma_wait3A_150 : memref<200x128xf32, #tpu.memory_space<hbm>>)
          tpu.yield
        }) : () -> ()
      }
    } else {
    }
    %eq3A_71 = arith.constant 1 : i32
    %eq3A_72 = arith.cmpi eq, %arg0, %eq3A_71 : i32
    %convert_element_type3A_73 = arith.extui %eq3A_72 : i1 to i32
    %cond3A_74 = arith.constant 0 : i32
    %cond3A_75 = arith.cmpi ne, %convert_element_type3A_73, %cond3A_74 : i32
    scf.if %cond3A_75 {
      %while3A_131 = arith.constant 0 : i32
      %while3A_132 = arith.subi %add3A_18, %while3A_131 : i32
      %while3A_133 = arith.addi %while3A_131, %while3A_132 : i32
      %while3A_134 = arith.constant 1 : i32
      %while3A_135 = arith.divsi %while3A_132, %while3A_134 : i32
      %while3A_136 = arith.muli %while3A_135, %while3A_134 : i32
      %while3A_137 = arith.addi %while3A_131, %while3A_136 : i32
      %while3A_138 = arith.constant 1 : i32
      scf.for %while3A_140 = %while3A_131 to %while3A_137 step %while3A_138  : i32 {
        %mul3A = arith.constant 16 : i32
        %mul3A_141 = arith.muli %while3A_140, %mul3A : i32
        %add3A_142 = arith.addi %arg1, %mul3A_141 : i32
        %mul3A_143 = arith.constant 200 : i32
        %mul3A_144 = arith.muli %add3A_142, %mul3A_143 : i32
        %add3A_145 = arith.constant 5000 : i32
        %add3A_146 = arith.addi %add3A_145, %mul3A_144 : i32
        "tpu.region"() ({
          %run_scoped3A = tpu.sem_alloc : memref<!tpu.dma_semaphore, #tpu.memory_space<semaphore_mem>>
          %dma_start3A = arith.constant 0 : i32
          %dma_start3A_147 = tpu.memref_slice %arg8[%add3A_146, %dma_start3A] : memref<10000x128xf32, #tpu.memory_space<hbm>> -> memref<200x128xf32, #tpu.memory_space<hbm>>
          %dma_start3A_148 = arith.constant 0 : i32
          %dma_start3A_149 = tpu.memref_slice %arg14[%mul3A_144, %dma_start3A_148] : memref<5016x128xf32, #tpu.memory_space<vmem_shared>> -> memref<200x128xf32, #tpu.memory_space<vmem_shared>>
          tpu.enqueue_dma source(%dma_start3A_149 : memref<200x128xf32, #tpu.memory_space<vmem_shared>>) target(%dma_start3A_147 : memref<200x128xf32, #tpu.memory_space<hbm>>) target_semaphore(%run_scoped3A : memref<!tpu.dma_semaphore, #tpu.memory_space<semaphore_mem>>)
          %dma_wait3A = arith.constant 0 : i32
          %dma_wait3A_150 = tpu.memref_slice %arg8[%add3A_146, %dma_wait3A] : memref<10000x128xf32, #tpu.memory_space<hbm>> -> memref<200x128xf32, #tpu.memory_space<hbm>>
          %dma_wait3A_151 = arith.constant 0 : i32
          %dma_wait3A_152 = tpu.memref_slice %arg14[%mul3A_144, %dma_wait3A_151] : memref<5016x128xf32, #tpu.memory_space<vmem_shared>> -> memref<200x128xf32, #tpu.memory_space<vmem_shared>>
          tpu.wait_dma2 semaphore(%run_scoped3A : memref<!tpu.dma_semaphore, #tpu.memory_space<semaphore_mem>>) src(%dma_wait3A_152 : memref<200x128xf32, #tpu.memory_space<vmem_shared>>) dst(%dma_wait3A_150 : memref<200x128xf32, #tpu.memory_space<hbm>>)
          tpu.yield
        }) : () -> ()
      }
      %while3A_139 = arith.constant 1 : i32
      scf.for %while3A_140 = %while3A_137 to %while3A_133 step %while3A_139  : i32 {
        %mul3A = arith.constant 16 : i32
        %mul3A_141 = arith.muli %while3A_140, %mul3A : i32
        %add3A_142 = arith.addi %arg1, %mul3A_141 : i32
        %mul3A_143 = arith.constant 200 : i32
        %mul3A_144 = arith.muli %add3A_142, %mul3A_143 : i32
        %add3A_145 = arith.constant 5000 : i32
        %add3A_146 = arith.addi %add3A_145, %mul3A_144 : i32
        "tpu.region"() ({
          %run_scoped3A = tpu.sem_alloc : memref<!tpu.dma_semaphore, #tpu.memory_space<semaphore_mem>>
          %dma_start3A = arith.constant 0 : i32
          %dma_start3A_147 = tpu.memref_slice %arg8[%add3A_146, %dma_start3A] : memref<10000x128xf32, #tpu.memory_space<hbm>> -> memref<200x128xf32, #tpu.memory_space<hbm>>
          %dma_start3A_148 = arith.constant 0 : i32
          %dma_start3A_149 = tpu.memref_slice %arg14[%mul3A_144, %dma_start3A_148] : memref<5016x128xf32, #tpu.memory_space<vmem_shared>> -> memref<200x128xf32, #tpu.memory_space<vmem_shared>>
          tpu.enqueue_dma source(%dma_start3A_149 : memref<200x128xf32, #tpu.memory_space<vmem_shared>>) target(%dma_start3A_147 : memref<200x128xf32, #tpu.memory_space<hbm>>) target_semaphore(%run_scoped3A : memref<!tpu.dma_semaphore, #tpu.memory_space<semaphore_mem>>)
          %dma_wait3A = arith.constant 0 : i32
          %dma_wait3A_150 = tpu.memref_slice %arg8[%add3A_146, %dma_wait3A] : memref<10000x128xf32, #tpu.memory_space<hbm>> -> memref<200x128xf32, #tpu.memory_space<hbm>>
          %dma_wait3A_151 = arith.constant 0 : i32
          %dma_wait3A_152 = tpu.memref_slice %arg14[%mul3A_144, %dma_wait3A_151] : memref<5016x128xf32, #tpu.memory_space<vmem_shared>> -> memref<200x128xf32, #tpu.memory_space<vmem_shared>>
          tpu.wait_dma2 semaphore(%run_scoped3A : memref<!tpu.dma_semaphore, #tpu.memory_space<semaphore_mem>>) src(%dma_wait3A_152 : memref<200x128xf32, #tpu.memory_space<vmem_shared>>) dst(%dma_wait3A_150 : memref<200x128xf32, #tpu.memory_space<hbm>>)
          tpu.yield
        }) : () -> ()
      }
    } else {
    }
    %barrier3A_76 = arith.constant 0 : index
    tpu.barrier barrier_id(%barrier3A_76)
    %while3A_77 = arith.constant 0 : i32
    %while3A_78 = arith.subi %add3A_18, %while3A_77 : i32
    %while3A_79 = arith.addi %while3A_77, %while3A_78 : i32
    %while3A_80 = arith.constant 1 : i32
    %while3A_81 = arith.divsi %while3A_78, %while3A_80 : i32
    %while3A_82 = arith.muli %while3A_81, %while3A_80 : i32
    %while3A_83 = arith.addi %while3A_77, %while3A_82 : i32
    %while3A_84 = arith.constant 1 : i32
    scf.for %while3A_131 = %while3A_77 to %while3A_83 step %while3A_84  : i32 {
      %mul3A = arith.constant 16 : i32
      %mul3A_132 = arith.muli %while3A_131, %mul3A : i32
      %add3A_133 = arith.addi %arg1, %mul3A_132 : i32
      %mul3A_134 = arith.constant 200 : i32
      %mul3A_135 = arith.muli %add3A_133, %mul3A_134 : i32
      "tpu.region"() ({
        %run_scoped3A = tpu.sem_alloc : memref<!tpu.dma_semaphore, #tpu.memory_space<semaphore_mem>>
        %dma_start3A = arith.constant 0 : i32
        %dma_start3A_136 = tpu.memref_slice %arg14[%mul3A_135, %dma_start3A] : memref<5016x128xf32, #tpu.memory_space<vmem_shared>> -> memref<200x128xf32, #tpu.memory_space<vmem_shared>>
        tpu.enqueue_dma source(%arg5 : memref<200x128xf32, #tpu.memory_space<hbm>>) target(%dma_start3A_136 : memref<200x128xf32, #tpu.memory_space<vmem_shared>>) target_semaphore(%run_scoped3A : memref<!tpu.dma_semaphore, #tpu.memory_space<semaphore_mem>>)
        %dma_wait3A = arith.constant 0 : i32
        %dma_wait3A_137 = tpu.memref_slice %arg14[%mul3A_135, %dma_wait3A] : memref<5016x128xf32, #tpu.memory_space<vmem_shared>> -> memref<200x128xf32, #tpu.memory_space<vmem_shared>>
        tpu.wait_dma2 semaphore(%run_scoped3A : memref<!tpu.dma_semaphore, #tpu.memory_space<semaphore_mem>>) src(%arg5 : memref<200x128xf32, #tpu.memory_space<hbm>>) dst(%dma_wait3A_137 : memref<200x128xf32, #tpu.memory_space<vmem_shared>>)
        tpu.yield
      }) : () -> ()
    }
    %while3A_85 = arith.constant 1 : i32
    scf.for %while3A_131 = %while3A_83 to %while3A_79 step %while3A_85  : i32 {
      %mul3A = arith.constant 16 : i32
      %mul3A_132 = arith.muli %while3A_131, %mul3A : i32
      %add3A_133 = arith.addi %arg1, %mul3A_132 : i32
      %mul3A_134 = arith.constant 200 : i32
      %mul3A_135 = arith.muli %add3A_133, %mul3A_134 : i32
      "tpu.region"() ({
        %run_scoped3A = tpu.sem_alloc : memref<!tpu.dma_semaphore, #tpu.memory_space<semaphore_mem>>
        %dma_start3A = arith.constant 0 : i32
        %dma_start3A_136 = tpu.memref_slice %arg14[%mul3A_135, %dma_start3A] : memref<5016x128xf32, #tpu.memory_space<vmem_shared>> -> memref<200x128xf32, #tpu.memory_space<vmem_shared>>
        tpu.enqueue_dma source(%arg5 : memref<200x128xf32, #tpu.memory_space<hbm>>) target(%dma_start3A_136 : memref<200x128xf32, #tpu.memory_space<vmem_shared>>) target_semaphore(%run_scoped3A : memref<!tpu.dma_semaphore, #tpu.memory_space<semaphore_mem>>)
        %dma_wait3A = arith.constant 0 : i32
        %dma_wait3A_137 = tpu.memref_slice %arg14[%mul3A_135, %dma_wait3A] : memref<5016x128xf32, #tpu.memory_space<vmem_shared>> -> memref<200x128xf32, #tpu.memory_space<vmem_shared>>
        tpu.wait_dma2 semaphore(%run_scoped3A : memref<!tpu.dma_semaphore, #tpu.memory_space<semaphore_mem>>) src(%arg5 : memref<200x128xf32, #tpu.memory_space<hbm>>) dst(%dma_wait3A_137 : memref<200x128xf32, #tpu.memory_space<vmem_shared>>)
        tpu.yield
      }) : () -> ()
    }
    %eq3A_86 = arith.constant 0 : i32
    %eq3A_87 = arith.cmpi eq, %arg1, %eq3A_86 : i32
    %convert_element_type3A_88 = arith.extui %eq3A_87 : i1 to i32
    %cond3A_89 = arith.constant 0 : i32
    %cond3A_90 = arith.cmpi ne, %convert_element_type3A_88, %cond3A_89 : i32
    scf.if %cond3A_90 {
      "tpu.region"() ({
        %run_scoped3A = tpu.sem_alloc : memref<!tpu.dma_semaphore, #tpu.memory_space<semaphore_mem>>
        %dma_start3A = arith.constant 5000 : i32
        %dma_start3A_131 = arith.constant 0 : i32
        %dma_start3A_132 = tpu.memref_slice %arg14[%dma_start3A, %dma_start3A_131] : memref<5016x128xf32, #tpu.memory_space<vmem_shared>> -> memref<16x128xf32, #tpu.memory_space<vmem_shared>>
        %dma_start3A_133 = arith.constant 0 : i32
        %dma_start3A_134 = arith.constant 0 : i32
        %dma_start3A_135 = tpu.memref_slice %arg5[%dma_start3A_133, %dma_start3A_134] : memref<200x128xf32, #tpu.memory_space<hbm>> -> memref<16x128xf32, #tpu.memory_space<hbm>>
        tpu.enqueue_dma source(%dma_start3A_135 : memref<16x128xf32, #tpu.memory_space<hbm>>) target(%dma_start3A_132 : memref<16x128xf32, #tpu.memory_space<vmem_shared>>) target_semaphore(%run_scoped3A : memref<!tpu.dma_semaphore, #tpu.memory_space<semaphore_mem>>)
        %dma_wait3A = arith.constant 5000 : i32
        %dma_wait3A_136 = arith.constant 0 : i32
        %dma_wait3A_137 = tpu.memref_slice %arg14[%dma_wait3A, %dma_wait3A_136] : memref<5016x128xf32, #tpu.memory_space<vmem_shared>> -> memref<16x128xf32, #tpu.memory_space<vmem_shared>>
        %dma_wait3A_138 = arith.constant 0 : i32
        %dma_wait3A_139 = arith.constant 0 : i32
        %dma_wait3A_140 = tpu.memref_slice %arg5[%dma_wait3A_138, %dma_wait3A_139] : memref<200x128xf32, #tpu.memory_space<hbm>> -> memref<16x128xf32, #tpu.memory_space<hbm>>
        tpu.wait_dma2 semaphore(%run_scoped3A : memref<!tpu.dma_semaphore, #tpu.memory_space<semaphore_mem>>) src(%dma_wait3A_140 : memref<16x128xf32, #tpu.memory_space<hbm>>) dst(%dma_wait3A_137 : memref<16x128xf32, #tpu.memory_space<vmem_shared>>)
        tpu.yield
      }) : () -> ()
    } else {
    }
    %barrier3A_91 = arith.constant 0 : index
    tpu.barrier barrier_id(%barrier3A_91)
    %eq3A_92 = arith.constant 1 : i32
    %eq3A_93 = arith.cmpi eq, %arg0, %eq3A_92 : i32
    %convert_element_type3A_94 = arith.extui %eq3A_93 : i1 to i32
    %cond3A_95 = arith.constant 0 : i32
    %cond3A_96 = arith.cmpi ne, %convert_element_type3A_94, %cond3A_95 : i32
    scf.if %cond3A_96 {
      %scan3A_131 = arith.constant 0 : i32
      %scan3A_132 = arith.constant 125 : i32
      %scan3A_133 = arith.addi %scan3A_131, %scan3A_132 : i32
      %scan3A_134 = arith.constant 1 : i32
      scf.for %scan3A_136 = %scan3A_131 to %scan3A_133 step %scan3A_134  : i32 {
        %mul3A = arith.constant 20000 : i32
        %mul3A_137 = arith.muli %arg1, %mul3A : i32
        %mul3A_138 = arith.constant 160 : i32
        %mul3A_139 = arith.muli %scan3A_136, %mul3A_138 : i32
        %add3A_140 = arith.addi %mul3A_137, %mul3A_139 : i32
        "tpu.region"() ({
          %run_scoped3A = tpu.sem_alloc : memref<!tpu.dma_semaphore, #tpu.memory_space<semaphore_mem>>
          %dma_start3A = tpu.memref_slice %arg4[%add3A_140] : memref<320000xi32, #tpu.memory_space<hbm>> -> memref<160xi32, #tpu.memory_space<hbm>>
          %dma_start3A_146 = tpu.memref_slice %arg4[%add3A_140] : memref<320000xi32, #tpu.memory_space<hbm>> -> memref<160xi32, #tpu.memory_space<hbm>>
          tpu.enqueue_dma source(%dma_start3A_146 : memref<160xi32, #tpu.memory_space<hbm>>) target(%arg10 : memref<160xi32, #tpu.memory_space<vmem>>) target_semaphore(%run_scoped3A : memref<!tpu.dma_semaphore, #tpu.memory_space<semaphore_mem>>)
          %dma_wait3A = tpu.memref_slice %arg4[%add3A_140] : memref<320000xi32, #tpu.memory_space<hbm>> -> memref<160xi32, #tpu.memory_space<hbm>>
          %dma_wait3A_147 = tpu.memref_slice %arg4[%add3A_140] : memref<320000xi32, #tpu.memory_space<hbm>> -> memref<160xi32, #tpu.memory_space<hbm>>
          tpu.wait_dma2 semaphore(%run_scoped3A : memref<!tpu.dma_semaphore, #tpu.memory_space<semaphore_mem>>) src(%dma_wait3A_147 : memref<160xi32, #tpu.memory_space<hbm>>) dst(%arg10 : memref<160xi32, #tpu.memory_space<vmem>>)
          tpu.yield
        }) : () -> ()
        %scan3A_141 = arith.constant 0 : i32
        %scan3A_142 = arith.constant 10 : i32
        %scan3A_143 = arith.addi %scan3A_141, %scan3A_142 : i32
        %scan3A_144 = arith.constant 1 : i32
        scf.for %scan3A_146 = %scan3A_141 to %scan3A_143 step %scan3A_144  : i32 {
          %mul3A_147 = arith.constant 16 : i32
          %mul3A_148 = arith.muli %scan3A_146, %mul3A_147 : i32
          %get3A = arith.index_cast %mul3A_148 : i32 to index
          %get3A_149 = tpu.vector_load %arg10[%get3A] {strides = array<i32>} : memref<160xi32, #tpu.memory_space<vmem>>, vector<16xi32>,
          %ge3A = arith.constant 0 : i32
          %ge3A_150 = vector.broadcast %ge3A : i32 to vector<16xi32>
          %ge3A_151 = arith.cmpi sge, %get3A_149, %ge3A_150 : vector<16xi32>
          %lt3A = arith.constant 5000 : i32
          %lt3A_152 = vector.broadcast %lt3A : i32 to vector<16xi32>
          %lt3A_153 = arith.cmpi slt, %get3A_149, %lt3A_152 : vector<16xi32>
          %and3A_154 = arith.andi %ge3A_151, %lt3A_153 : vector<16xi1>
          %and3A_155 = arith.constant 15 : i32
          %and3A_156 = vector.broadcast %and3A_155 : i32 to vector<16xi32>
          %and3A_157 = arith.andi %get3A_149, %and3A_156 : vector<16xi32>
          %add3A_158 = arith.constant 5000 : i32
          %add3A_159 = vector.broadcast %add3A_158 : i32 to vector<16xi32>
          %add3A_160 = arith.addi %add3A_159, %and3A_157 : vector<16xi32>
          %sub3A_161 = arith.constant 0 : i32
          %sub3A_162 = vector.broadcast %sub3A_161 : i32 to vector<16xi32>
          %sub3A_163 = arith.subi %get3A_149, %sub3A_162 : vector<16xi32>
          %select_n3A_164 = arith.select %and3A_154, %sub3A_163, %add3A_160 : vector<16xi1>, vector<16xi32>
          %mul3A_165 = arith.constant 16 : i32
          %mul3A_166 = arith.muli %scan3A_146, %mul3A_165 : i32
          %swap3A = arith.index_cast %mul3A_166 : i32 to index
          %swap3A_167 = tpu.vector_load %arg11[%swap3A] {strides = array<i32>} : memref<160xi32, #tpu.memory_space<vmem>>, vector<16xi32>,
          tpu.vector_store %arg11[%swap3A], %select_n3A_164 {strides = array<i32>} : memref<160xi32, #tpu.memory_space<vmem>>, vector<16xi32>,
        }
        %scan3A_145 = arith.constant 10 : i32
        "tpu.region"() ({
          %run_scoped3A = tpu.sem_alloc : memref<!tpu.dma_semaphore, #tpu.memory_space<semaphore_mem>>
          %dma_start3A = arith.constant 0 : i32
          %dma_start3A_146 = tpu.memref_slice %arg11[%dma_start3A] : memref<160xi32, #tpu.memory_space<vmem>> -> memref<80xi32, #tpu.memory_space<vmem>>
          %dma_start3A_147 = arith.constant 0 : i32
          %dma_start3A_148 = arith.constant 0 : i32
          %dma_start3A_149 = tpu.memref_slice %arg14[%dma_start3A_147, %dma_start3A_148] : memref<5016x128xf32, #tpu.memory_space<vmem_shared>> -> memref<5016x128xf32, #tpu.memory_space<vmem_shared>>
          tpu.enqueue_indirect_dma source(%arg13 : memref<80x128xf32, #tpu.memory_space<vmem>>) target(%dma_start3A_149 : memref<5016x128xf32, #tpu.memory_space<vmem_shared>>) offsets(%dma_start3A_146 : memref<80xi32, #tpu.memory_space<vmem>>) semaphore(%run_scoped3A : memref<!tpu.dma_semaphore, #tpu.memory_space<semaphore_mem>>) {add = true}
          %dma_wait3A = arith.constant 0 : i32
          %dma_wait3A_150 = tpu.memref_slice %arg11[%dma_wait3A] : memref<160xi32, #tpu.memory_space<vmem>> -> memref<80xi32, #tpu.memory_space<vmem>>
          %dma_wait3A_151 = arith.constant 0 : i32
          %dma_wait3A_152 = arith.constant 0 : i32
          %dma_wait3A_153 = tpu.memref_slice %arg14[%dma_wait3A_151, %dma_wait3A_152] : memref<5016x128xf32, #tpu.memory_space<vmem_shared>> -> memref<5016x128xf32, #tpu.memory_space<vmem_shared>>
          tpu.wait_indirect_dma semaphore(%run_scoped3A : memref<!tpu.dma_semaphore, #tpu.memory_space<semaphore_mem>>) src(%arg13 : memref<80x128xf32, #tpu.memory_space<vmem>>) dst(%dma_wait3A_153 : memref<5016x128xf32, #tpu.memory_space<vmem_shared>>)
          tpu.yield
        }) : () -> ()
        "tpu.region"() ({
          %run_scoped3A = tpu.sem_alloc : memref<!tpu.dma_semaphore, #tpu.memory_space<semaphore_mem>>
          %dma_start3A = arith.constant 80 : i32
          %dma_start3A_146 = tpu.memref_slice %arg11[%dma_start3A] : memref<160xi32, #tpu.memory_space<vmem>> -> memref<80xi32, #tpu.memory_space<vmem>>
          %dma_start3A_147 = arith.constant 0 : i32
          %dma_start3A_148 = arith.constant 0 : i32
          %dma_start3A_149 = tpu.memref_slice %arg14[%dma_start3A_147, %dma_start3A_148] : memref<5016x128xf32, #tpu.memory_space<vmem_shared>> -> memref<5016x128xf32, #tpu.memory_space<vmem_shared>>
          tpu.enqueue_indirect_dma source(%arg13 : memref<80x128xf32, #tpu.memory_space<vmem>>) target(%dma_start3A_149 : memref<5016x128xf32, #tpu.memory_space<vmem_shared>>) offsets(%dma_start3A_146 : memref<80xi32, #tpu.memory_space<vmem>>) semaphore(%run_scoped3A : memref<!tpu.dma_semaphore, #tpu.memory_space<semaphore_mem>>) {add = true}
          %dma_wait3A = arith.constant 80 : i32
          %dma_wait3A_150 = tpu.memref_slice %arg11[%dma_wait3A] : memref<160xi32, #tpu.memory_space<vmem>> -> memref<80xi32, #tpu.memory_space<vmem>>
          %dma_wait3A_151 = arith.constant 0 : i32
          %dma_wait3A_152 = arith.constant 0 : i32
          %dma_wait3A_153 = tpu.memref_slice %arg14[%dma_wait3A_151, %dma_wait3A_152] : memref<5016x128xf32, #tpu.memory_space<vmem_shared>> -> memref<5016x128xf32, #tpu.memory_space<vmem_shared>>
          tpu.wait_indirect_dma semaphore(%run_scoped3A : memref<!tpu.dma_semaphore, #tpu.memory_space<semaphore_mem>>) src(%arg13 : memref<80x128xf32, #tpu.memory_space<vmem>>) dst(%dma_wait3A_153 : memref<5016x128xf32, #tpu.memory_space<vmem_shared>>)
          tpu.yield
        }) : () -> ()
      }
      %scan3A_135 = arith.constant 125 : i32
    } else {
    }
    %barrier3A_97 = arith.constant 0 : index
    tpu.barrier barrier_id(%barrier3A_97)
    %eq3A_98 = arith.constant 1 : i32
    %eq3A_99 = arith.cmpi eq, %arg0, %eq3A_98 : i32
    %convert_element_type3A_100 = arith.extui %eq3A_99 : i1 to i32
    %cond3A_101 = arith.constant 0 : i32
    %cond3A_102 = arith.cmpi ne, %convert_element_type3A_100, %cond3A_101 : i32
    scf.if %cond3A_102 {
      %while3A_131 = arith.constant 0 : i32
      %while3A_132 = arith.subi %add3A_18, %while3A_131 : i32
      %while3A_133 = arith.addi %while3A_131, %while3A_132 : i32
      %while3A_134 = arith.constant 1 : i32
      %while3A_135 = arith.divsi %while3A_132, %while3A_134 : i32
      %while3A_136 = arith.muli %while3A_135, %while3A_134 : i32
      %while3A_137 = arith.addi %while3A_131, %while3A_136 : i32
      %while3A_138 = arith.constant 1 : i32
      scf.for %while3A_140 = %while3A_131 to %while3A_137 step %while3A_138  : i32 {
        %mul3A = arith.constant 16 : i32
        %mul3A_141 = arith.muli %while3A_140, %mul3A : i32
        %add3A_142 = arith.addi %arg1, %mul3A_141 : i32
        %mul3A_143 = arith.constant 200 : i32
        %mul3A_144 = arith.muli %add3A_142, %mul3A_143 : i32
        %add3A_145 = arith.constant 0 : i32
        %add3A_146 = arith.addi %add3A_145, %mul3A_144 : i32
        "tpu.region"() ({
          %run_scoped3A = tpu.sem_alloc : memref<!tpu.dma_semaphore, #tpu.memory_space<semaphore_mem>>
          %dma_start3A = arith.constant 0 : i32
          %dma_start3A_147 = tpu.memref_slice %arg9[%add3A_146, %dma_start3A] : memref<10000x128xf32, #tpu.memory_space<hbm>> -> memref<200x128xf32, #tpu.memory_space<hbm>>
          %dma_start3A_148 = arith.constant 0 : i32
          %dma_start3A_149 = tpu.memref_slice %arg14[%mul3A_144, %dma_start3A_148] : memref<5016x128xf32, #tpu.memory_space<vmem_shared>> -> memref<200x128xf32, #tpu.memory_space<vmem_shared>>
          tpu.enqueue_dma source(%dma_start3A_149 : memref<200x128xf32, #tpu.memory_space<vmem_shared>>) target(%dma_start3A_147 : memref<200x128xf32, #tpu.memory_space<hbm>>) target_semaphore(%run_scoped3A : memref<!tpu.dma_semaphore, #tpu.memory_space<semaphore_mem>>)
          %dma_wait3A = arith.constant 0 : i32
          %dma_wait3A_150 = tpu.memref_slice %arg9[%add3A_146, %dma_wait3A] : memref<10000x128xf32, #tpu.memory_space<hbm>> -> memref<200x128xf32, #tpu.memory_space<hbm>>
          %dma_wait3A_151 = arith.constant 0 : i32
          %dma_wait3A_152 = tpu.memref_slice %arg14[%mul3A_144, %dma_wait3A_151] : memref<5016x128xf32, #tpu.memory_space<vmem_shared>> -> memref<200x128xf32, #tpu.memory_space<vmem_shared>>
          tpu.wait_dma2 semaphore(%run_scoped3A : memref<!tpu.dma_semaphore, #tpu.memory_space<semaphore_mem>>) src(%dma_wait3A_152 : memref<200x128xf32, #tpu.memory_space<vmem_shared>>) dst(%dma_wait3A_150 : memref<200x128xf32, #tpu.memory_space<hbm>>)
          tpu.yield
        }) : () -> ()
      }
      %while3A_139 = arith.constant 1 : i32
      scf.for %while3A_140 = %while3A_137 to %while3A_133 step %while3A_139  : i32 {
        %mul3A = arith.constant 16 : i32
        %mul3A_141 = arith.muli %while3A_140, %mul3A : i32
        %add3A_142 = arith.addi %arg1, %mul3A_141 : i32
        %mul3A_143 = arith.constant 200 : i32
        %mul3A_144 = arith.muli %add3A_142, %mul3A_143 : i32
        %add3A_145 = arith.constant 0 : i32
        %add3A_146 = arith.addi %add3A_145, %mul3A_144 : i32
        "tpu.region"() ({
          %run_scoped3A = tpu.sem_alloc : memref<!tpu.dma_semaphore, #tpu.memory_space<semaphore_mem>>
          %dma_start3A = arith.constant 0 : i32
          %dma_start3A_147 = tpu.memref_slice %arg9[%add3A_146, %dma_start3A] : memref<10000x128xf32, #tpu.memory_space<hbm>> -> memref<200x128xf32, #tpu.memory_space<hbm>>
          %dma_start3A_148 = arith.constant 0 : i32
          %dma_start3A_149 = tpu.memref_slice %arg14[%mul3A_144, %dma_start3A_148] : memref<5016x128xf32, #tpu.memory_space<vmem_shared>> -> memref<200x128xf32, #tpu.memory_space<vmem_shared>>
          tpu.enqueue_dma source(%dma_start3A_149 : memref<200x128xf32, #tpu.memory_space<vmem_shared>>) target(%dma_start3A_147 : memref<200x128xf32, #tpu.memory_space<hbm>>) target_semaphore(%run_scoped3A : memref<!tpu.dma_semaphore, #tpu.memory_space<semaphore_mem>>)
          %dma_wait3A = arith.constant 0 : i32
          %dma_wait3A_150 = tpu.memref_slice %arg9[%add3A_146, %dma_wait3A] : memref<10000x128xf32, #tpu.memory_space<hbm>> -> memref<200x128xf32, #tpu.memory_space<hbm>>
          %dma_wait3A_151 = arith.constant 0 : i32
          %dma_wait3A_152 = tpu.memref_slice %arg14[%mul3A_144, %dma_wait3A_151] : memref<5016x128xf32, #tpu.memory_space<vmem_shared>> -> memref<200x128xf32, #tpu.memory_space<vmem_shared>>
          tpu.wait_dma2 semaphore(%run_scoped3A : memref<!tpu.dma_semaphore, #tpu.memory_space<semaphore_mem>>) src(%dma_wait3A_152 : memref<200x128xf32, #tpu.memory_space<vmem_shared>>) dst(%dma_wait3A_150 : memref<200x128xf32, #tpu.memory_space<hbm>>)
          tpu.yield
        }) : () -> ()
      }
    } else {
    }
    %barrier3A_103 = arith.constant 0 : index
    tpu.barrier barrier_id(%barrier3A_103)
    %while3A_104 = arith.constant 0 : i32
    %while3A_105 = arith.subi %add3A_18, %while3A_104 : i32
    %while3A_106 = arith.addi %while3A_104, %while3A_105 : i32
    %while3A_107 = arith.constant 1 : i32
    %while3A_108 = arith.divsi %while3A_105, %while3A_107 : i32
    %while3A_109 = arith.muli %while3A_108, %while3A_107 : i32
    %while3A_110 = arith.addi %while3A_104, %while3A_109 : i32
    %while3A_111 = arith.constant 1 : i32
    scf.for %while3A_131 = %while3A_104 to %while3A_110 step %while3A_111  : i32 {
      %mul3A = arith.constant 16 : i32
      %mul3A_132 = arith.muli %while3A_131, %mul3A : i32
      %add3A_133 = arith.addi %arg1, %mul3A_132 : i32
      %mul3A_134 = arith.constant 200 : i32
      %mul3A_135 = arith.muli %add3A_133, %mul3A_134 : i32
      "tpu.region"() ({
        %run_scoped3A = tpu.sem_alloc : memref<!tpu.dma_semaphore, #tpu.memory_space<semaphore_mem>>
        %dma_start3A = arith.constant 0 : i32
        %dma_start3A_136 = tpu.memref_slice %arg14[%mul3A_135, %dma_start3A] : memref<5016x128xf32, #tpu.memory_space<vmem_shared>> -> memref<200x128xf32, #tpu.memory_space<vmem_shared>>
        tpu.enqueue_dma source(%arg5 : memref<200x128xf32, #tpu.memory_space<hbm>>) target(%dma_start3A_136 : memref<200x128xf32, #tpu.memory_space<vmem_shared>>) target_semaphore(%run_scoped3A : memref<!tpu.dma_semaphore, #tpu.memory_space<semaphore_mem>>)
        %dma_wait3A = arith.constant 0 : i32
        %dma_wait3A_137 = tpu.memref_slice %arg14[%mul3A_135, %dma_wait3A] : memref<5016x128xf32, #tpu.memory_space<vmem_shared>> -> memref<200x128xf32, #tpu.memory_space<vmem_shared>>
        tpu.wait_dma2 semaphore(%run_scoped3A : memref<!tpu.dma_semaphore, #tpu.memory_space<semaphore_mem>>) src(%arg5 : memref<200x128xf32, #tpu.memory_space<hbm>>) dst(%dma_wait3A_137 : memref<200x128xf32, #tpu.memory_space<vmem_shared>>)
        tpu.yield
      }) : () -> ()
    }
    %while3A_112 = arith.constant 1 : i32
    scf.for %while3A_131 = %while3A_110 to %while3A_106 step %while3A_112  : i32 {
      %mul3A = arith.constant 16 : i32
      %mul3A_132 = arith.muli %while3A_131, %mul3A : i32
      %add3A_133 = arith.addi %arg1, %mul3A_132 : i32
      %mul3A_134 = arith.constant 200 : i32
      %mul3A_135 = arith.muli %add3A_133, %mul3A_134 : i32
      "tpu.region"() ({
        %run_scoped3A = tpu.sem_alloc : memref<!tpu.dma_semaphore, #tpu.memory_space<semaphore_mem>>
        %dma_start3A = arith.constant 0 : i32
        %dma_start3A_136 = tpu.memref_slice %arg14[%mul3A_135, %dma_start3A] : memref<5016x128xf32, #tpu.memory_space<vmem_shared>> -> memref<200x128xf32, #tpu.memory_space<vmem_shared>>
        tpu.enqueue_dma source(%arg5 : memref<200x128xf32, #tpu.memory_space<hbm>>) target(%dma_start3A_136 : memref<200x128xf32, #tpu.memory_space<vmem_shared>>) target_semaphore(%run_scoped3A : memref<!tpu.dma_semaphore, #tpu.memory_space<semaphore_mem>>)
        %dma_wait3A = arith.constant 0 : i32
        %dma_wait3A_137 = tpu.memref_slice %arg14[%mul3A_135, %dma_wait3A] : memref<5016x128xf32, #tpu.memory_space<vmem_shared>> -> memref<200x128xf32, #tpu.memory_space<vmem_shared>>
        tpu.wait_dma2 semaphore(%run_scoped3A : memref<!tpu.dma_semaphore, #tpu.memory_space<semaphore_mem>>) src(%arg5 : memref<200x128xf32, #tpu.memory_space<hbm>>) dst(%dma_wait3A_137 : memref<200x128xf32, #tpu.memory_space<vmem_shared>>)
        tpu.yield
      }) : () -> ()
    }
    %eq3A_113 = arith.constant 0 : i32
    %eq3A_114 = arith.cmpi eq, %arg1, %eq3A_113 : i32
    %convert_element_type3A_115 = arith.extui %eq3A_114 : i1 to i32
    %cond3A_116 = arith.constant 0 : i32
    %cond3A_117 = arith.cmpi ne, %convert_element_type3A_115, %cond3A_116 : i32
    scf.if %cond3A_117 {
      "tpu.region"() ({
        %run_scoped3A = tpu.sem_alloc : memref<!tpu.dma_semaphore, #tpu.memory_space<semaphore_mem>>
        %dma_start3A = arith.constant 5000 : i32
        %dma_start3A_131 = arith.constant 0 : i32
        %dma_start3A_132 = tpu.memref_slice %arg14[%dma_start3A, %dma_start3A_131] : memref<5016x128xf32, #tpu.memory_space<vmem_shared>> -> memref<16x128xf32, #tpu.memory_space<vmem_shared>>
        %dma_start3A_133 = arith.constant 0 : i32
        %dma_start3A_134 = arith.constant 0 : i32
        %dma_start3A_135 = tpu.memref_slice %arg5[%dma_start3A_133, %dma_start3A_134] : memref<200x128xf32, #tpu.memory_space<hbm>> -> memref<16x128xf32, #tpu.memory_space<hbm>>
        tpu.enqueue_dma source(%dma_start3A_135 : memref<16x128xf32, #tpu.memory_space<hbm>>) target(%dma_start3A_132 : memref<16x128xf32, #tpu.memory_space<vmem_shared>>) target_semaphore(%run_scoped3A : memref<!tpu.dma_semaphore, #tpu.memory_space<semaphore_mem>>)
        %dma_wait3A = arith.constant 5000 : i32
        %dma_wait3A_136 = arith.constant 0 : i32
        %dma_wait3A_137 = tpu.memref_slice %arg14[%dma_wait3A, %dma_wait3A_136] : memref<5016x128xf32, #tpu.memory_space<vmem_shared>> -> memref<16x128xf32, #tpu.memory_space<vmem_shared>>
        %dma_wait3A_138 = arith.constant 0 : i32
        %dma_wait3A_139 = arith.constant 0 : i32
        %dma_wait3A_140 = tpu.memref_slice %arg5[%dma_wait3A_138, %dma_wait3A_139] : memref<200x128xf32, #tpu.memory_space<hbm>> -> memref<16x128xf32, #tpu.memory_space<hbm>>
        tpu.wait_dma2 semaphore(%run_scoped3A : memref<!tpu.dma_semaphore, #tpu.memory_space<semaphore_mem>>) src(%dma_wait3A_140 : memref<16x128xf32, #tpu.memory_space<hbm>>) dst(%dma_wait3A_137 : memref<16x128xf32, #tpu.memory_space<vmem_shared>>)
        tpu.yield
      }) : () -> ()
    } else {
    }
    %barrier3A_118 = arith.constant 0 : index
    tpu.barrier barrier_id(%barrier3A_118)
    %eq3A_119 = arith.constant 1 : i32
    %eq3A_120 = arith.cmpi eq, %arg0, %eq3A_119 : i32
    %convert_element_type3A_121 = arith.extui %eq3A_120 : i1 to i32
    %cond3A_122 = arith.constant 0 : i32
    %cond3A_123 = arith.cmpi ne, %convert_element_type3A_121, %cond3A_122 : i32
    scf.if %cond3A_123 {
      %scan3A_131 = arith.constant 0 : i32
      %scan3A_132 = arith.constant 125 : i32
      %scan3A_133 = arith.addi %scan3A_131, %scan3A_132 : i32
      %scan3A_134 = arith.constant 1 : i32
      scf.for %scan3A_136 = %scan3A_131 to %scan3A_133 step %scan3A_134  : i32 {
        %mul3A = arith.constant 20000 : i32
        %mul3A_137 = arith.muli %arg1, %mul3A : i32
        %mul3A_138 = arith.constant 160 : i32
        %mul3A_139 = arith.muli %scan3A_136, %mul3A_138 : i32
        %add3A_140 = arith.addi %mul3A_137, %mul3A_139 : i32
        "tpu.region"() ({
          %run_scoped3A = tpu.sem_alloc : memref<!tpu.dma_semaphore, #tpu.memory_space<semaphore_mem>>
          %dma_start3A = tpu.memref_slice %arg4[%add3A_140] : memref<320000xi32, #tpu.memory_space<hbm>> -> memref<160xi32, #tpu.memory_space<hbm>>
          %dma_start3A_146 = tpu.memref_slice %arg4[%add3A_140] : memref<320000xi32, #tpu.memory_space<hbm>> -> memref<160xi32, #tpu.memory_space<hbm>>
          tpu.enqueue_dma source(%dma_start3A_146 : memref<160xi32, #tpu.memory_space<hbm>>) target(%arg10 : memref<160xi32, #tpu.memory_space<vmem>>) target_semaphore(%run_scoped3A : memref<!tpu.dma_semaphore, #tpu.memory_space<semaphore_mem>>)
          %dma_wait3A = tpu.memref_slice %arg4[%add3A_140] : memref<320000xi32, #tpu.memory_space<hbm>> -> memref<160xi32, #tpu.memory_space<hbm>>
          %dma_wait3A_147 = tpu.memref_slice %arg4[%add3A_140] : memref<320000xi32, #tpu.memory_space<hbm>> -> memref<160xi32, #tpu.memory_space<hbm>>
          tpu.wait_dma2 semaphore(%run_scoped3A : memref<!tpu.dma_semaphore, #tpu.memory_space<semaphore_mem>>) src(%dma_wait3A_147 : memref<160xi32, #tpu.memory_space<hbm>>) dst(%arg10 : memref<160xi32, #tpu.memory_space<vmem>>)
          tpu.yield
        }) : () -> ()
        %scan3A_141 = arith.constant 0 : i32
        %scan3A_142 = arith.constant 10 : i32
        %scan3A_143 = arith.addi %scan3A_141, %scan3A_142 : i32
        %scan3A_144 = arith.constant 1 : i32
        scf.for %scan3A_146 = %scan3A_141 to %scan3A_143 step %scan3A_144  : i32 {
          %mul3A_147 = arith.constant 16 : i32
          %mul3A_148 = arith.muli %scan3A_146, %mul3A_147 : i32
          %get3A = arith.index_cast %mul3A_148 : i32 to index
          %get3A_149 = tpu.vector_load %arg10[%get3A] {strides = array<i32>} : memref<160xi32, #tpu.memory_space<vmem>>, vector<16xi32>,
          %ge3A = arith.constant 5000 : i32
          %ge3A_150 = vector.broadcast %ge3A : i32 to vector<16xi32>
          %ge3A_151 = arith.cmpi sge, %get3A_149, %ge3A_150 : vector<16xi32>
          %lt3A = arith.constant 10000 : i32
          %lt3A_152 = vector.broadcast %lt3A : i32 to vector<16xi32>
          %lt3A_153 = arith.cmpi slt, %get3A_149, %lt3A_152 : vector<16xi32>
          %and3A_154 = arith.andi %ge3A_151, %lt3A_153 : vector<16xi1>
          %and3A_155 = arith.constant 15 : i32
          %and3A_156 = vector.broadcast %and3A_155 : i32 to vector<16xi32>
          %and3A_157 = arith.andi %get3A_149, %and3A_156 : vector<16xi32>
          %add3A_158 = arith.constant 5000 : i32
          %add3A_159 = vector.broadcast %add3A_158 : i32 to vector<16xi32>
          %add3A_160 = arith.addi %add3A_159, %and3A_157 : vector<16xi32>
          %sub3A_161 = arith.constant 5000 : i32
          %sub3A_162 = vector.broadcast %sub3A_161 : i32 to vector<16xi32>
          %sub3A_163 = arith.subi %get3A_149, %sub3A_162 : vector<16xi32>
          %select_n3A_164 = arith.select %and3A_154, %sub3A_163, %add3A_160 : vector<16xi1>, vector<16xi32>
          %mul3A_165 = arith.constant 16 : i32
          %mul3A_166 = arith.muli %scan3A_146, %mul3A_165 : i32
          %swap3A = arith.index_cast %mul3A_166 : i32 to index
          %swap3A_167 = tpu.vector_load %arg11[%swap3A] {strides = array<i32>} : memref<160xi32, #tpu.memory_space<vmem>>, vector<16xi32>,
          tpu.vector_store %arg11[%swap3A], %select_n3A_164 {strides = array<i32>} : memref<160xi32, #tpu.memory_space<vmem>>, vector<16xi32>,
        }
        %scan3A_145 = arith.constant 10 : i32
        "tpu.region"() ({
          %run_scoped3A = tpu.sem_alloc : memref<!tpu.dma_semaphore, #tpu.memory_space<semaphore_mem>>
          %dma_start3A = arith.constant 0 : i32
          %dma_start3A_146 = tpu.memref_slice %arg11[%dma_start3A] : memref<160xi32, #tpu.memory_space<vmem>> -> memref<80xi32, #tpu.memory_space<vmem>>
          %dma_start3A_147 = arith.constant 0 : i32
          %dma_start3A_148 = arith.constant 0 : i32
          %dma_start3A_149 = tpu.memref_slice %arg14[%dma_start3A_147, %dma_start3A_148] : memref<5016x128xf32, #tpu.memory_space<vmem_shared>> -> memref<5016x128xf32, #tpu.memory_space<vmem_shared>>
          tpu.enqueue_indirect_dma source(%arg13 : memref<80x128xf32, #tpu.memory_space<vmem>>) target(%dma_start3A_149 : memref<5016x128xf32, #tpu.memory_space<vmem_shared>>) offsets(%dma_start3A_146 : memref<80xi32, #tpu.memory_space<vmem>>) semaphore(%run_scoped3A : memref<!tpu.dma_semaphore, #tpu.memory_space<semaphore_mem>>) {add = true}
          %dma_wait3A = arith.constant 0 : i32
          %dma_wait3A_150 = tpu.memref_slice %arg11[%dma_wait3A] : memref<160xi32, #tpu.memory_space<vmem>> -> memref<80xi32, #tpu.memory_space<vmem>>
          %dma_wait3A_151 = arith.constant 0 : i32
          %dma_wait3A_152 = arith.constant 0 : i32
          %dma_wait3A_153 = tpu.memref_slice %arg14[%dma_wait3A_151, %dma_wait3A_152] : memref<5016x128xf32, #tpu.memory_space<vmem_shared>> -> memref<5016x128xf32, #tpu.memory_space<vmem_shared>>
          tpu.wait_indirect_dma semaphore(%run_scoped3A : memref<!tpu.dma_semaphore, #tpu.memory_space<semaphore_mem>>) src(%arg13 : memref<80x128xf32, #tpu.memory_space<vmem>>) dst(%dma_wait3A_153 : memref<5016x128xf32, #tpu.memory_space<vmem_shared>>)
          tpu.yield
        }) : () -> ()
        "tpu.region"() ({
          %run_scoped3A = tpu.sem_alloc : memref<!tpu.dma_semaphore, #tpu.memory_space<semaphore_mem>>
          %dma_start3A = arith.constant 80 : i32
          %dma_start3A_146 = tpu.memref_slice %arg11[%dma_start3A] : memref<160xi32, #tpu.memory_space<vmem>> -> memref<80xi32, #tpu.memory_space<vmem>>
          %dma_start3A_147 = arith.constant 0 : i32
          %dma_start3A_148 = arith.constant 0 : i32
          %dma_start3A_149 = tpu.memref_slice %arg14[%dma_start3A_147, %dma_start3A_148] : memref<5016x128xf32, #tpu.memory_space<vmem_shared>> -> memref<5016x128xf32, #tpu.memory_space<vmem_shared>>
          tpu.enqueue_indirect_dma source(%arg13 : memref<80x128xf32, #tpu.memory_space<vmem>>) target(%dma_start3A_149 : memref<5016x128xf32, #tpu.memory_space<vmem_shared>>) offsets(%dma_start3A_146 : memref<80xi32, #tpu.memory_space<vmem>>) semaphore(%run_scoped3A : memref<!tpu.dma_semaphore, #tpu.memory_space<semaphore_mem>>) {add = true}
          %dma_wait3A = arith.constant 80 : i32
          %dma_wait3A_150 = tpu.memref_slice %arg11[%dma_wait3A] : memref<160xi32, #tpu.memory_space<vmem>> -> memref<80xi32, #tpu.memory_space<vmem>>
          %dma_wait3A_151 = arith.constant 0 : i32
          %dma_wait3A_152 = arith.constant 0 : i32
          %dma_wait3A_153 = tpu.memref_slice %arg14[%dma_wait3A_151, %dma_wait3A_152] : memref<5016x128xf32, #tpu.memory_space<vmem_shared>> -> memref<5016x128xf32, #tpu.memory_space<vmem_shared>>
          tpu.wait_indirect_dma semaphore(%run_scoped3A : memref<!tpu.dma_semaphore, #tpu.memory_space<semaphore_mem>>) src(%arg13 : memref<80x128xf32, #tpu.memory_space<vmem>>) dst(%dma_wait3A_153 : memref<5016x128xf32, #tpu.memory_space<vmem_shared>>)
          tpu.yield
        }) : () -> ()
      }
      %scan3A_135 = arith.constant 125 : i32
    } else {
    }
    %barrier3A_124 = arith.constant 0 : index
    tpu.barrier barrier_id(%barrier3A_124)
    %eq3A_125 = arith.constant 1 : i32
    %eq3A_126 = arith.cmpi eq, %arg0, %eq3A_125 : i32
    %convert_element_type3A_127 = arith.extui %eq3A_126 : i1 to i32
    %cond3A_128 = arith.constant 0 : i32
    %cond3A_129 = arith.cmpi ne, %convert_element_type3A_127, %cond3A_128 : i32
    scf.if %cond3A_129 {
      %while3A_131 = arith.constant 0 : i32
      %while3A_132 = arith.subi %add3A_18, %while3A_131 : i32
      %while3A_133 = arith.addi %while3A_131, %while3A_132 : i32
      %while3A_134 = arith.constant 1 : i32
      %while3A_135 = arith.divsi %while3A_132, %while3A_134 : i32
      %while3A_136 = arith.muli %while3A_135, %while3A_134 : i32
      %while3A_137 = arith.addi %while3A_131, %while3A_136 : i32
      %while3A_138 = arith.constant 1 : i32
      scf.for %while3A_140 = %while3A_131 to %while3A_137 step %while3A_138  : i32 {
        %mul3A = arith.constant 16 : i32
        %mul3A_141 = arith.muli %while3A_140, %mul3A : i32
        %add3A_142 = arith.addi %arg1, %mul3A_141 : i32
        %mul3A_143 = arith.constant 200 : i32
        %mul3A_144 = arith.muli %add3A_142, %mul3A_143 : i32
        %add3A_145 = arith.constant 5000 : i32
        %add3A_146 = arith.addi %add3A_145, %mul3A_144 : i32
        "tpu.region"() ({
          %run_scoped3A = tpu.sem_alloc : memref<!tpu.dma_semaphore, #tpu.memory_space<semaphore_mem>>
          %dma_start3A = arith.constant 0 : i32
          %dma_start3A_147 = tpu.memref_slice %arg9[%add3A_146, %dma_start3A] : memref<10000x128xf32, #tpu.memory_space<hbm>> -> memref<200x128xf32, #tpu.memory_space<hbm>>
          %dma_start3A_148 = arith.constant 0 : i32
          %dma_start3A_149 = tpu.memref_slice %arg14[%mul3A_144, %dma_start3A_148] : memref<5016x128xf32, #tpu.memory_space<vmem_shared>> -> memref<200x128xf32, #tpu.memory_space<vmem_shared>>
          tpu.enqueue_dma source(%dma_start3A_149 : memref<200x128xf32, #tpu.memory_space<vmem_shared>>) target(%dma_start3A_147 : memref<200x128xf32, #tpu.memory_space<hbm>>) target_semaphore(%run_scoped3A : memref<!tpu.dma_semaphore, #tpu.memory_space<semaphore_mem>>)
          %dma_wait3A = arith.constant 0 : i32
          %dma_wait3A_150 = tpu.memref_slice %arg9[%add3A_146, %dma_wait3A] : memref<10000x128xf32, #tpu.memory_space<hbm>> -> memref<200x128xf32, #tpu.memory_space<hbm>>
          %dma_wait3A_151 = arith.constant 0 : i32
          %dma_wait3A_152 = tpu.memref_slice %arg14[%mul3A_144, %dma_wait3A_151] : memref<5016x128xf32, #tpu.memory_space<vmem_shared>> -> memref<200x128xf32, #tpu.memory_space<vmem_shared>>
          tpu.wait_dma2 semaphore(%run_scoped3A : memref<!tpu.dma_semaphore, #tpu.memory_space<semaphore_mem>>) src(%dma_wait3A_152 : memref<200x128xf32, #tpu.memory_space<vmem_shared>>) dst(%dma_wait3A_150 : memref<200x128xf32, #tpu.memory_space<hbm>>)
          tpu.yield
        }) : () -> ()
      }
      %while3A_139 = arith.constant 1 : i32
      scf.for %while3A_140 = %while3A_137 to %while3A_133 step %while3A_139  : i32 {
        %mul3A = arith.constant 16 : i32
        %mul3A_141 = arith.muli %while3A_140, %mul3A : i32
        %add3A_142 = arith.addi %arg1, %mul3A_141 : i32
        %mul3A_143 = arith.constant 200 : i32
        %mul3A_144 = arith.muli %add3A_142, %mul3A_143 : i32
        %add3A_145 = arith.constant 5000 : i32
        %add3A_146 = arith.addi %add3A_145, %mul3A_144 : i32
        "tpu.region"() ({
          %run_scoped3A = tpu.sem_alloc : memref<!tpu.dma_semaphore, #tpu.memory_space<semaphore_mem>>
          %dma_start3A = arith.constant 0 : i32
          %dma_start3A_147 = tpu.memref_slice %arg9[%add3A_146, %dma_start3A] : memref<10000x128xf32, #tpu.memory_space<hbm>> -> memref<200x128xf32, #tpu.memory_space<hbm>>
          %dma_start3A_148 = arith.constant 0 : i32
          %dma_start3A_149 = tpu.memref_slice %arg14[%mul3A_144, %dma_start3A_148] : memref<5016x128xf32, #tpu.memory_space<vmem_shared>> -> memref<200x128xf32, #tpu.memory_space<vmem_shared>>
          tpu.enqueue_dma source(%dma_start3A_149 : memref<200x128xf32, #tpu.memory_space<vmem_shared>>) target(%dma_start3A_147 : memref<200x128xf32, #tpu.memory_space<hbm>>) target_semaphore(%run_scoped3A : memref<!tpu.dma_semaphore, #tpu.memory_space<semaphore_mem>>)
          %dma_wait3A = arith.constant 0 : i32
          %dma_wait3A_150 = tpu.memref_slice %arg9[%add3A_146, %dma_wait3A] : memref<10000x128xf32, #tpu.memory_space<hbm>> -> memref<200x128xf32, #tpu.memory_space<hbm>>
          %dma_wait3A_151 = arith.constant 0 : i32
          %dma_wait3A_152 = tpu.memref_slice %arg14[%mul3A_144, %dma_wait3A_151] : memref<5016x128xf32, #tpu.memory_space<vmem_shared>> -> memref<200x128xf32, #tpu.memory_space<vmem_shared>>
          tpu.wait_dma2 semaphore(%run_scoped3A : memref<!tpu.dma_semaphore, #tpu.memory_space<semaphore_mem>>) src(%dma_wait3A_152 : memref<200x128xf32, #tpu.memory_space<vmem_shared>>) dst(%dma_wait3A_150 : memref<200x128xf32, #tpu.memory_space<hbm>>)
          tpu.yield
        }) : () -> ()
      }
    } else {
    }
    %barrier3A_130 = arith.constant 0 : index
    tpu.barrier barrier_id(%barrier3A_130)
    return
  }
}

#map = affine_map<(d0, d1) -> (0, 0)>
#map1 = affine_map<(d0, d1) -> (0)>
module attributes {stable_mosaic.version = 14 : i64} {
  func.func @k(%arg0: i32, %arg1: i32, %arg2: memref<10000x128xf32, #tpu.memory_space<hbm>>, %arg3: memref<320000xi32, #tpu.memory_space<hbm>>, %arg4: memref<320000xi32, #tpu.memory_space<hbm>>, %arg5: memref<320000x128xf32, #tpu.memory_space<hbm>>, %arg6: memref<320000x128xf32, #tpu.memory_space<hbm>>, %arg7: memref<80xi32, #tpu.memory_space<vmem>>, %arg8: memref<80x128xf32, #tpu.memory_space<vmem>>, %arg9: memref<!tpu.dma_semaphore, #tpu.memory_space<semaphore_mem>>) attributes {dimension_semantics = [#tpu.dimension_semantics<core_parallel>, #tpu.dimension_semantics<subcore_parallel>], iteration_bounds = array<i64: 2, 16>, scalar_prefetch = 0 : i64, scratch_operands = 3 : i64, tpu.core_type = #tpu.core_type<sc_vector_subcore>, window_params = [{transform_indices = #map}, {transform_indices = #map1}, {transform_indices = #map1}, {transform_indices = #map}, {transform_indices = #map}]} {
    %mul3A = arith.constant 2 : i32
    %mul3A_0 = arith.muli %arg1, %mul3A : i32
    %add3A = arith.addi %mul3A_0, %arg0 : i32
    %mul3A_1 = arith.constant 10000 : i32
    %mul3A_2 = arith.muli %add3A, %mul3A_1 : i32
    %scan3A = arith.constant 0 : i32
    %scan3A_3 = arith.constant 125 : i32
    %scan3A_4 = arith.addi %scan3A, %scan3A_3 : i32
    %scan3A_5 = arith.constant 1 : i32
    scf.for %scan3A_7 = %scan3A to %scan3A_4 step %scan3A_5  : i32 {
      %mul3A_8 = arith.constant 80 : i32
      %mul3A_9 = arith.muli %scan3A_7, %mul3A_8 : i32
      %add3A_10 = arith.addi %mul3A_2, %mul3A_9 : i32
      "tpu.region"() ({
        %run_scoped3A = tpu.sem_alloc : memref<!tpu.dma_semaphore, #tpu.memory_space<semaphore_mem>>
        %dma_start3A_21 = tpu.memref_slice %arg3[%add3A_10] : memref<320000xi32, #tpu.memory_space<hbm>> -> memref<80xi32, #tpu.memory_space<hbm>>
        %dma_start3A_22 = tpu.memref_slice %arg3[%add3A_10] : memref<320000xi32, #tpu.memory_space<hbm>> -> memref<80xi32, #tpu.memory_space<hbm>>
        tpu.enqueue_dma source(%dma_start3A_22 : memref<80xi32, #tpu.memory_space<hbm>>) target(%arg7 : memref<80xi32, #tpu.memory_space<vmem>>) target_semaphore(%run_scoped3A : memref<!tpu.dma_semaphore, #tpu.memory_space<semaphore_mem>>)
        %dma_wait3A_23 = tpu.memref_slice %arg3[%add3A_10] : memref<320000xi32, #tpu.memory_space<hbm>> -> memref<80xi32, #tpu.memory_space<hbm>>
        %dma_wait3A_24 = tpu.memref_slice %arg3[%add3A_10] : memref<320000xi32, #tpu.memory_space<hbm>> -> memref<80xi32, #tpu.memory_space<hbm>>
        tpu.wait_dma2 semaphore(%run_scoped3A : memref<!tpu.dma_semaphore, #tpu.memory_space<semaphore_mem>>) src(%dma_wait3A_24 : memref<80xi32, #tpu.memory_space<hbm>>) dst(%arg7 : memref<80xi32, #tpu.memory_space<vmem>>)
        tpu.yield
      }) : () -> ()
      %dma_start3A = arith.constant 0 : i32
      %dma_start3A_11 = arith.constant 0 : i32
      %dma_start3A_12 = tpu.memref_slice %arg2[%dma_start3A, %dma_start3A_11] : memref<10000x128xf32, #tpu.memory_space<hbm>> -> memref<10000x128xf32, #tpu.memory_space<hbm>>
      tpu.enqueue_indirect_dma source(%dma_start3A_12 : memref<10000x128xf32, #tpu.memory_space<hbm>>) target(%arg8 : memref<80x128xf32, #tpu.memory_space<vmem>>) offsets(%arg7 : memref<80xi32, #tpu.memory_space<vmem>>) semaphore(%arg9 : memref<!tpu.dma_semaphore, #tpu.memory_space<semaphore_mem>>)
      %dma_wait3A = arith.constant 0 : i32
      %dma_wait3A_13 = arith.constant 0 : i32
      %dma_wait3A_14 = tpu.memref_slice %arg2[%dma_wait3A, %dma_wait3A_13] : memref<10000x128xf32, #tpu.memory_space<hbm>> -> memref<10000x128xf32, #tpu.memory_space<hbm>>
      tpu.wait_indirect_dma semaphore(%arg9 : memref<!tpu.dma_semaphore, #tpu.memory_space<semaphore_mem>>) src(%dma_wait3A_14 : memref<10000x128xf32, #tpu.memory_space<hbm>>) dst(%arg8 : memref<80x128xf32, #tpu.memory_space<vmem>>)
      "tpu.region"() ({
        %run_scoped3A = tpu.sem_alloc : memref<!tpu.dma_semaphore, #tpu.memory_space<semaphore_mem>>
        %dma_start3A_21 = arith.constant 0 : i32
        %dma_start3A_22 = tpu.memref_slice %arg5[%add3A_10, %dma_start3A_21] : memref<320000x128xf32, #tpu.memory_space<hbm>> -> memref<80x128xf32, #tpu.memory_space<hbm>>
        %dma_start3A_23 = arith.constant 0 : i32
        %dma_start3A_24 = tpu.memref_slice %arg5[%add3A_10, %dma_start3A_23] : memref<320000x128xf32, #tpu.memory_space<hbm>> -> memref<80x128xf32, #tpu.memory_space<hbm>>
        tpu.enqueue_dma source(%arg8 : memref<80x128xf32, #tpu.memory_space<vmem>>) target(%dma_start3A_24 : memref<80x128xf32, #tpu.memory_space<hbm>>) target_semaphore(%run_scoped3A : memref<!tpu.dma_semaphore, #tpu.memory_space<semaphore_mem>>)
        %dma_wait3A_25 = arith.constant 0 : i32
        %dma_wait3A_26 = tpu.memref_slice %arg5[%add3A_10, %dma_wait3A_25] : memref<320000x128xf32, #tpu.memory_space<hbm>> -> memref<80x128xf32, #tpu.memory_space<hbm>>
        %dma_wait3A_27 = arith.constant 0 : i32
        %dma_wait3A_28 = tpu.memref_slice %arg5[%add3A_10, %dma_wait3A_27] : memref<320000x128xf32, #tpu.memory_space<hbm>> -> memref<80x128xf32, #tpu.memory_space<hbm>>
        tpu.wait_dma2 semaphore(%run_scoped3A : memref<!tpu.dma_semaphore, #tpu.memory_space<semaphore_mem>>) src(%arg8 : memref<80x128xf32, #tpu.memory_space<vmem>>) dst(%dma_wait3A_28 : memref<80x128xf32, #tpu.memory_space<hbm>>)
        tpu.yield
      }) : () -> ()
      "tpu.region"() ({
        %run_scoped3A = tpu.sem_alloc : memref<!tpu.dma_semaphore, #tpu.memory_space<semaphore_mem>>
        %dma_start3A_21 = tpu.memref_slice %arg4[%add3A_10] : memref<320000xi32, #tpu.memory_space<hbm>> -> memref<80xi32, #tpu.memory_space<hbm>>
        %dma_start3A_22 = tpu.memref_slice %arg4[%add3A_10] : memref<320000xi32, #tpu.memory_space<hbm>> -> memref<80xi32, #tpu.memory_space<hbm>>
        tpu.enqueue_dma source(%dma_start3A_22 : memref<80xi32, #tpu.memory_space<hbm>>) target(%arg7 : memref<80xi32, #tpu.memory_space<vmem>>) target_semaphore(%run_scoped3A : memref<!tpu.dma_semaphore, #tpu.memory_space<semaphore_mem>>)
        %dma_wait3A_23 = tpu.memref_slice %arg4[%add3A_10] : memref<320000xi32, #tpu.memory_space<hbm>> -> memref<80xi32, #tpu.memory_space<hbm>>
        %dma_wait3A_24 = tpu.memref_slice %arg4[%add3A_10] : memref<320000xi32, #tpu.memory_space<hbm>> -> memref<80xi32, #tpu.memory_space<hbm>>
        tpu.wait_dma2 semaphore(%run_scoped3A : memref<!tpu.dma_semaphore, #tpu.memory_space<semaphore_mem>>) src(%dma_wait3A_24 : memref<80xi32, #tpu.memory_space<hbm>>) dst(%arg7 : memref<80xi32, #tpu.memory_space<vmem>>)
        tpu.yield
      }) : () -> ()
      %dma_start3A_15 = arith.constant 0 : i32
      %dma_start3A_16 = arith.constant 0 : i32
      %dma_start3A_17 = tpu.memref_slice %arg2[%dma_start3A_15, %dma_start3A_16] : memref<10000x128xf32, #tpu.memory_space<hbm>> -> memref<10000x128xf32, #tpu.memory_space<hbm>>
      tpu.enqueue_indirect_dma source(%dma_start3A_17 : memref<10000x128xf32, #tpu.memory_space<hbm>>) target(%arg8 : memref<80x128xf32, #tpu.memory_space<vmem>>) offsets(%arg7 : memref<80xi32, #tpu.memory_space<vmem>>) semaphore(%arg9 : memref<!tpu.dma_semaphore, #tpu.memory_space<semaphore_mem>>)
      %dma_wait3A_18 = arith.constant 0 : i32
      %dma_wait3A_19 = arith.constant 0 : i32
      %dma_wait3A_20 = tpu.memref_slice %arg2[%dma_wait3A_18, %dma_wait3A_19] : memref<10000x128xf32, #tpu.memory_space<hbm>> -> memref<10000x128xf32, #tpu.memory_space<hbm>>
      tpu.wait_indirect_dma semaphore(%arg9 : memref<!tpu.dma_semaphore, #tpu.memory_space<semaphore_mem>>) src(%dma_wait3A_20 : memref<10000x128xf32, #tpu.memory_space<hbm>>) dst(%arg8 : memref<80x128xf32, #tpu.memory_space<vmem>>)
      "tpu.region"() ({
        %run_scoped3A = tpu.sem_alloc : memref<!tpu.dma_semaphore, #tpu.memory_space<semaphore_mem>>
        %dma_start3A_21 = arith.constant 0 : i32
        %dma_start3A_22 = tpu.memref_slice %arg6[%add3A_10, %dma_start3A_21] : memref<320000x128xf32, #tpu.memory_space<hbm>> -> memref<80x128xf32, #tpu.memory_space<hbm>>
        %dma_start3A_23 = arith.constant 0 : i32
        %dma_start3A_24 = tpu.memref_slice %arg6[%add3A_10, %dma_start3A_23] : memref<320000x128xf32, #tpu.memory_space<hbm>> -> memref<80x128xf32, #tpu.memory_space<hbm>>
        tpu.enqueue_dma source(%arg8 : memref<80x128xf32, #tpu.memory_space<vmem>>) target(%dma_start3A_24 : memref<80x128xf32, #tpu.memory_space<hbm>>) target_semaphore(%run_scoped3A : memref<!tpu.dma_semaphore, #tpu.memory_space<semaphore_mem>>)
        %dma_wait3A_25 = arith.constant 0 : i32
        %dma_wait3A_26 = tpu.memref_slice %arg6[%add3A_10, %dma_wait3A_25] : memref<320000x128xf32, #tpu.memory_space<hbm>> -> memref<80x128xf32, #tpu.memory_space<hbm>>
        %dma_wait3A_27 = arith.constant 0 : i32
        %dma_wait3A_28 = tpu.memref_slice %arg6[%add3A_10, %dma_wait3A_27] : memref<320000x128xf32, #tpu.memory_space<hbm>> -> memref<80x128xf32, #tpu.memory_space<hbm>>
        tpu.wait_dma2 semaphore(%run_scoped3A : memref<!tpu.dma_semaphore, #tpu.memory_space<semaphore_mem>>) src(%arg8 : memref<80x128xf32, #tpu.memory_space<vmem>>) dst(%dma_wait3A_28 : memref<80x128xf32, #tpu.memory_space<hbm>>)
        tpu.yield
      }) : () -> ()
    }
    %scan3A_6 = arith.constant 125 : i32
    return
  }
}

module attributes {stable_mosaic.version = 14 : i64} {
  func.func @_edge_mlp_body(%arg0: i32, %arg1: memref<2560x128xf32, #tpu.memory_space<vmem>>, %arg2: memref<2560x128xf32, #tpu.memory_space<vmem>>, %arg3: memref<2560x128xf32, #tpu.memory_space<vmem>>, %arg4: memref<128x384xbf16, #tpu.memory_space<vmem>>, %arg5: memref<128x384xbf16, #tpu.memory_space<vmem>>, %arg6: memref<128x384xbf16, #tpu.memory_space<vmem>>, %arg7: memref<1x384xf32, #tpu.memory_space<vmem>>, %arg8: memref<384x512xbf16, #tpu.memory_space<vmem>>, %arg9: memref<1x512xf32, #tpu.memory_space<vmem>>, %arg10: memref<1x384xf32, #tpu.memory_space<vmem>>, %arg11: memref<1x1xf32, #tpu.memory_space<vmem>>, %arg12: memref<512x128xbf16, #tpu.memory_space<vmem>>, %arg13: memref<128x128xbf16, #tpu.memory_space<vmem>>, %arg14: memref<1x128xf32, #tpu.memory_space<vmem>>, %arg15: memref<2560x128xf32, #tpu.memory_space<vmem>>, %arg16: memref<2560x128xf32, #tpu.memory_space<vmem>>, %arg17: memref<2560x256xf32, #tpu.memory_space<vmem>>, %arg18: memref<2560x128xf32, #tpu.memory_space<vmem>>) attributes {dimension_semantics = [#tpu.dimension_semantics<arbitrary>], iteration_bounds = array<i64: 125>, scalar_prefetch = 0 : i64, scratch_operands = 0 : i64, tpu.core_type = #tpu.core_type<tc>, window_params = [{transform_indices = @transform_0, window_bounds = array<i64: 2560, 128>}, {transform_indices = @transform_1, window_bounds = array<i64: 2560, 128>}, {transform_indices = @transform_2, window_bounds = array<i64: 2560, 128>}, {pipeline_mode = #tpu.pipeline_mode<synchronous>, transform_indices = @transform_3, window_bounds = array<i64: 128, 384>}, {pipeline_mode = #tpu.pipeline_mode<synchronous>, transform_indices = @transform_4, window_bounds = array<i64: 128, 384>}, {pipeline_mode = #tpu.pipeline_mode<synchronous>, transform_indices = @transform_5, window_bounds = array<i64: 128, 384>}, {pipeline_mode = #tpu.pipeline_mode<synchronous>, transform_indices = @transform_6, window_bounds = array<i64: 1, 384>}, {pipeline_mode = #tpu.pipeline_mode<synchronous>, transform_indices = @transform_7, window_bounds = array<i64: 384, 512>}, {pipeline_mode = #tpu.pipeline_mode<synchronous>, transform_indices = @transform_8, window_bounds = array<i64: 1, 512>}, {pipeline_mode = #tpu.pipeline_mode<synchronous>, transform_indices = @transform_9, window_bounds = array<i64: 1, 384>}, {pipeline_mode = #tpu.pipeline_mode<synchronous>, transform_indices = @transform_10, window_bounds = array<i64: 1, 1>}, {pipeline_mode = #tpu.pipeline_mode<synchronous>, transform_indices = @transform_11, window_bounds = array<i64: 512, 128>}, {pipeline_mode = #tpu.pipeline_mode<synchronous>, transform_indices = @transform_12, window_bounds = array<i64: 128, 128>}, {pipeline_mode = #tpu.pipeline_mode<synchronous>, transform_indices = @transform_13, window_bounds = array<i64: 1, 128>}, {transform_indices = @transform_14, window_bounds = array<i64: 2560, 128>}, {transform_indices = @transform_15, window_bounds = array<i64: 2560, 128>}, {transform_indices = @transform_16, window_bounds = array<i64: 2560, 256>}, {transform_indices = @transform_17, window_bounds = array<i64: 2560, 128>}]} {
    %get3A = arith.constant 0 : index
    %get3A_0 = arith.constant 0 : index
    %get3A_1 = vector.load %arg1[%get3A, %get3A_0] : memref<2560x128xf32, #tpu.memory_space<vmem>>, vector<2560x128xf32>
    %convert_element_type3A = arith.truncf %get3A_1 : vector<2560x128xf32> to vector<2560x128xbf16>
    %get3A_2 = arith.constant 0 : index
    %get3A_3 = arith.constant 0 : index
    %get3A_4 = vector.load %arg2[%get3A_2, %get3A_3] : memref<2560x128xf32, #tpu.memory_space<vmem>>, vector<2560x128xf32>
    %convert_element_type3A_5 = arith.truncf %get3A_4 : vector<2560x128xf32> to vector<2560x128xbf16>
    %get3A_6 = arith.constant 0 : index
    %get3A_7 = arith.constant 0 : index
    %get3A_8 = vector.load %arg3[%get3A_6, %get3A_7] : memref<2560x128xf32, #tpu.memory_space<vmem>>, vector<2560x128xf32>
    %convert_element_type3A_9 = arith.truncf %get3A_8 : vector<2560x128xf32> to vector<2560x128xbf16>
    %get3A_10 = arith.constant 0 : index
    %get3A_11 = arith.constant 0 : index
    %get3A_12 = vector.load %arg4[%get3A_10, %get3A_11] : memref<128x384xbf16, #tpu.memory_space<vmem>>, vector<128x384xbf16>
    %dot_general3A = arith.constant dense<0.000000e+00> : vector<2560x384xf32>
    %dot_general3A_13 = tpu.matmul %convert_element_type3A, %get3A_12, %dot_general3A {dimension_numbers = #tpu.dot_dimension_numbers<[1], [0], [0], [1], [0, 0, 1, 1], [], []>, transpose_lhs_hint = false} : vector<2560x128xbf16>, vector<128x384xbf16>, vector<2560x384xf32> -> vector<2560x384xf32>
    %get3A_14 = arith.constant 0 : index
    %get3A_15 = arith.constant 0 : index
    %get3A_16 = vector.load %arg5[%get3A_14, %get3A_15] : memref<128x384xbf16, #tpu.memory_space<vmem>>, vector<128x384xbf16>
    %dot_general3A_17 = arith.constant dense<0.000000e+00> : vector<2560x384xf32>
    %dot_general3A_18 = tpu.matmul %convert_element_type3A_5, %get3A_16, %dot_general3A_17 {dimension_numbers = #tpu.dot_dimension_numbers<[1], [0], [0], [1], [0, 0, 1, 1], [], []>, transpose_lhs_hint = false} : vector<2560x128xbf16>, vector<128x384xbf16>, vector<2560x384xf32> -> vector<2560x384xf32>
    %add3A = arith.addf %dot_general3A_13, %dot_general3A_18 : vector<2560x384xf32>
    %get3A_19 = arith.constant 0 : index
    %get3A_20 = arith.constant 0 : index
    %get3A_21 = vector.load %arg6[%get3A_19, %get3A_20] : memref<128x384xbf16, #tpu.memory_space<vmem>>, vector<128x384xbf16>
    %dot_general3A_22 = arith.constant dense<0.000000e+00> : vector<2560x384xf32>
    %dot_general3A_23 = tpu.matmul %convert_element_type3A_9, %get3A_21, %dot_general3A_22 {dimension_numbers = #tpu.dot_dimension_numbers<[1], [0], [0], [1], [0, 0, 1, 1], [], []>, transpose_lhs_hint = false} : vector<2560x128xbf16>, vector<128x384xbf16>, vector<2560x384xf32> -> vector<2560x384xf32>
    %add3A_24 = arith.addf %add3A, %dot_general3A_23 : vector<2560x384xf32>
    %get3A_25 = arith.constant 0 : index
    %get3A_26 = arith.constant 0 : index
    %get3A_27 = vector.load %arg7[%get3A_25, %get3A_26] : memref<1x384xf32, #tpu.memory_space<vmem>>, vector<1x384xf32>
    %add3A_28 = vector.broadcast %get3A_27 : vector<1x384xf32> to vector<2560x384xf32>
    %add3A_29 = arith.addf %add3A_24, %add3A_28 : vector<2560x384xf32>
    %max3A = arith.constant 0.000000e+00 : f32
    %max3A_30 = vector.broadcast %max3A : f32 to vector<2560x384xf32>
    %max3A_31 = arith.maximumf %add3A_29, %max3A_30 : vector<2560x384xf32>
    %convert_element_type3A_32 = arith.truncf %max3A_31 : vector<2560x384xf32> to vector<2560x384xbf16>
    %get3A_33 = arith.constant 0 : index
    %get3A_34 = arith.constant 0 : index
    %get3A_35 = vector.load %arg8[%get3A_33, %get3A_34] : memref<384x512xbf16, #tpu.memory_space<vmem>>, vector<384x512xbf16>
    %dot_general3A_36 = arith.constant dense<0.000000e+00> : vector<2560x512xf32>
    %dot_general3A_37 = tpu.matmul %convert_element_type3A_32, %get3A_35, %dot_general3A_36 {dimension_numbers = #tpu.dot_dimension_numbers<[1], [0], [0], [1], [0, 0, 1, 1], [], []>, transpose_lhs_hint = false} : vector<2560x384xbf16>, vector<384x512xbf16>, vector<2560x512xf32> -> vector<2560x512xf32>
    %get3A_38 = arith.constant 0 : index
    %get3A_39 = arith.constant 0 : index
    %get3A_40 = vector.load %arg9[%get3A_38, %get3A_39] : memref<1x512xf32, #tpu.memory_space<vmem>>, vector<1x512xf32>
    %add3A_41 = vector.broadcast %get3A_40 : vector<1x512xf32> to vector<2560x512xf32>
    %add3A_42 = arith.addf %dot_general3A_37, %add3A_41 : vector<2560x512xf32>
    %get3A_43 = arith.constant 0 : index
    %get3A_44 = arith.constant 0 : index
    %get3A_45 = vector.load %arg10[%get3A_43, %get3A_44] : memref<1x384xf32, #tpu.memory_space<vmem>>, vector<1x384xf32>
    %mul3A = vector.broadcast %get3A_45 : vector<1x384xf32> to vector<2560x384xf32>
    %mul3A_46 = arith.mulf %max3A_31, %mul3A : vector<2560x384xf32>
    %reduce_sum3A = arith.constant dense<0.000000e+00> : vector<2560xf32>
    %reduce_sum3A_47 = vector.multi_reduction <add>, %mul3A_46, %reduce_sum3A [1] : vector<2560x384xf32> to vector<2560xf32>
    %broadcast_in_dim3A = vector.shape_cast %reduce_sum3A_47 : vector<2560xf32> to vector<2560x1xf32>
    %get3A_48 = arith.constant 0 : index
    %get3A_49 = arith.constant 0 : index
    %get3A_50 = vector.load %arg11[%get3A_48, %get3A_49] : memref<1x1xf32, #tpu.memory_space<vmem>>, vector<1x1xf32>
    %add3A_51 = vector.broadcast %get3A_50 : vector<1x1xf32> to vector<2560x1xf32>
    %add3A_52 = arith.addf %broadcast_in_dim3A, %add3A_51 : vector<2560x1xf32>
    %logistic3A = arith.negf %add3A_52 : vector<2560x1xf32>
    %logistic3A_53 = math.exp %logistic3A : vector<2560x1xf32>
    %logistic3A_54 = arith.constant 1.000000e+00 : f32
    %logistic3A_55 = vector.broadcast %logistic3A_54 : f32 to vector<2560x1xf32>
    %logistic3A_56 = arith.addf %logistic3A_55, %logistic3A_53 : vector<2560x1xf32>
    %logistic3A_57 = arith.divf %logistic3A_55, %logistic3A_56 : vector<2560x1xf32>
    %mul3A_58 = vector.broadcast %logistic3A_57 : vector<2560x1xf32> to vector<2560x512xf32>
    %mul3A_59 = arith.mulf %add3A_42, %mul3A_58 : vector<2560x512xf32>
    %slice3A = vector.extract_strided_slice %mul3A_59 {offsets = [0, 0], sizes = [2560, 128], strides = [1, 1]} : vector<2560x512xf32> to vector<2560x128xf32>
    %swap3A = arith.constant 0 : index
    %swap3A_60 = arith.constant 0 : index
    %swap3A_61 = vector.load %arg15[%swap3A, %swap3A_60] : memref<2560x128xf32, #tpu.memory_space<vmem>>, vector<2560x128xf32>
    tpu.vector_store %arg15[%swap3A, %swap3A_60], %slice3A {strides = array<i32>} : memref<2560x128xf32, #tpu.memory_space<vmem>>, vector<2560x128xf32>,
    %slice3A_62 = vector.extract_strided_slice %mul3A_59 {offsets = [0, 384], sizes = [2560, 128], strides = [1, 1]} : vector<2560x512xf32> to vector<2560x128xf32>
    %swap3A_63 = arith.constant 0 : index
    %swap3A_64 = arith.constant 0 : index
    %swap3A_65 = vector.load %arg16[%swap3A_63, %swap3A_64] : memref<2560x128xf32, #tpu.memory_space<vmem>>, vector<2560x128xf32>
    tpu.vector_store %arg16[%swap3A_63, %swap3A_64], %slice3A_62 {strides = array<i32>} : memref<2560x128xf32, #tpu.memory_space<vmem>>, vector<2560x128xf32>,
    %slice3A_66 = vector.extract_strided_slice %mul3A_59 {offsets = [0, 128], sizes = [2560, 256], strides = [1, 1]} : vector<2560x512xf32> to vector<2560x256xf32>
    %swap3A_67 = arith.constant 0 : index
    %swap3A_68 = arith.constant 0 : index
    %swap3A_69 = vector.load %arg17[%swap3A_67, %swap3A_68] : memref<2560x256xf32, #tpu.memory_space<vmem>>, vector<2560x256xf32>
    tpu.vector_store %arg17[%swap3A_67, %swap3A_68], %slice3A_66 {strides = array<i32>} : memref<2560x256xf32, #tpu.memory_space<vmem>>, vector<2560x256xf32>,
    %convert_element_type3A_70 = arith.truncf %mul3A_59 : vector<2560x512xf32> to vector<2560x512xbf16>
    %get3A_71 = arith.constant 0 : index
    %get3A_72 = arith.constant 0 : index
    %get3A_73 = vector.load %arg12[%get3A_71, %get3A_72] : memref<512x128xbf16, #tpu.memory_space<vmem>>, vector<512x128xbf16>
    %dot_general3A_74 = arith.constant dense<0.000000e+00> : vector<2560x128xf32>
    %dot_general3A_75 = tpu.matmul %convert_element_type3A_70, %get3A_73, %dot_general3A_74 {dimension_numbers = #tpu.dot_dimension_numbers<[1], [0], [0], [1], [0, 0, 1, 1], [], []>, transpose_lhs_hint = false} : vector<2560x512xbf16>, vector<512x128xbf16>, vector<2560x128xf32> -> vector<2560x128xf32>
    %get3A_76 = arith.constant 0 : index
    %get3A_77 = arith.constant 0 : index
    %get3A_78 = vector.load %arg13[%get3A_76, %get3A_77] : memref<128x128xbf16, #tpu.memory_space<vmem>>, vector<128x128xbf16>
    %dot_general3A_79 = arith.constant dense<0.000000e+00> : vector<2560x128xf32>
    %dot_general3A_80 = tpu.matmul %convert_element_type3A_9, %get3A_78, %dot_general3A_79 {dimension_numbers = #tpu.dot_dimension_numbers<[1], [0], [0], [1], [0, 0, 1, 1], [], []>, transpose_lhs_hint = false} : vector<2560x128xbf16>, vector<128x128xbf16>, vector<2560x128xf32> -> vector<2560x128xf32>
    %add3A_81 = arith.addf %dot_general3A_75, %dot_general3A_80 : vector<2560x128xf32>
    %get3A_82 = arith.constant 0 : index
    %get3A_83 = arith.constant 0 : index
    %get3A_84 = vector.load %arg14[%get3A_82, %get3A_83] : memref<1x128xf32, #tpu.memory_space<vmem>>, vector<1x128xf32>
    %add3A_85 = vector.broadcast %get3A_84 : vector<1x128xf32> to vector<2560x128xf32>
    %add3A_86 = arith.addf %add3A_81, %add3A_85 : vector<2560x128xf32>
    %swap3A_87 = arith.constant 0 : index
    %swap3A_88 = arith.constant 0 : index
    %swap3A_89 = vector.load %arg18[%swap3A_87, %swap3A_88] : memref<2560x128xf32, #tpu.memory_space<vmem>>, vector<2560x128xf32>
    tpu.vector_store %arg18[%swap3A_87, %swap3A_88], %add3A_86 {strides = array<i32>} : memref<2560x128xf32, #tpu.memory_space<vmem>>, vector<2560x128xf32>,
    return
  }
  func.func @transform_0(%arg0: i32) -> (i32, i32) {
    %c0_i32 = arith.constant 0 : i32
    %c0_i32_0 = arith.constant 0 : i32
    return %arg0, %c0_i32 : i32, i32
  }
  func.func @transform_1(%arg0: i32) -> (i32, i32) {
    %c0_i32 = arith.constant 0 : i32
    %c0_i32_0 = arith.constant 0 : i32
    return %arg0, %c0_i32 : i32, i32
  }
  func.func @transform_2(%arg0: i32) -> (i32, i32) {
    %c0_i32 = arith.constant 0 : i32
    %c0_i32_0 = arith.constant 0 : i32
    return %arg0, %c0_i32 : i32, i32
  }
  func.func @transform_3(%arg0: i32) -> (i32, i32) {
    %c0_i32 = arith.constant 0 : i32
    %c0_i32_0 = arith.constant 0 : i32
    %c0_i32_1 = arith.constant 0 : i32
    return %c0_i32, %c0_i32_0 : i32, i32
  }
  func.func @transform_4(%arg0: i32) -> (i32, i32) {
    %c0_i32 = arith.constant 0 : i32
    %c0_i32_0 = arith.constant 0 : i32
    %c0_i32_1 = arith.constant 0 : i32
    return %c0_i32, %c0_i32_0 : i32, i32
  }
  func.func @transform_5(%arg0: i32) -> (i32, i32) {
    %c0_i32 = arith.constant 0 : i32
    %c0_i32_0 = arith.constant 0 : i32
    %c0_i32_1 = arith.constant 0 : i32
    return %c0_i32, %c0_i32_0 : i32, i32
  }
  func.func @transform_6(%arg0: i32) -> (i32, i32) {
    %c0_i32 = arith.constant 0 : i32
    %c0_i32_0 = arith.constant 0 : i32
    %c0_i32_1 = arith.constant 0 : i32
    return %c0_i32, %c0_i32_0 : i32, i32
  }
  func.func @transform_7(%arg0: i32) -> (i32, i32) {
    %c0_i32 = arith.constant 0 : i32
    %c0_i32_0 = arith.constant 0 : i32
    %c0_i32_1 = arith.constant 0 : i32
    return %c0_i32, %c0_i32_0 : i32, i32
  }
  func.func @transform_8(%arg0: i32) -> (i32, i32) {
    %c0_i32 = arith.constant 0 : i32
    %c0_i32_0 = arith.constant 0 : i32
    %c0_i32_1 = arith.constant 0 : i32
    return %c0_i32, %c0_i32_0 : i32, i32
  }
  func.func @transform_9(%arg0: i32) -> (i32, i32) {
    %c0_i32 = arith.constant 0 : i32
    %c0_i32_0 = arith.constant 0 : i32
    %c0_i32_1 = arith.constant 0 : i32
    return %c0_i32, %c0_i32_0 : i32, i32
  }
  func.func @transform_10(%arg0: i32) -> (i32, i32) {
    %c0_i32 = arith.constant 0 : i32
    %c0_i32_0 = arith.constant 0 : i32
    %c0_i32_1 = arith.constant 0 : i32
    return %c0_i32, %c0_i32_0 : i32, i32
  }
  func.func @transform_11(%arg0: i32) -> (i32, i32) {
    %c0_i32 = arith.constant 0 : i32
    %c0_i32_0 = arith.constant 0 : i32
    %c0_i32_1 = arith.constant 0 : i32
    return %c0_i32, %c0_i32_0 : i32, i32
  }
  func.func @transform_12(%arg0: i32) -> (i32, i32) {
    %c0_i32 = arith.constant 0 : i32
    %c0_i32_0 = arith.constant 0 : i32
    %c0_i32_1 = arith.constant 0 : i32
    return %c0_i32, %c0_i32_0 : i32, i32
  }
  func.func @transform_13(%arg0: i32) -> (i32, i32) {
    %c0_i32 = arith.constant 0 : i32
    %c0_i32_0 = arith.constant 0 : i32
    %c0_i32_1 = arith.constant 0 : i32
    return %c0_i32, %c0_i32_0 : i32, i32
  }
  func.func @transform_14(%arg0: i32) -> (i32, i32) {
    %c0_i32 = arith.constant 0 : i32
    %c0_i32_0 = arith.constant 0 : i32
    return %arg0, %c0_i32 : i32, i32
  }
  func.func @transform_15(%arg0: i32) -> (i32, i32) {
    %c0_i32 = arith.constant 0 : i32
    %c0_i32_0 = arith.constant 0 : i32
    return %arg0, %c0_i32 : i32, i32
  }
  func.func @transform_16(%arg0: i32) -> (i32, i32) {
    %c0_i32 = arith.constant 0 : i32
    %c0_i32_0 = arith.constant 0 : i32
    return %arg0, %c0_i32 : i32, i32
  }
  func.func @transform_17(%arg0: i32) -> (i32, i32) {
    %c0_i32 = arith.constant 0 : i32
    %c0_i32_0 = arith.constant 0 : i32
    return %arg0, %c0_i32 : i32, i32
  }
}

module attributes {stable_mosaic.version = 14 : i64} {
  func.func @_node_head_body(%arg0: i32, %arg1: memref<2000x128xf32, #tpu.memory_space<vmem>>, %arg2: memref<2000x128xf32, #tpu.memory_space<vmem>>, %arg3: memref<2000x256xf32, #tpu.memory_space<vmem>>, %arg4: memref<2000x128xf32, #tpu.memory_space<vmem>>, %arg5: memref<2000x128xf32, #tpu.memory_space<vmem>>, %arg6: memref<640x128xbf16, #tpu.memory_space<vmem>>, %arg7: memref<1x128xf32, #tpu.memory_space<vmem>>, %arg8: memref<2000x128xf32, #tpu.memory_space<vmem>>) attributes {dimension_semantics = [#tpu.dimension_semantics<arbitrary>], iteration_bounds = array<i64: 5>, scalar_prefetch = 0 : i64, scratch_operands = 0 : i64, tpu.core_type = #tpu.core_type<tc>, window_params = [{transform_indices = @transform_0, window_bounds = array<i64: 2000, 128>}, {transform_indices = @transform_1, window_bounds = array<i64: 2000, 128>}, {transform_indices = @transform_2, window_bounds = array<i64: 2000, 256>}, {transform_indices = @transform_3, window_bounds = array<i64: 2000, 128>}, {transform_indices = @transform_4, window_bounds = array<i64: 2000, 128>}, {pipeline_mode = #tpu.pipeline_mode<synchronous>, transform_indices = @transform_5, window_bounds = array<i64: 640, 128>}, {pipeline_mode = #tpu.pipeline_mode<synchronous>, transform_indices = @transform_6, window_bounds = array<i64: 1, 128>}, {transform_indices = @transform_7, window_bounds = array<i64: 2000, 128>}]} {
    %get3A = arith.constant 0 : index
    %get3A_0 = arith.constant 0 : index
    %get3A_1 = vector.load %arg5[%get3A, %get3A_0] : memref<2000x128xf32, #tpu.memory_space<vmem>>, vector<2000x128xf32>
    %slice3A = vector.extract_strided_slice %get3A_1 {offsets = [0, 0], sizes = [2000, 1], strides = [1, 1]} : vector<2000x128xf32> to vector<2000x1xf32>
    %gt3A = arith.constant 0.000000e+00 : f32
    %gt3A_2 = vector.broadcast %gt3A : f32 to vector<2000x1xf32>
    %gt3A_3 = arith.cmpf ogt, %slice3A, %gt3A_2 : vector<2000x1xf32>
    %get3A_4 = arith.constant 0 : index
    %get3A_5 = arith.constant 0 : index
    %get3A_6 = vector.load %arg3[%get3A_4, %get3A_5] : memref<2000x256xf32, #tpu.memory_space<vmem>>, vector<2000x256xf32>
    %slice3A_7 = vector.extract_strided_slice %get3A_6 {offsets = [0, 0], sizes = [2000, 128], strides = [1, 1]} : vector<2000x256xf32> to vector<2000x128xf32>
    %jit3A = arith.constant 0.000000e+00 : f32
    %broadcast_in_dim3A = vector.shape_cast %gt3A_3 : vector<2000x1xi1> to vector<2000x1xi1>
    %broadcast_in_dim3A_8 = vector.broadcast %broadcast_in_dim3A : vector<2000x1xi1> to vector<2000x128xi1>
    %broadcast_in_dim3A_9 = vector.broadcast %jit3A : f32 to vector<2000x128xf32>
    %select_n3A = arith.select %broadcast_in_dim3A_8, %slice3A_7, %broadcast_in_dim3A_9 : vector<2000x128xi1>, vector<2000x128xf32>
    %get3A_10 = arith.constant 0 : index
    %get3A_11 = arith.constant 0 : index
    %get3A_12 = vector.load %arg3[%get3A_10, %get3A_11] : memref<2000x256xf32, #tpu.memory_space<vmem>>, vector<2000x256xf32>
    %slice3A_13 = vector.extract_strided_slice %get3A_12 {offsets = [0, 128], sizes = [2000, 128], strides = [1, 1]} : vector<2000x256xf32> to vector<2000x128xf32>
    %neg3A = arith.constant 0.000000e+00 : f32
    %neg3A_14 = vector.broadcast %neg3A : f32 to vector<2000x128xf32>
    %neg3A_15 = arith.subf %neg3A_14, %slice3A_13 : vector<2000x128xf32>
    %jit3A_16 = arith.constant 0.000000e+00 : f32
    %broadcast_in_dim3A_17 = vector.shape_cast %gt3A_3 : vector<2000x1xi1> to vector<2000x1xi1>
    %broadcast_in_dim3A_18 = vector.broadcast %broadcast_in_dim3A_17 : vector<2000x1xi1> to vector<2000x128xi1>
    %broadcast_in_dim3A_19 = vector.broadcast %jit3A_16 : f32 to vector<2000x128xf32>
    %select_n3A_20 = arith.select %broadcast_in_dim3A_18, %neg3A_15, %broadcast_in_dim3A_19 : vector<2000x128xi1>, vector<2000x128xf32>
    %get3A_21 = arith.constant 0 : index
    %get3A_22 = arith.constant 0 : index
    %get3A_23 = vector.load %arg4[%get3A_21, %get3A_22] : memref<2000x128xf32, #tpu.memory_space<vmem>>, vector<2000x128xf32>
    %max3A = arith.constant 1.000000e+00 : f32
    %max3A_24 = vector.broadcast %max3A : f32 to vector<2000x1xf32>
    %max3A_25 = arith.maximumf %slice3A, %max3A_24 : vector<2000x1xf32>
    %div3A = vector.broadcast %max3A_25 : vector<2000x1xf32> to vector<2000x128xf32>
    %div3A_26 = arith.divf %get3A_23, %div3A : vector<2000x128xf32>
    %get3A_27 = arith.constant 0 : index
    %get3A_28 = arith.constant 0 : index
    %get3A_29 = vector.load %arg1[%get3A_27, %get3A_28] : memref<2000x128xf32, #tpu.memory_space<vmem>>, vector<2000x128xf32>
    %get3A_30 = arith.constant 0 : index
    %get3A_31 = arith.constant 0 : index
    %get3A_32 = vector.load %arg2[%get3A_30, %get3A_31] : memref<2000x128xf32, #tpu.memory_space<vmem>>, vector<2000x128xf32>
    %concatenate3A = tpu.concatenate %get3A_29, %get3A_32, %select_n3A, %select_n3A_20, %div3A_26 in 1 : vector<2000x128xf32>, vector<2000x128xf32>, vector<2000x128xf32>, vector<2000x128xf32>, vector<2000x128xf32> -> vector<2000x640xf32>
    %convert_element_type3A = arith.truncf %concatenate3A : vector<2000x640xf32> to vector<2000x640xbf16>
    %get3A_33 = arith.constant 0 : index
    %get3A_34 = arith.constant 0 : index
    %get3A_35 = vector.load %arg6[%get3A_33, %get3A_34] : memref<640x128xbf16, #tpu.memory_space<vmem>>, vector<640x128xbf16>
    %dot_general3A = arith.constant dense<0.000000e+00> : vector<2000x128xf32>
    %dot_general3A_36 = tpu.matmul %convert_element_type3A, %get3A_35, %dot_general3A {dimension_numbers = #tpu.dot_dimension_numbers<[1], [0], [0], [1], [0, 0, 1, 1], [], []>, transpose_lhs_hint = false} : vector<2000x640xbf16>, vector<640x128xbf16>, vector<2000x128xf32> -> vector<2000x128xf32>
    %get3A_37 = arith.constant 0 : index
    %get3A_38 = arith.constant 0 : index
    %get3A_39 = vector.load %arg7[%get3A_37, %get3A_38] : memref<1x128xf32, #tpu.memory_space<vmem>>, vector<1x128xf32>
    %add3A = vector.broadcast %get3A_39 : vector<1x128xf32> to vector<2000x128xf32>
    %add3A_40 = arith.addf %dot_general3A_36, %add3A : vector<2000x128xf32>
    %swap3A = arith.constant 0 : index
    %swap3A_41 = arith.constant 0 : index
    %swap3A_42 = vector.load %arg8[%swap3A, %swap3A_41] : memref<2000x128xf32, #tpu.memory_space<vmem>>, vector<2000x128xf32>
    tpu.vector_store %arg8[%swap3A, %swap3A_41], %add3A_40 {strides = array<i32>} : memref<2000x128xf32, #tpu.memory_space<vmem>>, vector<2000x128xf32>,
    return
  }
  func.func @transform_0(%arg0: i32) -> (i32, i32) {
    %c0_i32 = arith.constant 0 : i32
    %c0_i32_0 = arith.constant 0 : i32
    return %arg0, %c0_i32 : i32, i32
  }
  func.func @transform_1(%arg0: i32) -> (i32, i32) {
    %c0_i32 = arith.constant 0 : i32
    %c0_i32_0 = arith.constant 0 : i32
    return %arg0, %c0_i32 : i32, i32
  }
  func.func @transform_2(%arg0: i32) -> (i32, i32) {
    %c0_i32 = arith.constant 0 : i32
    %c0_i32_0 = arith.constant 0 : i32
    return %arg0, %c0_i32 : i32, i32
  }
  func.func @transform_3(%arg0: i32) -> (i32, i32) {
    %c0_i32 = arith.constant 0 : i32
    %c0_i32_0 = arith.constant 0 : i32
    return %arg0, %c0_i32 : i32, i32
  }
  func.func @transform_4(%arg0: i32) -> (i32, i32) {
    %c0_i32 = arith.constant 0 : i32
    %c0_i32_0 = arith.constant 0 : i32
    return %arg0, %c0_i32 : i32, i32
  }
  func.func @transform_5(%arg0: i32) -> (i32, i32) {
    %c0_i32 = arith.constant 0 : i32
    %c0_i32_0 = arith.constant 0 : i32
    %c0_i32_1 = arith.constant 0 : i32
    return %c0_i32, %c0_i32_0 : i32, i32
  }
  func.func @transform_6(%arg0: i32) -> (i32, i32) {
    %c0_i32 = arith.constant 0 : i32
    %c0_i32_0 = arith.constant 0 : i32
    %c0_i32_1 = arith.constant 0 : i32
    return %c0_i32, %c0_i32_0 : i32, i32
  }
  func.func @transform_7(%arg0: i32) -> (i32, i32) {
    %c0_i32 = arith.constant 0 : i32
    %c0_i32_0 = arith.constant 0 : i32
    return %arg0, %c0_i32 : i32, i32
  }
}

</mosaic_0001>

<sc_bundles>
// kernel: kernel.10.cloned.1.call-start
scs
__scs_entry_jumppad:
0x0: {  	(pc) =	sbr.rel $0x88, $3  }
0x1: {  	(tag) =	ssettag $0x0;
	lr =	simm.s32 $0x1  }
0x2: {  	[smem:$0x3F96] =	sst lr;
	_ =	strace $0xD0000000  }
0x3: {  	_ = 	snop  }
0x4: {  	_ = 	snop  }
0x5: {  	_ = 	snop  }
0x6: {  	_ = 	snop  }
0x7: {  	_ = 	snop  }
__scs_overlays_trampoline_lowered:
0x8: {  	[smem:$0x3FA5] =	sst s0  }
0x9: {  	[smem:$0x3FA6] =	sst s1  }
0xa: {  	[smem:$0x3FA7] =	sst s2  }
0xb: {  	[smem:$0x3FA8] =	sst s3  }
0xc: {  	[smem:$0x3FA9] =	sst s4  }
0xd: {  	[smem:$0x3FAA] =	sst s5  }
0xe: {  	[smem:$0x3FAB] =	sst s6  }
0xf: {  	[smem:$0x3FAC] =	sst s7  }
0x10: {  	[smem:$0x3FAD] =	sst s8  }
0x11: {  	[smem:$0x3FAE] =	sst s9;
	s0 =	simm.s32 @!p0 $0x0  }
0x12: {  	s1 =	sld [smem:$0x3F94];
	s0 =	simm.s32 @p0 $0x1  }
0x13: {  	[smem:$0x3FAF] =	sst s0;
	s0 =	simm.s32 @!p1 $0x0  }
0x14: {  	s2 =	sld [smem:$0x3F93];
	s0 =	simm.s32 @p1 $0x1  }
0x15: {  	[smem:$0x3FB0] =	sst s0;
	s0 =	simm.s32 @!p2 $0x0  }
0x16: {  	s3 =	sld [smem:$0x3FDB];
	s0 =	simm.s32 @p2 $0x1  }
0x17: {  	s4 =	simm.s32 $0x1BF5;
	[smem:$0x3FB2] =	sst s0  }
0x18: {  	s0 =	sld [smem:$0x3F95];
	_ =	swait.ge [sflag:s4], $0x0  }
0x19: {  	s7 =	sld [smem:$0x3F96]  }
0x1a: {  	s8 =	sadd.s32 $0xFFFFE003, lr  }
0x1b: {  	s9 =	sadd.s32 $0xFFFFFEF7, lr;
	s5 =	simm.s32 $0xFFFFFFFF;
	p2 =	slt.u32 s8, $0xFFFFF086  }
0x1c: {  	p1 =	slt.u32 s9, $0xF7A;
	s5 =	simm.s32 @!p2 $0x0  }
0x1d: {  	s5 =	simm.s32 @p1 $0x1;
	p0 =	seq.s32 s7, s2  }
0x1e: {  	s7 =	smul.u32 @!p0 $0xF7A, s2;
	p2 =	seq.s32 @!p0 s5, $0x0  }
0x1f: {  	s9 =	smul.u32 $0xF7A, s1;
	s8 =	simm.s32 @!p0 $0x1BF5;
	p2 =	por !p2, p0  }
0x20: {  	[sflag:s8] =	ssyncset.s32 @!p0 $0xFFFFF086;
	s6 =	sadd.s32 @!p0 s3, s7;
	s7 =	simm.s32 @!p0 $0x108  }
0x21: {  	s3 =	sadd.s32 s3, s9;
	s6 =	sadd.s32 @!p0 $0x88, s6;
	s7 =	simm.s32 @p2 $0x1082  }
0x22: {  	[simem:s7], [sflag:s8] =	dma.local @!p0 [hbm:s6], $0xF7A  }
0x23: {  	s9 =	sor.u32 $0xD0000000, s2;
	s6 =	simm.s32 $0x108;
	_ =	swait.ge @!p0 [sflag:s8], $0x0  }
0x24: {  	s3 =	sadd.s32 $0x88, s3;
	s6 =	simm.s32 @!p1 $0x1082;
	[sflag:s4] =	ssyncset.s32 $0xFFFFF086  }
0x25: {  	[simem:s6], [sflag:s4] =	dma.local [hbm:s3], $0xF7A  }
0x26: {  	[smem:$0x3F96] =	sst s1;
	(tag) =	ssettag s2;
	_ =	strace s9  }
0x27: {  	s1 =	sld [smem:$0x3FA6]  }
0x28: {  	s2 =	sld [smem:$0x3FA7]  }
0x29: {  	s4 =	sld [smem:$0x3FA9]  }
0x2a: {  	p0 =	seq.s32 s5, $0x0;
	s5 =	sld [smem:$0x3FAA]  }
0x2b: {  	s6 =	sld [smem:$0x3FAB]  }
0x2c: {  	s7 =	sld [smem:$0x3FAC]  }
0x2d: {  	s3 =	simm.s32 $0x108;
	s8 =	sld [smem:$0x3FAD]  }
0x2e: {  	s3 =	simm.s32 @!p0 $0x1082;
	s9 =	sld [smem:$0x3FAE]  }
0x2f: {  	lr =	sadd.s32 s0, s3;
	s0 =	sld [smem:$0x3FA5]  }
0x30: {  	s3 =	sld [smem:$0x3FA8]  }
0x31: {  	[smem:$0x3FB1] =	sst s10  }
0x32: {  	s10 =	sld [smem:$0x3FAF];
	_ =	sdelay $0x3  }
0x33: {  	p0 =	seq.s32 s10, $0x1;
	s10 =	sld [smem:$0x3FB1];
	_ =	sdelay $0x3  }
0x34: {  	[smem:$0x3FB1] =	sst s10  }
0x35: {  	s10 =	sld [smem:$0x3FB0];
	_ =	sdelay $0x3  }
0x36: {  	p1 =	seq.s32 s10, $0x1;
	s10 =	sld [smem:$0x3FB1];
	_ =	sdelay $0x3  }
0x37: {  	[smem:$0x3FB1] =	sst s10  }
0x38: {  	s10 =	sld [smem:$0x3FB2]  }
0x39: {  	_ = 	snop;
	(pc) =	sbr.ind lr, $3  }
0x3a: {  	_ = 	snop  }
0x3b: {  	_ = 	snop  }
0x3c: {  	p2 =	seq.s32 s10, $0x1;
	s10 =	sld [smem:$0x3FB1]  }
0x3d: {  	_ =	shalt  }
0x3e: {  	_ =	shalt  }
0x3f: {  	_ =	shalt  }
0x40: {  	_ =	shalt  }
0x41: {  	_ =	shalt  }
0x42: {  	_ =	shalt  }
0x43: {  	_ =	shalt  }
0x44: {  	_ =	shalt  }
0x45: {  	_ =	shalt  }
0x46: {  	_ =	shalt  }
0x47: {  	_ =	shalt  }
0x48: {  	_ =	shalt  }
0x49: {  	_ =	shalt  }
0x4a: {  	_ =	shalt  }
0x4b: {  	_ =	shalt  }
0x4c: {  	_ =	shalt  }
0x4d: {  	_ =	shalt  }
0x4e: {  	_ =	shalt  }
0x4f: {  	_ =	shalt  }
0x50: {  	_ =	shalt  }
0x51: {  	_ =	shalt  }
0x52: {  	_ =	shalt  }
0x53: {  	_ =	shalt  }
0x54: {  	_ =	shalt  }
0x55: {  	_ =	shalt  }
0x56: {  	_ =	shalt  }
0x57: {  	_ =	shalt  }
0x58: {  	_ =	shalt  }
0x59: {  	_ =	shalt  }
0x5a: {  	_ =	shalt  }
0x5b: {  	_ =	shalt  }
0x5c: {  	_ =	shalt  }
0x5d: {  	_ =	shalt  }
0x5e: {  	_ =	shalt  }
0x5f: {  	_ =	shalt  }
0x60: {  	_ =	shalt  }
0x61: {  	_ =	shalt  }
0x62: {  	_ =	shalt  }
0x63: {  	_ =	shalt  }
0x64: {  	_ =	shalt  }
0x65: {  	_ =	shalt  }
0x66: {  	_ =	shalt  }
0x67: {  	_ =	shalt  }
0x68: {  	_ =	shalt  }
0x69: {  	_ =	shalt  }
0x6a: {  	_ =	shalt  }
0x6b: {  	_ =	shalt  }
0x6c: {  	_ =	shalt  }
0x6d: {  	_ =	shalt  }
0x6e: {  	_ =	shalt  }
0x6f: {  	_ =	shalt  }
0x70: {  	_ =	shalt  }
0x71: {  	_ =	shalt  }
0x72: {  	_ =	shalt  }
0x73: {  	_ =	shalt  }
0x74: {  	_ =	shalt  }
0x75: {  	_ =	shalt  }
0x76: {  	_ =	shalt  }
0x77: {  	_ =	shalt  }
0x78: {  	_ =	shalt  }
0x79: {  	_ =	shalt  }
0x7a: {  	_ =	shalt  }
0x7b: {  	_ =	shalt  }
0x7c: {  	_ =	shalt  }
0x7d: {  	_ =	shalt  }
0x7e: {  	_ =	shalt  }
0x7f: {  	_ =	shalt  }
0x80: {  	_ =	shalt  }
0x81: {  	_ =	shalt  }
0x82: {  	_ =	shalt  }
0x83: {  	_ =	shalt  }
0x84: {  	_ =	shalt  }
0x85: {  	_ =	shalt  }
0x86: {  	_ =	shalt  }
0x87: {  	_ =	shalt  }
.Lfunc_end0:
.L_simem_size_0:
called_computation.1_lowered:
.L_overlay_start_0:
0x88: {  	s2 =	sld [smem:$0x3FD9]  }
0x89: {  	s3 =	sld [smem:$0x3FFE];
	_ =	sdelay $0x1  }
0x8a: {  	s1 =	srdreg.scid  }
0x8b: {  	s0 =	sand.u32 $0x1, s1  }
0x8c: {  	s15 =	sshll.u32 s0, $0xA;
	s2 =	sadd.s32 s3, s2  }
0x8d: {  	s2 =	sadd.s32 s2, s15  }
0x8e: {  	[smem:$0x3FBD] =	sst s2  }
0x8f: {  	_ = 	snop  }
0x90: {  	s2 =	sld [smem:$0x3FD0];
	_ =	sdelay $0x2  }
0x91: {  	s16 =	simm.s32 $0xB;
	s4 =	simm.s32 $0x10  }
0x92: {  	[smem:s4], [sflag:s16] =	dma.local [hbm:s2], $0x1  }
0x93: {  	_ =	swait.eq [sflag:s16], $0x1  }
0x94: {  	[sflag:s16] =	ssyncset.done $0x0  }
0x95: {  	[sflag:s16] =	ssyncadd.s32 $0xFFFFFFFF  }
0x96: {  	s17 =	sld [smem:$0x10];
	(tm) =	ssettm $0x1  }
0x97: {  	s18 =	sld [smem:$0x3FFB];
	_ =	sdelay $0x3  }
0x98: {  	_ =	strace s18  }
0x99: {  	s2 =	sld [smem:$0x3FFC];
	_ =	sdelay $0x3  }
0x9a: {  	_ =	strace s2  }
0x9b: {  	s2 =	sld [smem:$0x3FFD];
	_ =	sdelay $0x3  }
0x9c: {  	_ =	strace s2  }
0x9d: {  	_ =	strace $0x8FFFFFFF  }
0x9e: {  	s19 =	sld [smem:$0x3FDB];
	_ =	sdelay $0x1  }
0x9f: {  	s20 =	simm.s32 $_scs_section_size  }
0xa0: {  	s5 =	simm.s32 $_size__tile_overlayer_lowered;
	s6 =	simm.s32 $_tile_overlayer_lowered  }
0xa1: {  	s7 =	simm.s32 $0x1BFF;
	s21 =	sshll.u32 s6, $0x1;
	s4 =	sadd.s32 s20, s19  }
0xa2: {  	s22 =	simm.s32 $0x0;
	s5 =	sshll.u32 s5, $0x1;
	s6 =	sadd.s32 s21, s4  }
0xa3: {  	[timem:s22], [sflag:s7] =	dma.local [hbm:s6], s5  }
0xa4: {  	_ =	swait.ge [sflag:s7], s5  }
0xa5: {  	s5 =	ssub.s32 $0x0, s5;
	[sflag:s7] =	ssyncset.done $0x0  }
0xa6: {  	[sflag:s7] =	ssyncadd.s32 s5;
	_ =	sdelay $0x1  }
0xa7: {  	s23 =	simm.s32 $0x1B8B  }
0xa8: {  	_ =	swait.ge [sflag:s23], $0x1  }
0xa9: {  	[sflag:s23] =	ssyncset.done $0x0  }
0xaa: {  	[sflag:s23] =	ssyncadd.s32 $0xFFFFFFFF  }
0xab: {  	s5 =	sld [smem:$0x0]  }
0xac: {  	s6 =	sand.u32 $0xFFFFFFFE, s1  }
0xad: {  	p0 =	sne.s32 s1, s6  }
0xae: {  	s6 =	sshll.u32 @p0 s6, $0xE  }
0xaf: {  	s6 =	sadd.s32 @p0 $0x11B8D, s6;
	s7 =	sshll.u32 @p0 s5, $0x11  }
0xb0: {  	s6 =	sor.u32 @p0 s7, s6  }
0xb1: {  	[sflag:s6] =	ssyncadd.remote.s32 @p0 $0x1;
	_ =	sdelay $0x1  }
0xb2: {  	s6 =	simm.s32 @p0 $0x1B8D  }
0xb3: {  	_ =	swait.eq @p0 [sflag:s6], $0x1  }
0xb4: {  	[sflag:s6] =	ssyncadd.s32 @p0 $0xFFFFFFFF  }
0xb5: {  	s7 =	sshll.u32 @!p0 s1, $0xE  }
0xb6: {  	s7 =	sor.u32 @!p0 $0x4000, s7;
	s6 =	simm.s32 @!p0 $0x1B8D  }
0xb7: {  	s5 =	sshll.u32 @!p0 s5, $0x11;
	s7 =	sadd.s32 @!p0 $0x11B8D, s7;
	_ =	swait.eq @!p0 [sflag:s6], $0x1  }
0xb8: {  	s5 =	sor.u32 @!p0 s5, s7;
	[sflag:s6] =	ssyncadd.s32 @!p0 $0xFFFFFFFF  }
0xb9: {  	s25 =	simm.s32 $0x1B8E;
	s24 =	sld [smem:$0x3FFE];
	[sflag:s5] =	ssyncadd.remote.s32 @!p0 $0x1  }
0xba: {  	s26 =	simm.s32 $execute0_lowered;
	[smem:$0x3FD2] =	sst s25  }
0xbb: {  	s6 =	sshll.u32 s26, $0x1;
	_ =	strace $0x8000004C;
	[dreg:$0x1] =	wrdreg $0xFFFFFFFF  }
0xbc: {  	s28 =	simm.s32 $_size_execute0_lowered;
	s4 =	sadd.s32 s4, s6;
	[dreg:$0x0] =	wrdreg $0x0  }
0xbd: {  	s6 =	sshll.u32 s28, $0x1;
	[dreg:$0x2] =	wrdreg s4  }
0xbe: {  	[dreg:$0x3] =	wrdreg s6  }
0xbf: {  	[dreg:$0x4] =	wrdreg $0xC0  }
0xc0: {  	_ =	task [dreg:s22], $0x5FFFF  }
0xc1: {  	[dreg:$0x1] =	wrdreg $0xFFFFFFFF  }
0xc2: {  	[dreg:$0x0] =	wrdreg $0x60  }
0xc3: {  	[dreg:$0x2] =	wrdreg s24  }
0xc4: {  	[dreg:$0x3] =	wrdreg s17  }
0xc5: {  	[dreg:$0x4] =	wrdreg $0x7A000  }
0xc6: {  	[dreg:$0x5] =	wrdreg $0x9  }
0xc7: {  	_ =	task.clear_ibuf [dreg:s22], $0x6FFFF;
	_ =	strace $0x9000004C  }
0xc8: {  	s29 =	simm.s32 $0x9;
	_ =	strace $0x8000004E  }
0xc9: {  	_ =	swait.ge [sflag:s29], $0x1  }
0xca: {  	[sflag:s29] =	ssyncadd.s32 $0xFFFFFFFF  }
0xcb: {  	_ =	strace $0x9000004E  }
0xcc: {  	_ =	sfence  }
0xcd: {  	s30 =	sld [smem:$0x0];
	_ =	sdelay $0x2  }
0xce: {  	s31 =	sshll.u32 s1, $0xD;
	s1 =	sshrl.u32 s1, $0x2  }
0xcf: {  	s4 =	sand.u32 $0x4000, s31;
	s1 =	sadd.s32 s1, s30  }
0xd0: {  	s0 =	sor.u32 s4, s0;
	s1 =	sshll.u32 s1, $0x11  }
0xd1: {  	s0 =	sor.u32 s1, s0  }
0xd2: {  	s0 =	sadd.s32 $0x8F2B, s0  }
0xd3: {  	[sflag:s0] =	ssyncadd.remote.s32 $0x1  }
0xd4: {  	_ =	sfence.sel $0xFFFF  }
0xd5: {  	[dreg:$0x0] =	wrdreg $0xFFFFFFFF;
	(pc) =	sbr.abs _section_cstart, $3  }
0xd6: {  	[dreg:$0x1] =	wrdreg $0xFFFFFFFF  }
0xd7: {  	_ =	task.clear_ibuf [dreg:s22], $0x2FFFF;
	_ =	strace $0x9FFFFFFF  }
0xd8: {  	(tm) =	ssettm $0x7FFFFFFF  }
0xd9: {  	_ =	shalt  }
tec
execute0_lowered:
.L_overlay_start_1:
0x0: {  	(tag) =	ssettag $0x1  }
0x1: {  	s0 =	rddreg [dreg:$0x0]  }
0x2: {  	s5 =	rddreg [dreg:$0x1]  }
0x3: {  	s1 =	rddreg [dreg:$0x2];
	s6 =	stileid.u32  }
0x4: {  	s2 =	simm.s32 $0x0;
	s4 =	srdreg.scid;
	s20 =	simm.s32 $0x5200  }
0x5: {  	s21 =	simm.s32 $0x1;
	s28 =	simm.s32 $0x50;
	s29 =	simm.s32 $0x150  }
0x6: {  	s30 =	simm.s32 $0x0;
	s3 =	smul.u32 $0x4E200, s6;
	[smem:$0x7FF] =	sst s2  }
0x7: {  	s10 =	smul.u32 $0xC80, s6;
	s12 =	sand.u32 $0x1, s4;
	s4 =	sadd.s32 $0xA1FA00, s0  }
0x8: {  	s7 =	sadd.s32 $0xA20800, s0;
	s11 =	ssub.s32 $0x18, s6;
	s13 =	smul.u32 $0x19000, s6  }
0x9: {  	s24 =	sadd.s32 $0x9C400, s1;
	s17 =	smul.u32 $0x9C4, s6;
	s31 =	sshll.u32 s6, $0x6  }
0xa: {  	p0 =	sne.s32 s6, $0x0;
	_ =	strace $0x8000004D;
	[dreg:$0x4] =	wrdreg s7  }
0xb: {  	s23 =	ssub.s32 $0x2, s12;
	s11 =	sshrl.u32 s11, $0x4;
	[dreg:$0x5] =	wrdreg s24  }
0xc: {  	s7 =	smul.u32 $0x4E20, s6;
	s22 =	sor.u32 $0x1C01, s31;
	p1 =	sne.s32 s12, $0x0  }
0xd: {  	s24 =	simm.s32 $0x200;
	p2 =	seq.s32 s12, $0x0;
	s8 =	sadd.s32 s3, s0  }
0xe: {  	s3 =	sadd.s32 $0x2C00, s0;
	s0 =	sadd.s32 s10, s0;
	s9 =	sshrl.u32 s23, $0x1  }
0xf: {  	s25 =	sshrl.u32 s13, $0x2;
	s13 =	sadd.s32 $0x1876C00, s8;
	s8 =	sadd.s32 $0x1394C00, s8  }
0x10: {  	s9 =	ssub.s32 s23, s9;
	s14 =	sadd.s32 $0xA20E00, s0;
	s26 =	sadd.s32 $0xA34680, s0  }
.Ltmp0:
0x11: {  	s17 =	sadd.s32 s17, s3;
	s18 =	sadd.s32 $0xA48000, s0;
	(pc) =	sbr.rel .LBB2_1-.Ltmp0, $4  }
0x12: {  	s19 =	sadd.s32 $0xA5B880, s0;
	s23 =	simm.s32 $0x2;
	[dreg:$0x7] =	wrdreg s14  }
0x13: {  	s9 =	smax.u32 s9, $0x1;
	s14 =	sadd.s32 s10, s5;
	[dreg:$0x8] =	wrdreg s26  }
0x14: {  	s26 =	simm.s32 $0x100;
	[dreg:$0x6] =	wrdreg s9;
	s9 =	sadd.s32 $0x1, s11  }
0x15: {  	s11 =	sadd.s32 s25, s1;
	s16 =	sadd.s32 $0x13880, s14;
	s25 =	simm.s32 $0xA0  }
.LBB2_44:
0x16: {  	[bflag:$0x0] =	sbarrier.arrive $0xFFFF  }
.LBB2_45:
0x17: {  	s30 =	sadd.s32 $0x1, s30;
	s0 =	rddreg [dreg:$0x6]  }
0x18: {  	p3 =	sne.s32 s30, s0  }
.Ltmp1:
0x19: {  	_ = 	snop;
	(pc) =	sbr.rel @!p3 .LBB2_46-.Ltmp1, $2  }
0x1a: {  	_ =	sdelay $0x1  }
0x1b: {  	[bflag:$0x0] =	sbarrier.arrive $0xFFFF;
	_ =	sdelay $0x1  }
.LBB2_1:
0x1c: {  	s0 =	rddreg [dreg:$0x4]  }
0x1d: {  	[tilespmem:s20], [sflag:$0x1] =	stream.linear.gather [hbm4b:s0+s2], $0x2800, $0x38;
	[tilespmem:$0x116C0] =	vst v63  }
0x1e: {  	p3 =	sne.s32 s9, $0x1;
	_ =	swait.ge [sflag:s21], $0x2800  }
.Ltmp2:
0x1f: {  	[sflag:s21] =	ssyncset.done $0x0;
	(pc) =	sbr.rel @!p3 .LBB2_3-.Ltmp2, $4  }
0x20: {  	s31 =	sshrl.u32 s11, $0x3;
	[sflag:s21] =	ssyncadd.s32 $0xFFFFD800  }
0x21: {  	[spmem:s31], [sflag:s22] =	dma.local [hbm:s4], $0xC80  }
0x22: {  	_ =	swait.ge [sflag:s21], $0xC80  }
0x23: {  	s5 =	sadd.s32 $0x64000, s11;
	s0 =	sadd.s32 $0xFFFFFFFF, s9;
	[sflag:s21] =	ssyncset.done $0x0  }
.LBB2_2:
0x24: {  	s6 =	sshrl.u32 s5, $0x3;
	[sflag:s21] =	ssyncadd.s32 $0xFFFFF380;
	p4 =	sne.s32 s0, $0x1  }
0x25: {  	[spmem:s6], [sflag:s22] =	dma.local [hbm:s4], $0xC80  }
.Ltmp3:
0x26: {  	_ = 	snop;
	(pc) =	sbr.rel @p4 .LBB2_2-.Ltmp3, $4  }
0x27: {  	_ = 	snop  }
0x28: {  	s0 =	sadd.s32 $0xFFFFFFFF, s0  }
0x29: {  	_ =	swait.ge [sflag:s21], $0xC80  }
0x2a: {  	s5 =	sadd.s32 $0x64000, s5;
	[sflag:s21] =	ssyncset.done $0x0  }
.LBB2_3:
0x2b: {  	s0 =	rddreg [dreg:$0x5]  }
0x2c: {  	[sflag:s21] =	ssyncadd.s32 $0xFFFFF380;
	s5 =	simm.s32 @!p0 $0x1C01;
	s0 =	sshrl.u32 @!p0 s0, $0x3  }
0x2d: {  	[spmem:s0], [sflag:s5] =	dma.local @!p0 [hbm:s4], $0x100  }
0x2e: {  	s5 =	simm.s32 @!p0 $0x1  }
.Ltmp4:
0x2f: {  	_ =	swait.ge @!p0 [sflag:s5], $0x100;
	(pc) =	sbr.rel .LBB2_4-.Ltmp4, $4  }
0x30: {  	[sflag:s5] =	ssyncset.done @!p0 $0x0  }
0x31: {  	[sflag:s5] =	ssyncadd.s32 @!p0 $0xFFFFFF00  }
0x32: {  	s6 =	smov.u32 s7;
	[bflag:$0x0] =	sbarrier.arrive $0xFFFF  }
0x33: {  	s10 =	smov.u32 s8;
	s12 =	smov.u32 s13;
	s5 =	simm.s32 $0x7C  }
.LBB2_5:
0x34: {  	[tilespmem:s24], [sflag:$0x2] =	stream.linear.gather [hbm4b:s10+s2], $0x5000, $0x38;
	[tilespmem:$0x116C0] =	vst v63  }
0x35: {  	_ =	swait.ge [sflag:s23], $0x5000  }
0x36: {  	p4 =	seq.s32 s5, $0x0;
	[sflag:s23] =	ssyncset.done $0x0  }
.Ltmp5:
0x37: {  	[sflag:s23] =	ssyncadd.s32 $0xFFFFB000;
	(pc) =	sbr.rel @p4 .LBB2_11-.Ltmp5, $4  }
0x38: {  	[spmem:s1] =	stream.indirect.scatter.add.f32 [tilespmem:s24], [sflag:$0x2], $0x80, s26, s25, $0xb8;
	[tilespmem:$0x116C0] =	vst v63  }
0x39: {  	_ =	swait.ge [sflag:s23], $0x5000  }
0x3a: {  	[sflag:s23] =	ssyncset.done $0x0  }
0x3b: {  	[sflag:s23] =	ssyncadd.s32 $0xFFFFB000  }
.LBB2_6:
0x3c: {  	s5 =	sadd.s32 $0xFFFFFFFF, s5  }
0x3d: {  	s12 =	sadd.s32 $0xA00, s12;
	s10 =	sadd.s32 $0xA00, s10;
	s6 =	sadd.s32 $0xA0, s6  }
.LBB2_4:
0x3e: {  	s15 =	sshrl.u32 s6, $0x3  }
0x3f: {  	s15 =	sadd.s32 s3, s15  }
0x40: {  	[tilespmem:s2], [sflag:$0x2] =	stream.linear.gather [hbm4b:s15+s2], $0xA0, $0x38;
	[tilespmem:$0x116C0] =	vst v63  }
0x41: {  	_ =	swait.ge [sflag:s23], $0xA0  }
0x42: {  	[sflag:s23] =	ssyncset.done $0x0  }
0x43: {  	[sflag:s23] =	ssyncadd.s32 $0xFFFFFF60  }
0x44: {  	v0 =	vld [tilespmem:$0x0]  }
0x45: {  	v1 =	vld [tilespmem:$0x10]  }
0x46: {  	v2 =	vld [tilespmem:$0x20]  }
0x47: {  	v3 =	vld [tilespmem:$0x30]  }
0x48: {  	v4 =	vld [tilespmem:$0x40]  }
0x49: {  	v7 =	vld [tilespmem:$0x50]  }
0x4a: {  	v9 =	vld [tilespmem:$0x70]  }
0x4b: {  	vm0 =	vlt.u32 v0, $0x1388;
	v5 =	vand.u32 $0xF, v0;
	v6 =	vand.u32 $0xF, v1  }
0x4c: {  	v53 =	vld [tilespmem:$0x90];
	vm1 =	vlt.u32 v1, $0x1388;
	v47 =	vand.u32 $0xF, v2;
	vm9 =	vlt.u32 v2, $0x1388  }
0x4d: {  	v8 =	vand.u32 $0xF, v3;
	vm10 =	vlt.u32 v3, $0x1388;
	vm11 =	vlt.u32 v4, $0x1388  }
0x4e: {  	v50 =	vand.u32 $0xF, v4;
	v51 =	vand.u32 $0xF, v7;
	v5 =	vadd.s32 $0x1388, v5  }
0x4f: {  	v48 =	vld [tilespmem:$0x60];
	v55 =	vand.u32 $0xF, v9;
	v6 =	vadd.s32 $0x1388, v6;
	v0 =	vsel vm0, v0, v5  }
0x50: {  	vm13 =	vlt.u32 v9, $0x1388;
	v49 =	vadd.s32 $0x1388, v8;
	v1 =	vsel vm1, v1, v6;
	[tilespmem:$0x100] =	vst v0  }
0x51: {  	v10 =	vld [tilespmem:$0x80];
	v61 =	vand.u32 $0xF, v53;
	v57 =	vadd.s32 $0x1388, v55;
	v3 =	vsel vm10, v3, v49;
	[tilespmem:$0x110] =	vst v1  }
0x52: {  	vm15 =	vlt.u32 v53, $0x1388;
	v62 =	vadd.s32 $0x1388, v61;
	v58 =	vsel vm13, v9, v57;
	[tilespmem:$0x130] =	vst v3  }
0x53: {  	vm2 =	vlt.u32 v7, $0x1388;
	v5 =	vadd.s32 $0x1388, v47;
	v63 =	vsel vm15, v53, v62;
	[tilespmem:$0x170] =	vst v58  }
0x54: {  	vm12 =	vlt.u32 v48, $0x1388;
	v52 =	vadd.s32 $0x1388, v51;
	v2 =	vsel vm9, v2, v5;
	[tilespmem:$0x190] =	vst v63  }
.Ltmp6:
0x55: {  	v54 =	vand.u32 $0xF, v48;
	v0 =	vadd.s32 $0x1388, v50;
	v1 =	vsel vm2, v7, v52;
	[tilespmem:$0x120] =	vst v2;
	(pc) =	sbr.rel @!p1 .LBB2_5-.Ltmp6, $4  }
0x56: {  	v59 =	vand.u32 $0xF, v10;
	v56 =	vadd.s32 $0x1388, v54;
	v0 =	vsel vm11, v4, v0;
	[tilespmem:$0x150] =	vst v1  }
0x57: {  	vm14 =	vlt.u32 v10, $0x1388;
	v60 =	vadd.s32 $0x1388, v59;
	[tilespmem:$0x140] =	vst v0;
	v0 =	vsel vm12, v48, v56  }
0x58: {  	[tilespmem:$0x160] =	vst v0;
	v0 =	vsel vm14, v10, v60  }
0x59: {  	[tilespmem:$0x180] =	vst v0  }
0x5a: {  	[tilespmem:s24], [sflag:$0x2] =	stream.linear.gather [hbm4b:s12+s2], $0x5000, $0x38;
	[tilespmem:$0x116C0] =	vst v63  }
0x5b: {  	_ =	swait.ge [sflag:s23], $0x5000  }
0x5c: {  	p4 =	sne.s32 s5, $0x0;
	[sflag:s23] =	ssyncset.done $0x0  }
.Ltmp7:
0x5d: {  	[sflag:s23] =	ssyncadd.s32 $0xFFFFB000;
	(pc) =	sbr.rel @p4 .LBB2_6-.Ltmp7, $4  }
0x5e: {  	[spmem:s1] =	stream.indirect.scatter.add.f32 [tilespmem:s24], [sflag:$0x1], $0x80, s26, s25, $0xb8;
	[tilespmem:$0x116C0] =	vst v63  }
0x5f: {  	_ =	swait.ge [sflag:s21], $0x5000  }
0x60: {  	[sflag:s21] =	ssyncset.done $0x0  }
0x61: {  	[sflag:s21] =	ssyncadd.s32 $0xFFFFB000  }
.Ltmp8:
0x62: {  	[bflag:$0x0] =	sbarrier.arrive $0xFFFF;
	(pc) =	sbr.rel @!p3 .LBB2_10-.Ltmp8, $4  }
0x63: {  	s10 =	rddreg [dreg:$0x7]  }
0x64: {  	[hbm:s10], [sflag:s22] =	dma.local [spmem:s31], $0xC80  }
0x65: {  	_ =	swait.ge [sflag:s21], $0xC80  }
0x66: {  	s5 =	sadd.s32 $0xFFFFFFFF, s9;
	s6 =	sadd.s32 $0x64000, s11;
	[sflag:s21] =	ssyncset.done $0x0  }
.LBB2_9:
0x67: {  	s12 =	sshrl.u32 s6, $0x3  }
0x68: {  	[sflag:s21] =	ssyncadd.s32 $0xFFFFF380;
	s10 =	sadd.s32 $0xC800, s10;
	p4 =	sne.s32 s5, $0x1  }
0x69: {  	[hbm:s10], [sflag:s22] =	dma.local [spmem:s12], $0xC80  }
.Ltmp9:
0x6a: {  	_ = 	snop;
	(pc) =	sbr.rel @p4 .LBB2_9-.Ltmp9, $4  }
0x6b: {  	_ = 	snop  }
0x6c: {  	s5 =	sadd.s32 $0xFFFFFFFF, s5  }
0x6d: {  	_ =	swait.ge [sflag:s21], $0xC80  }
0x6e: {  	s6 =	sadd.s32 $0x64000, s6;
	[sflag:s21] =	ssyncset.done $0x0  }
.LBB2_10:
.Ltmp10:
0x6f: {  	(pc) =	sbr.rel .LBB2_14-.Ltmp10, $2  }
0x70: {  	_ =	sdelay $0x2  }
0x71: {  	[sflag:s21] =	ssyncadd.s32 $0xFFFFF380  }
.LBB2_11:
0x72: {  	p4 =	seq.s32 s9, $0x1  }
.Ltmp11:
0x73: {  	_ = 	snop;
	(pc) =	sbr.rel @p4 .LBB2_13-.Ltmp11, $4  }
0x74: {  	[bflag:$0x0] =	sbarrier.arrive $0xFFFF  }
0x75: {  	[hbm:s14], [sflag:s22] =	dma.local [spmem:s31], $0xC80  }
0x76: {  	s5 =	sadd.s32 $0xFFFFFFFF, s9;
	_ =	swait.ge [sflag:s21], $0xC80  }
0x77: {  	s6 =	sadd.s32 $0x64000, s11;
	s10 =	smov.u32 s14;
	[sflag:s21] =	ssyncset.done $0x0  }
.LBB2_12:
0x78: {  	s12 =	sshrl.u32 s6, $0x3  }
0x79: {  	[sflag:s21] =	ssyncadd.s32 $0xFFFFF380;
	s10 =	sadd.s32 $0xC800, s10;
	p4 =	seq.s32 s5, $0x1  }
0x7a: {  	[hbm:s10], [sflag:s22] =	dma.local [spmem:s12], $0xC80  }
.Ltmp12:
0x7b: {  	_ = 	snop;
	(pc) =	sbr.rel @!p4 .LBB2_12-.Ltmp12, $4  }
0x7c: {  	_ = 	snop  }
0x7d: {  	s5 =	sadd.s32 $0xFFFFFFFF, s5  }
0x7e: {  	_ =	swait.ge [sflag:s21], $0xC80  }
0x7f: {  	s6 =	sadd.s32 $0x64000, s6;
	[sflag:s21] =	ssyncset.done $0x0  }
.LBB2_13:
0x80: {  	[sflag:s21] =	ssyncadd.s32 $0xFFFFF380  }
.LBB2_14:
.Ltmp13:
0x81: {  	(pc) =	sbr.rel @!p3 .LBB2_16-.Ltmp13, $4  }
0x82: {  	[bflag:$0x0] =	sbarrier.arrive $0xFFFF  }
0x83: {  	[spmem:s31], [sflag:s22] =	dma.local [hbm:s4], $0xC80  }
0x84: {  	_ =	swait.ge [sflag:s21], $0xC80  }
0x85: {  	s5 =	sadd.s32 $0xFFFFFFFF, s9;
	s6 =	sadd.s32 $0x64000, s11;
	[sflag:s21] =	ssyncset.done $0x0  }
.LBB2_15:
0x86: {  	s10 =	sshrl.u32 s6, $0x3;
	[sflag:s21] =	ssyncadd.s32 $0xFFFFF380;
	p4 =	sne.s32 s5, $0x1  }
0x87: {  	[spmem:s10], [sflag:s22] =	dma.local [hbm:s4], $0xC80  }
.Ltmp14:
0x88: {  	_ = 	snop;
	(pc) =	sbr.rel @p4 .LBB2_15-.Ltmp14, $4  }
0x89: {  	_ = 	snop  }
0x8a: {  	s5 =	sadd.s32 $0xFFFFFFFF, s5  }
0x8b: {  	_ =	swait.ge [sflag:s21], $0xC80  }
0x8c: {  	s6 =	sadd.s32 $0x64000, s6;
	[sflag:s21] =	ssyncset.done $0x0  }
.LBB2_16:
0x8d: {  	[sflag:s21] =	ssyncadd.s32 $0xFFFFF380;
	s5 =	simm.s32 @!p0 $0x1C01  }
0x8e: {  	[spmem:s0], [sflag:s5] =	dma.local @!p0 [hbm:s4], $0x100  }
0x8f: {  	s5 =	simm.s32 @!p0 $0x1  }
.Ltmp15:
0x90: {  	_ =	swait.ge @!p0 [sflag:s5], $0x100;
	(pc) =	sbr.rel .LBB2_17-.Ltmp15, $4  }
0x91: {  	[sflag:s5] =	ssyncset.done @!p0 $0x0  }
0x92: {  	[sflag:s5] =	ssyncadd.s32 @!p0 $0xFFFFFF00  }
0x93: {  	s6 =	smov.u32 s7;
	[bflag:$0x0] =	sbarrier.arrive $0xFFFF  }
0x94: {  	s12 =	smov.u32 s8;
	s10 =	smov.u32 s13;
	s5 =	simm.s32 $0x7C  }
.LBB2_18:
0x95: {  	[tilespmem:s24], [sflag:$0x2] =	stream.linear.gather [hbm4b:s12+s2], $0x5000, $0x38;
	[tilespmem:$0x116C0] =	vst v63  }
0x96: {  	_ =	swait.ge [sflag:s23], $0x5000  }
0x97: {  	p4 =	seq.s32 s5, $0x0;
	[sflag:s23] =	ssyncset.done $0x0  }
.Ltmp16:
0x98: {  	[sflag:s23] =	ssyncadd.s32 $0xFFFFB000;
	(pc) =	sbr.rel @p4 .LBB2_24-.Ltmp16, $4  }
0x99: {  	[spmem:s1] =	stream.indirect.scatter.add.f32 [tilespmem:s24], [sflag:$0x2], $0x80, s26, s25, $0xb8;
	[tilespmem:$0x116C0] =	vst v63  }
0x9a: {  	_ =	swait.ge [sflag:s23], $0x5000  }
0x9b: {  	[sflag:s23] =	ssyncset.done $0x0  }
0x9c: {  	[sflag:s23] =	ssyncadd.s32 $0xFFFFB000  }
.LBB2_19:
0x9d: {  	s5 =	sadd.s32 $0xFFFFFFFF, s5  }
0x9e: {  	s10 =	sadd.s32 $0xA00, s10;
	s12 =	sadd.s32 $0xA00, s12;
	s6 =	sadd.s32 $0xA0, s6  }
.LBB2_17:
0x9f: {  	s15 =	sshrl.u32 s6, $0x3  }
0xa0: {  	s15 =	sadd.s32 s3, s15  }
0xa1: {  	[tilespmem:s2], [sflag:$0x2] =	stream.linear.gather [hbm4b:s15+s2], $0xA0, $0x38;
	[tilespmem:$0x116C0] =	vst v63  }
0xa2: {  	_ =	swait.ge [sflag:s23], $0xA0  }
0xa3: {  	[sflag:s23] =	ssyncset.done $0x0  }
0xa4: {  	[sflag:s23] =	ssyncadd.s32 $0xFFFFFF60  }
0xa5: {  	v0 =	vld [tilespmem:$0x0]  }
0xa6: {  	v1 =	vld [tilespmem:$0x10]  }
0xa7: {  	v2 =	vld [tilespmem:$0x20]  }
0xa8: {  	v4 =	vld [tilespmem:$0x30]  }
0xa9: {  	v5 =	vld [tilespmem:$0x40]  }
0xaa: {  	v7 =	vld [tilespmem:$0x50]  }
0xab: {  	v8 =	vld [tilespmem:$0x60]  }
0xac: {  	v46 =	vld [tilespmem:$0x70]  }
0xad: {  	v10 =	vld [tilespmem:$0x80];
	v3 =	vadd.s32 $0xFFFFEC78, v0  }
0xae: {  	v52 =	vld [tilespmem:$0x90];
	v0 =	vand.u32 $0xF, v0;
	v43 =	vadd.s32 $0xFFFFEC78, v1;
	v1 =	vand.u32 $0xF, v1  }
0xaf: {  	v6 =	vadd.s32 $0xFFFFEC78, v2;
	v2 =	vand.u32 $0xF, v2;
	v44 =	vadd.s32 $0xFFFFEC78, v4  }
0xb0: {  	v4 =	vand.u32 $0xF, v4;
	v45 =	vadd.s32 $0xFFFFEC78, v5;
	v5 =	vand.u32 $0xF, v5  }
0xb1: {  	v9 =	vadd.s32 $0xFFFFEC78, v7;
	v48 =	vand.u32 $0xF, v7;
	v50 =	vadd.s32 $0xFFFFEC78, v8  }
0xb2: {  	v51 =	vand.u32 $0xF, v8;
	v54 =	vadd.s32 $0xFFFFEC78, v46;
	v55 =	vand.u32 $0xF, v46  }
0xb3: {  	v57 =	vadd.s32 $0xFFFFEC78, v10;
	v58 =	vand.u32 $0xF, v10;
	v59 =	vadd.s32 $0xFFFFEC78, v52  }
0xb4: {  	v60 =	vand.u32 $0xF, v52;
	vm0 =	vlt.u32 v3, $0x1388;
	v0 =	vadd.s32 $0x1388, v0  }
0xb5: {  	vm7 =	vlt.u32 v43, $0x1388;
	v1 =	vadd.s32 $0x1388, v1;
	v0 =	vsel vm0, v3, v0  }
0xb6: {  	vm8 =	vlt.u32 v6, $0x1388;
	v2 =	vadd.s32 $0x1388, v2;
	v1 =	vsel vm7, v43, v1;
	[tilespmem:$0x100] =	vst v0  }
0xb7: {  	vm9 =	vlt.u32 v44, $0x1388;
	v4 =	vadd.s32 $0x1388, v4;
	v2 =	vsel vm8, v6, v2;
	[tilespmem:$0x110] =	vst v1  }
0xb8: {  	vm10 =	vlt.u32 v45, $0x1388;
	v5 =	vadd.s32 $0x1388, v5;
	v3 =	vsel vm9, v44, v4;
	[tilespmem:$0x120] =	vst v2  }
0xb9: {  	vm15 =	vlt.u32 v59, $0x1388;
	v62 =	vadd.s32 $0x1388, v60;
	v47 =	vsel vm10, v45, v5;
	[tilespmem:$0x130] =	vst v3  }
0xba: {  	vm11 =	vlt.u32 v9, $0x1388;
	v49 =	vadd.s32 $0x1388, v48;
	v63 =	vsel vm15, v59, v62;
	[tilespmem:$0x140] =	vst v47  }
.Ltmp17:
0xbb: {  	vm12 =	vlt.u32 v50, $0x1388;
	v53 =	vadd.s32 $0x1388, v51;
	v1 =	vsel vm11, v9, v49;
	[tilespmem:$0x190] =	vst v63;
	(pc) =	sbr.rel @!p1 .LBB2_18-.Ltmp17, $4  }
0xbc: {  	vm13 =	vlt.u32 v54, $0x1388;
	v56 =	vadd.s32 $0x1388, v55;
	v2 =	vsel vm12, v50, v53;
	[tilespmem:$0x150] =	vst v1  }
0xbd: {  	vm14 =	vlt.u32 v57, $0x1388;
	v0 =	vsel vm13, v54, v56;
	[tilespmem:$0x160] =	vst v2;
	v1 =	vadd.s32 $0x1388, v58  }
0xbe: {  	[tilespmem:$0x170] =	vst v0;
	v61 =	vsel vm14, v57, v1  }
0xbf: {  	[tilespmem:$0x180] =	vst v61  }
0xc0: {  	[tilespmem:s24], [sflag:$0x2] =	stream.linear.gather [hbm4b:s10+s2], $0x5000, $0x38;
	[tilespmem:$0x116C0] =	vst v63  }
0xc1: {  	_ =	swait.ge [sflag:s23], $0x5000  }
0xc2: {  	p4 =	sne.s32 s5, $0x0;
	[sflag:s23] =	ssyncset.done $0x0  }
.Ltmp18:
0xc3: {  	[sflag:s23] =	ssyncadd.s32 $0xFFFFB000;
	(pc) =	sbr.rel @p4 .LBB2_19-.Ltmp18, $4  }
0xc4: {  	[spmem:s1] =	stream.indirect.scatter.add.f32 [tilespmem:s24], [sflag:$0x1], $0x80, s26, s25, $0xb8;
	[tilespmem:$0x116C0] =	vst v63  }
0xc5: {  	_ =	swait.ge [sflag:s21], $0x5000  }
0xc6: {  	[sflag:s21] =	ssyncset.done $0x0  }
0xc7: {  	[sflag:s21] =	ssyncadd.s32 $0xFFFFB000  }
.Ltmp19:
0xc8: {  	[bflag:$0x0] =	sbarrier.arrive $0xFFFF;
	(pc) =	sbr.rel @!p3 .LBB2_23-.Ltmp19, $4  }
0xc9: {  	s10 =	rddreg [dreg:$0x8]  }
0xca: {  	[hbm:s10], [sflag:s22] =	dma.local [spmem:s31], $0xC80  }
0xcb: {  	_ =	swait.ge [sflag:s21], $0xC80  }
0xcc: {  	s5 =	sadd.s32 $0xFFFFFFFF, s9;
	s6 =	sadd.s32 $0x64000, s11;
	[sflag:s21] =	ssyncset.done $0x0  }
.LBB2_22:
0xcd: {  	s12 =	sshrl.u32 s6, $0x3  }
0xce: {  	[sflag:s21] =	ssyncadd.s32 $0xFFFFF380;
	s10 =	sadd.s32 $0xC800, s10;
	p4 =	sne.s32 s5, $0x1  }
0xcf: {  	[hbm:s10], [sflag:s22] =	dma.local [spmem:s12], $0xC80  }
.Ltmp20:
0xd0: {  	_ = 	snop;
	(pc) =	sbr.rel @p4 .LBB2_22-.Ltmp20, $4  }
0xd1: {  	_ = 	snop  }
0xd2: {  	s5 =	sadd.s32 $0xFFFFFFFF, s5  }
0xd3: {  	_ =	swait.ge [sflag:s21], $0xC80  }
0xd4: {  	s6 =	sadd.s32 $0x64000, s6;
	[sflag:s21] =	ssyncset.done $0x0  }
.LBB2_23:
.Ltmp21:
0xd5: {  	(pc) =	sbr.rel .LBB2_27-.Ltmp21, $2  }
0xd6: {  	_ =	sdelay $0x2  }
0xd7: {  	[sflag:s21] =	ssyncadd.s32 $0xFFFFF380  }
.LBB2_24:
0xd8: {  	p4 =	seq.s32 s9, $0x1  }
.Ltmp22:
0xd9: {  	_ = 	snop;
	(pc) =	sbr.rel @p4 .LBB2_26-.Ltmp22, $4  }
0xda: {  	[bflag:$0x0] =	sbarrier.arrive $0xFFFF  }
0xdb: {  	[hbm:s16], [sflag:s22] =	dma.local [spmem:s31], $0xC80  }
0xdc: {  	s5 =	sadd.s32 $0xFFFFFFFF, s9;
	_ =	swait.ge [sflag:s21], $0xC80  }
0xdd: {  	s6 =	sadd.s32 $0x64000, s11;
	s10 =	smov.u32 s16;
	[sflag:s21] =	ssyncset.done $0x0  }
.LBB2_25:
0xde: {  	s12 =	sshrl.u32 s6, $0x3  }
0xdf: {  	[sflag:s21] =	ssyncadd.s32 $0xFFFFF380;
	s10 =	sadd.s32 $0xC800, s10;
	p4 =	seq.s32 s5, $0x1  }
0xe0: {  	[hbm:s10], [sflag:s22] =	dma.local [spmem:s12], $0xC80  }
.Ltmp23:
0xe1: {  	_ = 	snop;
	(pc) =	sbr.rel @!p4 .LBB2_25-.Ltmp23, $4  }
0xe2: {  	_ = 	snop  }
0xe3: {  	s5 =	sadd.s32 $0xFFFFFFFF, s5  }
0xe4: {  	_ =	swait.ge [sflag:s21], $0xC80  }
0xe5: {  	s6 =	sadd.s32 $0x64000, s6;
	[sflag:s21] =	ssyncset.done $0x0  }
.LBB2_26:
0xe6: {  	[sflag:s21] =	ssyncadd.s32 $0xFFFFF380  }
.LBB2_27:
.Ltmp24:
0xe7: {  	(pc) =	sbr.rel @!p3 .LBB2_29-.Ltmp24, $4  }
0xe8: {  	[bflag:$0x0] =	sbarrier.arrive $0xFFFF  }
0xe9: {  	[spmem:s31], [sflag:s22] =	dma.local [hbm:s4], $0xC80  }
0xea: {  	_ =	swait.ge [sflag:s21], $0xC80  }
0xeb: {  	s5 =	sadd.s32 $0xFFFFFFFF, s9;
	s6 =	sadd.s32 $0x64000, s11;
	[sflag:s21] =	ssyncset.done $0x0  }
.LBB2_28:
0xec: {  	s10 =	sshrl.u32 s6, $0x3;
	[sflag:s21] =	ssyncadd.s32 $0xFFFFF380;
	p4 =	sne.s32 s5, $0x1  }
0xed: {  	[spmem:s10], [sflag:s22] =	dma.local [hbm:s4], $0xC80  }
.Ltmp25:
0xee: {  	_ = 	snop;
	(pc) =	sbr.rel @p4 .LBB2_28-.Ltmp25, $4  }
0xef: {  	_ = 	snop  }
0xf0: {  	s5 =	sadd.s32 $0xFFFFFFFF, s5  }
0xf1: {  	_ =	swait.ge [sflag:s21], $0xC80  }
0xf2: {  	s6 =	sadd.s32 $0x64000, s6;
	[sflag:s21] =	ssyncset.done $0x0  }
.LBB2_29:
0xf3: {  	[sflag:s21] =	ssyncadd.s32 $0xFFFFF380;
	s5 =	simm.s32 @!p0 $0x1C01  }
0xf4: {  	[spmem:s0], [sflag:s5] =	dma.local @!p0 [hbm:s4], $0x100  }
0xf5: {  	s5 =	simm.s32 @!p0 $0x1  }
.Ltmp26:
0xf6: {  	_ =	swait.ge @!p0 [sflag:s5], $0x100;
	(pc) =	sbr.rel @!p2 .LBB2_30-.Ltmp26, $3  }
0xf7: {  	[sflag:s5] =	ssyncset.done @!p0 $0x0  }
0xf8: {  	[sflag:s5] =	ssyncadd.s32 @!p0 $0xFFFFFF00  }
0xf9: {  	[bflag:$0x0] =	sbarrier.arrive $0xFFFF;
	_ =	sdelay $0x1  }
.Ltmp27:
0xfa: {  	(pc) =	sbr.rel .LBB2_36-.Ltmp27, $2  }
0xfb: {  	_ =	sdelay $0x1  }
0xfc: {  	[bflag:$0x0] =	sbarrier.arrive $0xFFFF;
	_ =	sdelay $0x1  }
.LBB2_30:
0xfd: {  	s5 =	sadd.s32 $0x0, s17  }
0xfe: {  	[tilespmem:s2], [sflag:$0x1] =	stream.linear.gather [hbm4b:s5+s2], $0xA0, $0x38;
	[tilespmem:$0x116C0] =	vst v63  }
0xff: {  	_ =	swait.ge [sflag:s21], $0xA0  }
0x100: {  	[sflag:s21] =	ssyncset.done $0x0  }
0x101: {  	[sflag:s21] =	ssyncadd.s32 $0xFFFFFF60  }
0x102: {  	v0 =	vld [tilespmem:$0x60]  }
0x103: {  	v1 =	vld [tilespmem:$0x0]  }
0x104: {  	v2 =	vld [tilespmem:$0x10]  }
0x105: {  	v3 =	vld [tilespmem:$0x40]  }
0x106: {  	v4 =	vld [tilespmem:$0x70]  }
0x107: {  	v5 =	vld [tilespmem:$0x30];
	_ =	sdelay $0x2  }
0x108: {  	v9 =	vld [tilespmem:$0x50];
	vm0 =	vlt.u32 v0, $0x1388;
	v6 =	vand.u32 $0xF, v1;
	v7 =	vand.u32 $0xF, v2  }
0x109: {  	v13 =	vld [tilespmem:$0x90];
	vm1 =	vlt.u32 v2, $0x1388;
	v8 =	vand.u32 $0xF, v3;
	v11 =	vand.u32 $0xF, v0  }
0x10a: {  	v48 =	vld [tilespmem:$0x20];
	vm2 =	vlt.u32 v3, $0x1388;
	v12 =	vand.u32 $0xF, v4;
	v14 =	vand.u32 $0xF, v5  }
0x10b: {  	vm10 =	vlt.u32 v4, $0x1388;
	vm3 =	vlt.u32 v5, $0x1388;
	v8 =	vadd.s32 $0x1388, v8  }
0x10c: {  	vm11 =	vlt.u32 v1, $0x1388;
	v7 =	vadd.s32 $0x1388, v7;
	v3 =	vsel vm2, v3, v8  }
0x10d: {  	v52 =	vand.u32 $0xF, v9;
	v14 =	vadd.s32 $0x1388, v14;
	v2 =	vsel vm1, v2, v7;
	[tilespmem:$0x140] =	vst v3  }
0x10e: {  	v10 =	vld [tilespmem:$0x80];
	v55 =	vand.u32 $0xF, v13;
	v51 =	vadd.s32 $0x1388, v6;
	v49 =	vsel vm3, v5, v14;
	[tilespmem:$0x110] =	vst v2  }
0x10f: {  	v56 =	vand.u32 $0xF, v48;
	v53 =	vadd.s32 $0x1388, v11;
	v1 =	vsel vm11, v1, v51;
	[tilespmem:$0x130] =	vst v49  }
0x110: {  	vm13 =	vlt.u32 v48, $0x1388;
	v57 =	vadd.s32 $0x1388, v56;
	v0 =	vsel vm0, v0, v53;
	[tilespmem:$0x100] =	vst v1  }
0x111: {  	vm14 =	vlt.u32 v9, $0x1388;
	v60 =	vadd.s32 $0x1388, v52;
	v59 =	vsel vm13, v48, v57;
	[tilespmem:$0x160] =	vst v0  }
0x112: {  	vm15 =	vlt.u32 v13, $0x1388;
	v62 =	vadd.s32 $0x1388, v55;
	v61 =	vsel vm14, v9, v60;
	[tilespmem:$0x120] =	vst v59  }
0x113: {  	v54 =	vand.u32 $0xF, v10;
	v50 =	vadd.s32 $0x1388, v12;
	v63 =	vsel vm15, v13, v62;
	[tilespmem:$0x150] =	vst v61  }
0x114: {  	vm12 =	vlt.u32 v10, $0x1388;
	v2 =	vsel vm10, v4, v50;
	v1 =	vadd.s32 $0x1388, v54;
	[tilespmem:$0x190] =	vst v63  }
0x115: {  	[tilespmem:$0x170] =	vst v2;
	v58 =	vsel vm12, v10, v1  }
0x116: {  	[tilespmem:$0x180] =	vst v58  }
0x117: {  	[spmem:s1] =	stream.indirect.scatter.add.f32 [tilespmem:s20], [sflag:$0x1], $0x80, s26, s28, $0xb8;
	[tilespmem:$0x116C0] =	vst v63  }
0x118: {  	_ =	swait.ge [sflag:s21], $0x2800  }
0x119: {  	[sflag:s21] =	ssyncset.done $0x0  }
0x11a: {  	s6 =	simm.s32 $0x28;
	s5 =	simm.s32 $0x14;
	[sflag:s21] =	ssyncadd.s32 $0xFFFFD800  }
.LBB2_31:
0x11b: {  	[spmem:s1] =	stream.indirect.scatter.add.f32 [tilespmem:s20], [sflag:$0x1], $0x80, s29, s28, $0xb8;
	[tilespmem:$0x116C0] =	vst v63  }
0x11c: {  	s10 =	smov.u32 s6  }
0x11d: {  	p4 =	sne.s32 s6, $0x9B0;
	s6 =	sadd.s32 $0x14, s6;
	_ =	swait.ge [sflag:s21], $0x2800  }
0x11e: {  	[sflag:s21] =	ssyncset.done $0x0  }
0x11f: {  	s12 =	sadd.s32 s5, s17;
	s5 =	smov.u32 s10;
	[sflag:s21] =	ssyncadd.s32 $0xFFFFD800  }
0x120: {  	[tilespmem:s2], [sflag:$0x1] =	stream.linear.gather [hbm4b:s12+s2], $0xA0, $0x38;
	[tilespmem:$0x116C0] =	vst v63  }
0x121: {  	_ =	swait.ge [sflag:s21], $0xA0  }
0x122: {  	[sflag:s21] =	ssyncset.done $0x0  }
0x123: {  	[sflag:s21] =	ssyncadd.s32 $0xFFFFFF60  }
0x124: {  	v0 =	vld [tilespmem:$0x60]  }
0x125: {  	v1 =	vld [tilespmem:$0x0]  }
0x126: {  	v2 =	vld [tilespmem:$0x10]  }
0x127: {  	v3 =	vld [tilespmem:$0x40]  }
0x128: {  	v4 =	vld [tilespmem:$0x70]  }
0x129: {  	v5 =	vld [tilespmem:$0x30]  }
0x12a: {  	vm0 =	vlt.u32 v0, $0x1388;
	v6 =	vld [tilespmem:$0x80]  }
0x12b: {  	v7 =	vand.u32 $0xF, v1;
	vm1 =	vlt.u32 v2, $0x1388;
	v8 =	vand.u32 $0xF, v2;
	v9 =	vld [tilespmem:$0x20]  }
0x12c: {  	v12 =	vand.u32 $0xF, v0;
	v8 =	vadd.s32 $0x1388, v8;
	v10 =	vand.u32 $0xF, v3;
	v11 =	vld [tilespmem:$0x50]  }
0x12d: {  	vm2 =	vlt.u32 v3, $0x1388;
	v10 =	vadd.s32 $0x1388, v10;
	v13 =	vand.u32 $0xF, v4;
	v14 =	vld [tilespmem:$0x90]  }
0x12e: {  	v15 =	vand.u32 $0xF, v5;
	v3 =	vsel vm2, v3, v10;
	vm2 =	vlt.u32 v4, $0x1388  }
0x12f: {  	v2 =	vsel vm1, v2, v8;
	vm1 =	vlt.u32 v5, $0x1388;
	v8 =	vadd.s32 $0x1388, v15;
	[tilespmem:$0x140] =	vst v3  }
0x130: {  	vm3 =	vlt.u32 v1, $0x1388;
	v3 =	vadd.s32 $0x1388, v13;
	[tilespmem:$0x110] =	vst v2;
	v2 =	vsel vm1, v5, v8  }
0x131: {  	v5 =	vadd.s32 $0x1388, v7;
	v3 =	vsel vm2, v4, v3;
	v7 =	vand.u32 $0xF, v11  }
0x132: {  	v1 =	vsel vm3, v1, v5;
	[tilespmem:$0x130] =	vst v2;
	v2 =	vadd.s32 $0x1388, v12;
	vm1 =	vlt.u32 v14, $0x1388  }
0x133: {  	[tilespmem:$0x100] =	vst v1;
	v0 =	vsel vm0, v0, v2;
	v1 =	vand.u32 $0xF, v6;
	v2 =	vand.u32 $0xF, v14  }
0x134: {  	v4 =	vand.u32 $0xF, v9;
	vm0 =	vlt.u32 v6, $0x1388;
	[tilespmem:$0x170] =	vst v3;
	v1 =	vadd.s32 $0x1388, v1  }
0x135: {  	vm2 =	vlt.u32 v9, $0x1388;
	v3 =	vadd.s32 $0x1388, v4;
	[tilespmem:$0x160] =	vst v0;
	v0 =	vsel vm0, v6, v1  }
0x136: {  	v1 =	vsel vm2, v9, v3;
	vm0 =	vlt.u32 v11, $0x1388;
	v3 =	vadd.s32 $0x1388, v7;
	[tilespmem:$0x180] =	vst v0  }
0x137: {  	v0 =	vsel vm0, v11, v3;
	[tilespmem:$0x120] =	vst v1;
	v1 =	vadd.s32 $0x1388, v2  }
0x138: {  	[tilespmem:$0x150] =	vst v0;
	v0 =	vsel vm1, v14, v1  }
.Ltmp28:
0x139: {  	[tilespmem:$0x190] =	vst v0;
	(pc) =	sbr.rel @p4 .LBB2_31-.Ltmp28, $4  }
0x13a: {  	[spmem:s1] =	stream.indirect.scatter.add.f32 [tilespmem:s20], [sflag:$0x1], $0x80, s26, s28, $0xb8;
	[tilespmem:$0x116C0] =	vst v63  }
0x13b: {  	_ =	swait.ge [sflag:s21], $0x2800  }
0x13c: {  	[sflag:s21] =	ssyncset.done $0x0  }
0x13d: {  	[sflag:s21] =	ssyncadd.s32 $0xFFFFD800  }
0x13e: {  	[spmem:s1] =	stream.indirect.scatter.add.f32 [tilespmem:s20], [sflag:$0x1], $0x80, s29, s28, $0xb8;
	[tilespmem:$0x116C0] =	vst v63  }
0x13f: {  	_ =	swait.ge [sflag:s21], $0x2800  }
0x140: {  	[sflag:s21] =	ssyncset.done $0x0  }
0x141: {  	s5 =	sadd.s32 s5, s17;
	[sflag:s21] =	ssyncadd.s32 $0xFFFFD800  }
0x142: {  	[tilespmem:s2], [sflag:$0x1] =	stream.linear.gather [hbm4b:s5+s2], $0xA0, $0x38;
	[tilespmem:$0x116C0] =	vst v63  }
0x143: {  	_ =	swait.ge [sflag:s21], $0xA0  }
0x144: {  	[sflag:s21] =	ssyncset.done $0x0  }
0x145: {  	[sflag:s21] =	ssyncadd.s32 $0xFFFFFF60  }
0x146: {  	v0 =	vld [tilespmem:$0x60]  }
0x147: {  	v1 =	vld [tilespmem:$0x0]  }
0x148: {  	v2 =	vld [tilespmem:$0x10]  }
0x149: {  	v3 =	vld [tilespmem:$0x40]  }
0x14a: {  	v4 =	vld [tilespmem:$0x70]  }
0x14b: {  	v5 =	vld [tilespmem:$0x30];
	_ =	sdelay $0x2  }
0x14c: {  	v9 =	vld [tilespmem:$0x50];
	vm0 =	vlt.u32 v0, $0x1388;
	v6 =	vand.u32 $0xF, v1;
	v7 =	vand.u32 $0xF, v2  }
0x14d: {  	v13 =	vld [tilespmem:$0x90];
	vm1 =	vlt.u32 v2, $0x1388;
	v8 =	vand.u32 $0xF, v3;
	v11 =	vand.u32 $0xF, v0  }
0x14e: {  	v48 =	vld [tilespmem:$0x20];
	vm2 =	vlt.u32 v3, $0x1388;
	v12 =	vand.u32 $0xF, v4;
	v14 =	vand.u32 $0xF, v5  }
0x14f: {  	vm10 =	vlt.u32 v4, $0x1388;
	vm3 =	vlt.u32 v5, $0x1388;
	v8 =	vadd.s32 $0x1388, v8  }
0x150: {  	vm11 =	vlt.u32 v1, $0x1388;
	v7 =	vadd.s32 $0x1388, v7;
	v3 =	vsel vm2, v3, v8  }
0x151: {  	v52 =	vand.u32 $0xF, v9;
	v14 =	vadd.s32 $0x1388, v14;
	v2 =	vsel vm1, v2, v7;
	[tilespmem:$0x140] =	vst v3  }
0x152: {  	v10 =	vld [tilespmem:$0x80];
	v55 =	vand.u32 $0xF, v13;
	v51 =	vadd.s32 $0x1388, v6;
	v49 =	vsel vm3, v5, v14;
	[tilespmem:$0x110] =	vst v2  }
0x153: {  	v56 =	vand.u32 $0xF, v48;
	v53 =	vadd.s32 $0x1388, v11;
	v1 =	vsel vm11, v1, v51;
	[tilespmem:$0x130] =	vst v49  }
0x154: {  	vm13 =	vlt.u32 v48, $0x1388;
	v57 =	vadd.s32 $0x1388, v56;
	v0 =	vsel vm0, v0, v53;
	[tilespmem:$0x100] =	vst v1  }
0x155: {  	vm14 =	vlt.u32 v9, $0x1388;
	v60 =	vadd.s32 $0x1388, v52;
	v59 =	vsel vm13, v48, v57;
	[tilespmem:$0x160] =	vst v0  }
0x156: {  	vm15 =	vlt.u32 v13, $0x1388;
	v62 =	vadd.s32 $0x1388, v55;
	v61 =	vsel vm14, v9, v60;
	[tilespmem:$0x120] =	vst v59  }
0x157: {  	v54 =	vand.u32 $0xF, v10;
	v50 =	vadd.s32 $0x1388, v12;
	v63 =	vsel vm15, v13, v62;
	[tilespmem:$0x150] =	vst v61  }
0x158: {  	vm12 =	vlt.u32 v10, $0x1388;
	v2 =	vsel vm10, v4, v50;
	v1 =	vadd.s32 $0x1388, v54;
	[tilespmem:$0x190] =	vst v63  }
0x159: {  	[tilespmem:$0x170] =	vst v2;
	v58 =	vsel vm12, v10, v1  }
0x15a: {  	[tilespmem:$0x180] =	vst v58  }
0x15b: {  	[spmem:s1] =	stream.indirect.scatter.add.f32 [tilespmem:s20], [sflag:$0x1], $0x80, s26, s28, $0xb8;
	[tilespmem:$0x116C0] =	vst v63  }
0x15c: {  	_ =	swait.ge [sflag:s21], $0x2800  }
0x15d: {  	[sflag:s21] =	ssyncset.done $0x0  }
0x15e: {  	[sflag:s21] =	ssyncadd.s32 $0xFFFFD800  }
0x15f: {  	[spmem:s1] =	stream.indirect.scatter.add.f32 [tilespmem:s20], [sflag:$0x1], $0x80, s29, s28, $0xb8;
	[tilespmem:$0x116C0] =	vst v63  }
0x160: {  	_ =	swait.ge [sflag:s21], $0x2800  }
0x161: {  	p4 =	seq.s32 s9, $0x1;
	[sflag:s21] =	ssyncset.done $0x0  }
.Ltmp29:
0x162: {  	[sflag:s21] =	ssyncadd.s32 $0xFFFFD800;
	(pc) =	sbr.rel @p4 .LBB2_34-.Ltmp29, $4  }
0x163: {  	[bflag:$0x0] =	sbarrier.arrive $0xFFFF  }
0x164: {  	[hbm:s18], [sflag:s22] =	dma.local [spmem:s31], $0xC80  }
0x165: {  	s6 =	sadd.s32 $0x64000, s11;
	_ =	swait.ge [sflag:s21], $0xC80  }
0x166: {  	s10 =	smov.u32 s18;
	s5 =	sadd.s32 $0xFFFFFFFF, s9;
	[sflag:s21] =	ssyncset.done $0x0  }
.LBB2_33:
0x167: {  	s12 =	sshrl.u32 s6, $0x3  }
0x168: {  	[sflag:s21] =	ssyncadd.s32 $0xFFFFF380;
	s10 =	sadd.s32 $0xC800, s10;
	p4 =	seq.s32 s5, $0x1  }
0x169: {  	[hbm:s10], [sflag:s22] =	dma.local [spmem:s12], $0xC80  }
.Ltmp30:
0x16a: {  	_ = 	snop;
	(pc) =	sbr.rel @!p4 .LBB2_33-.Ltmp30, $4  }
0x16b: {  	_ = 	snop  }
0x16c: {  	s5 =	sadd.s32 $0xFFFFFFFF, s5  }
0x16d: {  	_ =	swait.ge [sflag:s21], $0xC80  }
0x16e: {  	s6 =	sadd.s32 $0x64000, s6;
	[sflag:s21] =	ssyncset.done $0x0  }
.LBB2_34:
0x16f: {  	[sflag:s21] =	ssyncadd.s32 $0xFFFFF380  }
.LBB2_36:
.Ltmp31:
0x170: {  	(pc) =	sbr.rel @!p3 .LBB2_38-.Ltmp31, $4  }
0x171: {  	[bflag:$0x0] =	sbarrier.arrive $0xFFFF  }
0x172: {  	[spmem:s31], [sflag:s22] =	dma.local [hbm:s4], $0xC80  }
0x173: {  	_ =	swait.ge [sflag:s21], $0xC80  }
0x174: {  	s5 =	sadd.s32 $0xFFFFFFFF, s9;
	s6 =	sadd.s32 $0x64000, s11;
	[sflag:s21] =	ssyncset.done $0x0  }
.LBB2_37:
0x175: {  	s10 =	sshrl.u32 s6, $0x3;
	[sflag:s21] =	ssyncadd.s32 $0xFFFFF380;
	p3 =	sne.s32 s5, $0x1  }
0x176: {  	[spmem:s10], [sflag:s22] =	dma.local [hbm:s4], $0xC80  }
.Ltmp32:
0x177: {  	_ = 	snop;
	(pc) =	sbr.rel @p3 .LBB2_37-.Ltmp32, $4  }
0x178: {  	_ = 	snop  }
0x179: {  	s5 =	sadd.s32 $0xFFFFFFFF, s5  }
0x17a: {  	_ =	swait.ge [sflag:s21], $0xC80  }
0x17b: {  	s6 =	sadd.s32 $0x64000, s6;
	[sflag:s21] =	ssyncset.done $0x0  }
.LBB2_38:
0x17c: {  	[sflag:s21] =	ssyncadd.s32 $0xFFFFF380;
	s5 =	simm.s32 @!p0 $0x1C01  }
0x17d: {  	[spmem:s0], [sflag:s5] =	dma.local @!p0 [hbm:s4], $0x100  }
0x17e: {  	s0 =	simm.s32 @!p0 $0x1  }
.Ltmp33:
0x17f: {  	_ =	swait.ge @!p0 [sflag:s0], $0x100;
	(pc) =	sbr.rel @p2 .LBB2_44-.Ltmp33, $3  }
0x180: {  	[sflag:s0] =	ssyncset.done @!p0 $0x0  }
0x181: {  	[sflag:s0] =	ssyncadd.s32 @!p0 $0xFFFFFF00  }
0x182: {  	[bflag:$0x0] =	sbarrier.arrive $0xFFFF;
	_ =	sdelay $0x1  }
0x183: {  	s0 =	sadd.s32 $0x0, s17  }
0x184: {  	[tilespmem:s2], [sflag:$0x1] =	stream.linear.gather [hbm4b:s0+s2], $0xA0, $0x38;
	[tilespmem:$0x116C0] =	vst v63  }
0x185: {  	_ =	swait.ge [sflag:s21], $0xA0  }
0x186: {  	[sflag:s21] =	ssyncset.done $0x0  }
0x187: {  	[sflag:s21] =	ssyncadd.s32 $0xFFFFFF60  }
0x188: {  	v0 =	vld [tilespmem:$0x90]  }
0x189: {  	v2 =	vld [tilespmem:$0x70]  }
0x18a: {  	s0 =	simm.s32 $0x14;
	v1 =	vld [tilespmem:$0x30]  }
.LBB2_40:
0x18b: {  	p3 =	sne.s32 s0, $0x9B0;
	v3 =	vld [tilespmem:$0x60];
	s5 =	smov.u32 s0;
	s0 =	sadd.s32 $0x14, s0  }
0x18c: {  	v4 =	vld [tilespmem:$0x50]  }
0x18d: {  	v5 =	vld [tilespmem:$0x80]  }
0x18e: {  	v6 =	vld [tilespmem:$0x20];
	v7 =	vadd.s32 $0xFFFFEC78, v2;
	v2 =	vand.u32 $0xF, v2  }
0x18f: {  	v8 =	vld [tilespmem:$0x10];
	v9 =	vadd.s32 $0xFFFFEC78, v1;
	v1 =	vand.u32 $0xF, v1;
	vm0 =	vlt.u32 v7, $0x1388  }
0x190: {  	v2 =	vadd.s32 $0x1388, v2;
	v10 =	vld [tilespmem:$0x40];
	v11 =	vadd.s32 $0xFFFFEC78, v3;
	v3 =	vand.u32 $0xF, v3  }
0x191: {  	v2 =	vsel vm0, v7, v2;
	v7 =	vand.u32 $0xF, v0;
	v12 =	vand.u32 $0xF, v4  }
0x192: {  	v4 =	vadd.s32 $0xFFFFEC78, v4;
	vm0 =	vlt.u32 v11, $0x1388;
	v13 =	vld [tilespmem:$0x0];
	v12 =	vadd.s32 $0x1388, v12;
	[tilespmem:$0x170] =	vst v2  }
0x193: {  	v3 =	vadd.s32 $0x1388, v3;
	v2 =	vadd.s32 $0xFFFFEC78, v6;
	v6 =	vand.u32 $0xF, v6  }
0x194: {  	v14 =	vand.u32 $0xF, v8;
	vm1 =	vlt.u32 v2, $0x1388;
	v6 =	vadd.s32 $0x1388, v6  }
0x195: {  	v3 =	vsel vm0, v11, v3;
	v8 =	vadd.s32 $0xFFFFEC78, v8;
	v2 =	vsel vm1, v2, v6  }
0x196: {  	v1 =	vadd.s32 $0x1388, v1;
	vm0 =	vlt.u32 v9, $0x1388;
	vm1 =	vlt.u32 v4, $0x1388;
	[tilespmem:$0x120] =	vst v2  }
0x197: {  	v1 =	vsel vm0, v9, v1;
	v2 =	vadd.s32 $0xFFFFEC78, v13;
	v6 =	vand.u32 $0xF, v13;
	[tilespmem:$0x160] =	vst v3  }
0x198: {  	v0 =	vadd.s32 $0xFFFFEC78, v0;
	vm0 =	vlt.u32 v2, $0x1388;
	[tilespmem:$0x130] =	vst v1;
	v1 =	vadd.s32 $0x1388, v7  }
0x199: {  	vm2 =	vlt.u32 v0, $0x1388;
	v3 =	vadd.s32 $0x1388, v6;
	v6 =	vand.u32 $0xF, v5  }
0x19a: {  	v2 =	vsel vm0, v2, v3;
	v3 =	vadd.s32 $0xFFFFEC78, v5;
	v0 =	vsel vm2, v0, v1  }
0x19b: {  	v1 =	vadd.s32 $0xFFFFEC78, v10;
	v5 =	vadd.s32 $0x1388, v6;
	vm0 =	vlt.u32 v3, $0x1388;
	[tilespmem:$0x190] =	vst v0  }
0x19c: {  	vm2 =	vlt.u32 v8, $0x1388;
	v0 =	vadd.s32 $0x1388, v14;
	[tilespmem:$0x100] =	vst v2;
	v2 =	vsel vm0, v3, v5  }
0x19d: {  	v4 =	vsel vm1, v4, v12;
	v0 =	vsel vm2, v8, v0;
	v3 =	vand.u32 $0xF, v10;
	[tilespmem:$0x180] =	vst v2  }
0x19e: {  	vm0 =	vlt.u32 v1, $0x1388;
	v2 =	vadd.s32 $0x1388, v3;
	[tilespmem:$0x150] =	vst v4  }
0x19f: {  	[tilespmem:$0x110] =	vst v0;
	v0 =	vsel vm0, v1, v2  }
0x1a0: {  	[tilespmem:$0x140] =	vst v0  }
0x1a1: {  	[spmem:s1] =	stream.indirect.scatter.add.f32 [tilespmem:s20], [sflag:$0x1], $0x80, s26, s28, $0xb8;
	[tilespmem:$0x116C0] =	vst v63  }
0x1a2: {  	_ =	swait.ge [sflag:s21], $0x2800  }
0x1a3: {  	[sflag:s21] =	ssyncset.done $0x0  }
0x1a4: {  	[sflag:s21] =	ssyncadd.s32 $0xFFFFD800  }
0x1a5: {  	[spmem:s1] =	stream.indirect.scatter.add.f32 [tilespmem:s20], [sflag:$0x1], $0x80, s29, s28, $0xb8;
	[tilespmem:$0x116C0] =	vst v63  }
0x1a6: {  	_ =	swait.ge [sflag:s21], $0x2800  }
0x1a7: {  	[sflag:s21] =	ssyncset.done $0x0  }
0x1a8: {  	s5 =	sadd.s32 s5, s17;
	[sflag:s21] =	ssyncadd.s32 $0xFFFFD800  }
0x1a9: {  	[tilespmem:s2], [sflag:$0x1] =	stream.linear.gather [hbm4b:s5+s2], $0xA0, $0x38;
	[tilespmem:$0x116C0] =	vst v63  }
0x1aa: {  	_ =	swait.ge [sflag:s21], $0xA0  }
.Ltmp34:
0x1ab: {  	[sflag:s21] =	ssyncset.done $0x0;
	(pc) =	sbr.rel @p3 .LBB2_40-.Ltmp34, $4  }
0x1ac: {  	[sflag:s21] =	ssyncadd.s32 $0xFFFFFF60  }
0x1ad: {  	v0 =	vld [tilespmem:$0x90]  }
0x1ae: {  	v2 =	vld [tilespmem:$0x70]  }
0x1af: {  	v1 =	vld [tilespmem:$0x30]  }
0x1b0: {  	v3 =	vld [tilespmem:$0x60]  }
0x1b1: {  	v4 =	vld [tilespmem:$0x50]  }
0x1b2: {  	v5 =	vld [tilespmem:$0x20];
	v51 =	vand.u32 $0xF, v0  }
0x1b3: {  	v8 =	vld [tilespmem:$0x10];
	v54 =	vadd.s32 $0xFFFFEC78, v0;
	v6 =	vadd.s32 $0xFFFFEC78, v2;
	v49 =	vand.u32 $0xF, v2  }
0x1b4: {  	v11 =	vld [tilespmem:$0x0];
	v55 =	vadd.s32 $0x1388, v51;
	vm2 =	vlt.u32 v54, $0x1388;
	v7 =	vadd.s32 $0xFFFFEC78, v1  }
0x1b5: {  	v13 =	vld [tilespmem:$0x80];
	v50 =	vand.u32 $0xF, v1;
	vm0 =	vlt.u32 v6, $0x1388;
	v2 =	vadd.s32 $0x1388, v49  }
0x1b6: {  	v52 =	vld [tilespmem:$0x40];
	v0 =	vsel vm2, v54, v55;
	v9 =	vadd.s32 $0xFFFFEC78, v3;
	v3 =	vand.u32 $0xF, v3  }
0x1b7: {  	v10 =	vand.u32 $0xF, v4;
	v2 =	vsel vm0, v6, v2;
	v4 =	vadd.s32 $0xFFFFEC78, v4  }
0x1b8: {  	v12 =	vadd.s32 $0xFFFFEC78, v5;
	v5 =	vand.u32 $0xF, v5;
	v14 =	vand.u32 $0xF, v8  }
0x1b9: {  	v8 =	vadd.s32 $0xFFFFEC78, v8;
	vm10 =	vlt.u32 v7, $0x1388;
	v1 =	vadd.s32 $0x1388, v50  }
0x1ba: {  	v53 =	vadd.s32 $0xFFFFEC78, v11;
	v11 =	vand.u32 $0xF, v11;
	v57 =	vand.u32 $0xF, v13  }
0x1bb: {  	v58 =	vadd.s32 $0xFFFFEC78, v13;
	[tilespmem:$0x190] =	vst v0;
	v59 =	vadd.s32 $0xFFFFEC78, v52;
	v61 =	vand.u32 $0xF, v52  }
0x1bc: {  	vm1 =	vlt.u32 v12, $0x1388;
	v5 =	vadd.s32 $0x1388, v5;
	[tilespmem:$0x170] =	vst v2;
	v1 =	vsel vm10, v7, v1  }
0x1bd: {  	vm9 =	vlt.u32 v9, $0x1388;
	v3 =	vadd.s32 $0x1388, v3;
	v5 =	vsel vm1, v12, v5;
	[tilespmem:$0x130] =	vst v1  }
0x1be: {  	vm12 =	vlt.u32 v53, $0x1388;
	v56 =	vadd.s32 $0x1388, v11;
	v3 =	vsel vm9, v9, v3;
	[tilespmem:$0x120] =	vst v5  }
0x1bf: {  	v10 =	vadd.s32 $0x1388, v10;
	vm11 =	vlt.u32 v4, $0x1388;
	v2 =	vsel vm12, v53, v56;
	[tilespmem:$0x160] =	vst v3  }
0x1c0: {  	vm14 =	vlt.u32 v8, $0x1388;
	v60 =	vadd.s32 $0x1388, v14;
	v4 =	vsel vm11, v4, v10;
	[tilespmem:$0x100] =	vst v2  }
0x1c1: {  	vm15 =	vlt.u32 v59, $0x1388;
	v63 =	vadd.s32 $0x1388, v61;
	v62 =	vsel vm14, v8, v60;
	[tilespmem:$0x150] =	vst v4  }
0x1c2: {  	vm13 =	vlt.u32 v58, $0x1388;
	v1 =	vadd.s32 $0x1388, v57;
	v0 =	vsel vm15, v59, v63;
	[tilespmem:$0x110] =	vst v62  }
0x1c3: {  	v1 =	vsel vm13, v58, v1;
	[tilespmem:$0x140] =	vst v0  }
0x1c4: {  	[tilespmem:$0x180] =	vst v1  }
0x1c5: {  	[spmem:s1] =	stream.indirect.scatter.add.f32 [tilespmem:s20], [sflag:$0x1], $0x80, s26, s28, $0xb8;
	[tilespmem:$0x116C0] =	vst v63  }
0x1c6: {  	_ =	swait.ge [sflag:s21], $0x2800  }
0x1c7: {  	[sflag:s21] =	ssyncset.done $0x0  }
0x1c8: {  	[sflag:s21] =	ssyncadd.s32 $0xFFFFD800  }
0x1c9: {  	[spmem:s1] =	stream.indirect.scatter.add.f32 [tilespmem:s20], [sflag:$0x1], $0x80, s29, s28, $0xb8;
	[tilespmem:$0x116C0] =	vst v63  }
0x1ca: {  	_ =	swait.ge [sflag:s21], $0x2800  }
0x1cb: {  	p3 =	seq.s32 s9, $0x1;
	[sflag:s21] =	ssyncset.done $0x0  }
.Ltmp35:
0x1cc: {  	[sflag:s21] =	ssyncadd.s32 $0xFFFFD800;
	(pc) =	sbr.rel @p3 .LBB2_43-.Ltmp35, $4  }
0x1cd: {  	[bflag:$0x0] =	sbarrier.arrive $0xFFFF  }
0x1ce: {  	[hbm:s19], [sflag:s22] =	dma.local [spmem:s31], $0xC80  }
0x1cf: {  	s0 =	sadd.s32 $0xFFFFFFFF, s9;
	_ =	swait.ge [sflag:s21], $0xC80  }
0x1d0: {  	s5 =	sadd.s32 $0x64000, s11;
	s6 =	smov.u32 s19;
	[sflag:s21] =	ssyncset.done $0x0  }
.LBB2_42:
0x1d1: {  	s10 =	sshrl.u32 s5, $0x3  }
0x1d2: {  	[sflag:s21] =	ssyncadd.s32 $0xFFFFF380;
	s6 =	sadd.s32 $0xC800, s6;
	p3 =	seq.s32 s0, $0x1  }
0x1d3: {  	[hbm:s6], [sflag:s22] =	dma.local [spmem:s10], $0xC80  }
.Ltmp36:
0x1d4: {  	_ = 	snop;
	(pc) =	sbr.rel @!p3 .LBB2_42-.Ltmp36, $4  }
0x1d5: {  	_ = 	snop  }
0x1d6: {  	s0 =	sadd.s32 $0xFFFFFFFF, s0  }
0x1d7: {  	_ =	swait.ge [sflag:s21], $0xC80  }
0x1d8: {  	s5 =	sadd.s32 $0x64000, s5;
	[sflag:s21] =	ssyncset.done $0x0  }
.LBB2_43:
.Ltmp37:
0x1d9: {  	(pc) =	sbr.rel .LBB2_45-.Ltmp37, $2  }
0x1da: {  	_ =	sdelay $0x2  }
0x1db: {  	[sflag:s21] =	ssyncadd.s32 $0xFFFFF380  }
.LBB2_46:
0x1dc: {  	_ =	sfence.sel $0x180000  }
0x1dd: {  	[bflag:$0x0] =	sbarrier.arrive $0xFFFF  }
0x1de: {  	_ =	strace $0x9000004D  }
0x1df: {  	[bflag:$0x2] =	sbarrier.arrive $0xFFFF  }
0x1e0: {  	s0 =	rddreg [dreg:$0x3]  }
0x1e1: {  	s0 =	sadd.s32 @!p0 $0x100000, s0  }
0x1e2: {  	[sflag:s0] =	ssyncadd.tile.s32 @!p0 $0x1;
	_ =	shalt  }
.Lfunc_end2:
_tile_overlayer_lowered:
.L_overlay_start_2:
0x1e3: {  	(tag) =	ssettag $0x2  }
0x1e4: {  	s0 =	rddreg [dreg:$0x0];
	s2 =	stileid.u32  }
0x1e5: {  	s1 =	rddreg [dreg:$0x1];
	p0 =	sne.s32 s2, $0x0  }
0x1e6: {  	s3 =	rddreg [dreg:$0x2];
	[bflag:$0x3] =	sbarrier.arrive $0xFFFF;
	s2 =	simm.s32 @!p0 $0x1C01  }
0x1e7: {  	[timem:s3], [sflag:s2] =	dma.local @!p0 [hbm:s0], s1  }
0x1e8: {  	s0 =	simm.s32 @!p0 $0x1  }
0x1e9: {  	_ =	swait.ge @!p0 [sflag:s0], s1  }
0x1ea: {  	s1 =	ssub.s32 @!p0 $0x0, s1;
	[sflag:s0] =	ssyncset.done @!p0 $0x0  }
0x1eb: {  	[sflag:s0] =	ssyncadd.s32 @!p0 s1  }
0x1ec: {  	[bflag:$0x3] =	sbarrier.arrive $0xFFFF  }
0x1ed: {  	_ =	shalt  }

// kernel: kernel.13.cloned.1.call-start
scs
__scs_entry_jumppad:
0x0: {  	(pc) =	sbr.rel $0x88, $3  }
0x1: {  	(tag) =	ssettag $0x0;
	lr =	simm.s32 $0x1  }
0x2: {  	[smem:$0x3F96] =	sst lr;
	_ =	strace $0xD0000000  }
0x3: {  	_ = 	snop  }
0x4: {  	_ = 	snop  }
0x5: {  	_ = 	snop  }
0x6: {  	_ = 	snop  }
0x7: {  	_ = 	snop  }
__scs_overlays_trampoline_lowered:
0x8: {  	[smem:$0x3FA5] =	sst s0  }
0x9: {  	[smem:$0x3FA6] =	sst s1  }
0xa: {  	[smem:$0x3FA7] =	sst s2  }
0xb: {  	[smem:$0x3FA8] =	sst s3  }
0xc: {  	[smem:$0x3FA9] =	sst s4  }
0xd: {  	[smem:$0x3FAA] =	sst s5  }
0xe: {  	[smem:$0x3FAB] =	sst s6  }
0xf: {  	[smem:$0x3FAC] =	sst s7  }
0x10: {  	[smem:$0x3FAD] =	sst s8  }
0x11: {  	[smem:$0x3FAE] =	sst s9;
	s0 =	simm.s32 @!p0 $0x0  }
0x12: {  	s1 =	sld [smem:$0x3F94];
	s0 =	simm.s32 @p0 $0x1  }
0x13: {  	[smem:$0x3FAF] =	sst s0;
	s0 =	simm.s32 @!p1 $0x0  }
0x14: {  	s2 =	sld [smem:$0x3F93];
	s0 =	simm.s32 @p1 $0x1  }
0x15: {  	[smem:$0x3FB0] =	sst s0;
	s0 =	simm.s32 @!p2 $0x0  }
0x16: {  	s3 =	sld [smem:$0x3FDB];
	s0 =	simm.s32 @p2 $0x1  }
0x17: {  	s4 =	simm.s32 $0x1BF5;
	[smem:$0x3FB2] =	sst s0  }
0x18: {  	s0 =	sld [smem:$0x3F95];
	_ =	swait.ge [sflag:s4], $0x0  }
0x19: {  	s7 =	sld [smem:$0x3F96]  }
0x1a: {  	s8 =	sadd.s32 $0xFFFFE003, lr  }
0x1b: {  	s9 =	sadd.s32 $0xFFFFFEF7, lr;
	s5 =	simm.s32 $0xFFFFFFFF;
	p2 =	slt.u32 s8, $0xFFFFF086  }
0x1c: {  	p1 =	slt.u32 s9, $0xF7A;
	s5 =	simm.s32 @!p2 $0x0  }
0x1d: {  	s5 =	simm.s32 @p1 $0x1;
	p0 =	seq.s32 s7, s2  }
0x1e: {  	s7 =	smul.u32 @!p0 $0xF7A, s2;
	p2 =	seq.s32 @!p0 s5, $0x0  }
0x1f: {  	s9 =	smul.u32 $0xF7A, s1;
	s8 =	simm.s32 @!p0 $0x1BF5;
	p2 =	por !p2, p0  }
0x20: {  	[sflag:s8] =	ssyncset.s32 @!p0 $0xFFFFF086;
	s6 =	sadd.s32 @!p0 s3, s7;
	s7 =	simm.s32 @!p0 $0x108  }
0x21: {  	s3 =	sadd.s32 s3, s9;
	s6 =	sadd.s32 @!p0 $0x88, s6;
	s7 =	simm.s32 @p2 $0x1082  }
0x22: {  	[simem:s7], [sflag:s8] =	dma.local @!p0 [hbm:s6], $0xF7A  }
0x23: {  	s9 =	sor.u32 $0xD0000000, s2;
	s6 =	simm.s32 $0x108;
	_ =	swait.ge @!p0 [sflag:s8], $0x0  }
0x24: {  	s3 =	sadd.s32 $0x88, s3;
	s6 =	simm.s32 @!p1 $0x1082;
	[sflag:s4] =	ssyncset.s32 $0xFFFFF086  }
0x25: {  	[simem:s6], [sflag:s4] =	dma.local [hbm:s3], $0xF7A  }
0x26: {  	[smem:$0x3F96] =	sst s1;
	(tag) =	ssettag s2;
	_ =	strace s9  }
0x27: {  	s1 =	sld [smem:$0x3FA6]  }
0x28: {  	s2 =	sld [smem:$0x3FA7]  }
0x29: {  	s4 =	sld [smem:$0x3FA9]  }
0x2a: {  	p0 =	seq.s32 s5, $0x0;
	s5 =	sld [smem:$0x3FAA]  }
0x2b: {  	s6 =	sld [smem:$0x3FAB]  }
0x2c: {  	s7 =	sld [smem:$0x3FAC]  }
0x2d: {  	s3 =	simm.s32 $0x108;
	s8 =	sld [smem:$0x3FAD]  }
0x2e: {  	s3 =	simm.s32 @!p0 $0x1082;
	s9 =	sld [smem:$0x3FAE]  }
0x2f: {  	lr =	sadd.s32 s0, s3;
	s0 =	sld [smem:$0x3FA5]  }
0x30: {  	s3 =	sld [smem:$0x3FA8]  }
0x31: {  	[smem:$0x3FB1] =	sst s10  }
0x32: {  	s10 =	sld [smem:$0x3FAF];
	_ =	sdelay $0x3  }
0x33: {  	p0 =	seq.s32 s10, $0x1;
	s10 =	sld [smem:$0x3FB1];
	_ =	sdelay $0x3  }
0x34: {  	[smem:$0x3FB1] =	sst s10  }
0x35: {  	s10 =	sld [smem:$0x3FB0];
	_ =	sdelay $0x3  }
0x36: {  	p1 =	seq.s32 s10, $0x1;
	s10 =	sld [smem:$0x3FB1];
	_ =	sdelay $0x3  }
0x37: {  	[smem:$0x3FB1] =	sst s10  }
0x38: {  	s10 =	sld [smem:$0x3FB2]  }
0x39: {  	_ = 	snop;
	(pc) =	sbr.ind lr, $3  }
0x3a: {  	_ = 	snop  }
0x3b: {  	_ = 	snop  }
0x3c: {  	p2 =	seq.s32 s10, $0x1;
	s10 =	sld [smem:$0x3FB1]  }
0x3d: {  	_ =	shalt  }
0x3e: {  	_ =	shalt  }
0x3f: {  	_ =	shalt  }
0x40: {  	_ =	shalt  }
0x41: {  	_ =	shalt  }
0x42: {  	_ =	shalt  }
0x43: {  	_ =	shalt  }
0x44: {  	_ =	shalt  }
0x45: {  	_ =	shalt  }
0x46: {  	_ =	shalt  }
0x47: {  	_ =	shalt  }
0x48: {  	_ =	shalt  }
0x49: {  	_ =	shalt  }
0x4a: {  	_ =	shalt  }
0x4b: {  	_ =	shalt  }
0x4c: {  	_ =	shalt  }
0x4d: {  	_ =	shalt  }
0x4e: {  	_ =	shalt  }
0x4f: {  	_ =	shalt  }
0x50: {  	_ =	shalt  }
0x51: {  	_ =	shalt  }
0x52: {  	_ =	shalt  }
0x53: {  	_ =	shalt  }
0x54: {  	_ =	shalt  }
0x55: {  	_ =	shalt  }
0x56: {  	_ =	shalt  }
0x57: {  	_ =	shalt  }
0x58: {  	_ =	shalt  }
0x59: {  	_ =	shalt  }
0x5a: {  	_ =	shalt  }
0x5b: {  	_ =	shalt  }
0x5c: {  	_ =	shalt  }
0x5d: {  	_ =	shalt  }
0x5e: {  	_ =	shalt  }
0x5f: {  	_ =	shalt  }
0x60: {  	_ =	shalt  }
0x61: {  	_ =	shalt  }
0x62: {  	_ =	shalt  }
0x63: {  	_ =	shalt  }
0x64: {  	_ =	shalt  }
0x65: {  	_ =	shalt  }
0x66: {  	_ =	shalt  }
0x67: {  	_ =	shalt  }
0x68: {  	_ =	shalt  }
0x69: {  	_ =	shalt  }
0x6a: {  	_ =	shalt  }
0x6b: {  	_ =	shalt  }
0x6c: {  	_ =	shalt  }
0x6d: {  	_ =	shalt  }
0x6e: {  	_ =	shalt  }
0x6f: {  	_ =	shalt  }
0x70: {  	_ =	shalt  }
0x71: {  	_ =	shalt  }
0x72: {  	_ =	shalt  }
0x73: {  	_ =	shalt  }
0x74: {  	_ =	shalt  }
0x75: {  	_ =	shalt  }
0x76: {  	_ =	shalt  }
0x77: {  	_ =	shalt  }
0x78: {  	_ =	shalt  }
0x79: {  	_ =	shalt  }
0x7a: {  	_ =	shalt  }
0x7b: {  	_ =	shalt  }
0x7c: {  	_ =	shalt  }
0x7d: {  	_ =	shalt  }
0x7e: {  	_ =	shalt  }
0x7f: {  	_ =	shalt  }
0x80: {  	_ =	shalt  }
0x81: {  	_ =	shalt  }
0x82: {  	_ =	shalt  }
0x83: {  	_ =	shalt  }
0x84: {  	_ =	shalt  }
0x85: {  	_ =	shalt  }
0x86: {  	_ =	shalt  }
0x87: {  	_ =	shalt  }
.Lfunc_end0:
.L_simem_size_0:
called_computation.2_lowered:
.L_overlay_start_0:
0x88: {  	s2 =	sld [smem:$0x3FD9]  }
0x89: {  	s3 =	sld [smem:$0x3FFE];
	_ =	sdelay $0x1  }
0x8a: {  	s1 =	srdreg.scid  }
0x8b: {  	s0 =	sand.u32 $0x1, s1  }
0x8c: {  	s16 =	sshll.u32 s0, $0xA;
	s2 =	sadd.s32 s3, s2  }
0x8d: {  	s2 =	sadd.s32 s2, s16  }
0x8e: {  	[smem:$0x3FBD] =	sst s2  }
0x8f: {  	_ = 	snop  }
0x90: {  	(tm) =	ssettm $0x1  }
0x91: {  	s17 =	sld [smem:$0x3FFB];
	_ =	sdelay $0x3  }
0x92: {  	_ =	strace s17  }
0x93: {  	s2 =	sld [smem:$0x3FFC];
	_ =	sdelay $0x3  }
0x94: {  	_ =	strace s2  }
0x95: {  	s2 =	sld [smem:$0x3FFD];
	_ =	sdelay $0x3  }
0x96: {  	_ =	strace s2  }
0x97: {  	_ =	strace $0x8FFFFFFF  }
0x98: {  	s18 =	sld [smem:$0x3FDB];
	_ =	sdelay $0x1  }
0x99: {  	s19 =	simm.s32 $_scs_section_size  }
0x9a: {  	s4 =	simm.s32 $_size__tile_overlayer_lowered;
	s5 =	simm.s32 $_tile_overlayer_lowered  }
0x9b: {  	s22 =	simm.s32 $0x1BFF;
	s21 =	sshll.u32 s5, $0x1;
	s2 =	sadd.s32 s19, s18  }
0x9c: {  	s6 =	simm.s32 $0x0;
	s20 =	sshll.u32 s4, $0x1;
	s4 =	sadd.s32 s21, s2  }
0x9d: {  	[timem:s6], [sflag:s22] =	dma.local [hbm:s4], s20  }
0x9e: {  	_ =	swait.ge [sflag:s22], s20  }
0x9f: {  	s3 =	ssub.s32 $0x0, s20;
	[sflag:s22] =	ssyncset.done $0x0  }
0xa0: {  	[sflag:s22] =	ssyncadd.s32 s3;
	_ =	sdelay $0x1  }
0xa1: {  	s23 =	simm.s32 $0x1B8B  }
0xa2: {  	_ =	swait.ge [sflag:s23], $0x1  }
0xa3: {  	[sflag:s23] =	ssyncset.done $0x0  }
0xa4: {  	s25 =	simm.s32 $0x1B8E;
	s24 =	sld [smem:$0x3FFE];
	[sflag:s23] =	ssyncadd.s32 $0xFFFFFFFF  }
0xa5: {  	s26 =	simm.s32 $execute0_lowered;
	[smem:$0x3FD2] =	sst s25  }
0xa6: {  	s4 =	sshll.u32 s26, $0x1;
	_ =	strace $0x80000049;
	[dreg:$0x1] =	wrdreg $0xFFFFFFFF  }
0xa7: {  	s28 =	simm.s32 $_size_execute0_lowered;
	s2 =	sadd.s32 s2, s4;
	[dreg:$0x0] =	wrdreg $0x0  }
0xa8: {  	s4 =	sshll.u32 s28, $0x1;
	[dreg:$0x2] =	wrdreg s2  }
0xa9: {  	[dreg:$0x3] =	wrdreg s4  }
0xaa: {  	[dreg:$0x4] =	wrdreg $0xC0  }
0xab: {  	_ =	task [dreg:s6], $0x5FFFF  }
0xac: {  	[dreg:$0x1] =	wrdreg $0xFFFFFFFF  }
0xad: {  	[dreg:$0x0] =	wrdreg $0x60  }
0xae: {  	[dreg:$0x2] =	wrdreg s24  }
0xaf: {  	[dreg:$0x3] =	wrdreg $0xA  }
0xb0: {  	_ =	task.clear_ibuf [dreg:s6], $0x4FFFF;
	_ =	strace $0x90000049  }
0xb1: {  	s29 =	simm.s32 $0xA;
	_ =	strace $0x8000004B  }
0xb2: {  	_ =	swait.ge [sflag:s29], $0x1  }
0xb3: {  	[sflag:s29] =	ssyncadd.s32 $0xFFFFFFFF  }
0xb4: {  	_ =	strace $0x9000004B  }
0xb5: {  	_ =	sfence  }
0xb6: {  	s30 =	sld [smem:$0x0];
	_ =	sdelay $0x2  }
0xb7: {  	s31 =	sshll.u32 s1, $0xD;
	s1 =	sshrl.u32 s1, $0x2  }
0xb8: {  	s3 =	sand.u32 $0x4000, s31;
	s1 =	sadd.s32 s1, s30  }
0xb9: {  	s0 =	sor.u32 s3, s0;
	s1 =	sshll.u32 s1, $0x11  }
0xba: {  	s0 =	sor.u32 s1, s0  }
0xbb: {  	s0 =	sadd.s32 $0x8F2B, s0  }
0xbc: {  	[sflag:s0] =	ssyncadd.remote.s32 $0x1  }
0xbd: {  	_ =	sfence.sel $0xFFFF  }
0xbe: {  	[dreg:$0x0] =	wrdreg $0xFFFFFFFF;
	(pc) =	sbr.abs _section_cstart, $3  }
0xbf: {  	[dreg:$0x1] =	wrdreg $0xFFFFFFFF  }
0xc0: {  	_ =	task.clear_ibuf [dreg:s6], $0x2FFFF;
	_ =	strace $0x9FFFFFFF  }
0xc1: {  	(tm) =	ssettm $0x7FFFFFFF  }
tec
execute0_lowered:
.L_overlay_start_1:
0x0: {  	(tag) =	ssettag $0x1  }
0x1: {  	s5 =	rddreg [dreg:$0x0]  }
0x2: {  	s0 =	rddreg [dreg:$0x1];
	s1 =	simm.s32 $0x0;
	s6 =	srdreg.scid  }
0x3: {  	s2 =	stileid.u32;
	s14 =	simm.s32 $0xAA80;
	s15 =	simm.s32 $0xC80  }
0x4: {  	s16 =	simm.s32 $0x0;
	[smem:$0x7FF] =	sst s1;
	s3 =	sadd.s32 $0xCA00, s5  }
0x5: {  	s4 =	sadd.s32 $0x2C00, s5;
	s8 =	sadd.s32 $0x9D0A00, s5;
	s25 =	smul.u32 $0x271000, s2  }
0x6: {  	s24 =	sand.u32 $0x1, s6;
	s9 =	smul.u32 $0x13C00, s2;
	s10 =	sor.u32 $0x10, s2  }
0x7: {  	_ =	strace $0x8000004A;
	s7 =	ssub.s32 $0x2, s24;
	s13 =	smul.u32 $0x13C00, s10  }
0x8: {  	s12 =	sshll.u32 s24, $0x9;
	s28 =	smul.u32 $0x271000, s10;
	s10 =	simm.s32 $0x1  }
.Ltmp0:
0x9: {  	s11 =	sshrl.u32 s7, $0x1;
	s26 =	sor.u32 s12, s9;
	(pc) =	sbr.rel .LBB2_1-.Ltmp0, $4  }
0xa: {  	s5 =	sor.u32 s12, s25;
	s11 =	ssub.s32 s7, s11;
	s29 =	sshrl.u32 s26, $0x3  }
0xb: {  	s30 =	sor.u32 s12, s13;
	s7 =	sor.u32 s12, s28;
	s12 =	simm.s32 $0x400  }
0xc: {  	s13 =	simm.s32 $0x280;
	s6 =	sadd.s32 s8, s29;
	s31 =	sshrl.u32 s30, $0x3  }
0xd: {  	v0 =	vimm.f32 $-Inf;
	v1 =	vlaneseq.u32;
	v2 =	vimm.s32 $0x0;
	s9 =	smax.u32 s11, $0x1;
	s11 =	simm.s32 $0x200;
	s8 =	sadd.s32 s8, s31  }
.LBB2_21:
0xe: {  	s16 =	sadd.s32 $0x1, s16  }
0xf: {  	p0 =	sne.s32 s16, s9  }
.Ltmp1:
0x10: {  	_ = 	snop;
	(pc) =	sbr.rel @!p0 .LBB2_22-.Ltmp1, $4  }
0x11: {  	[hbm4b:s8+s11] =	stream.strided.scatter [tilespmem:s15], [sflag:$0x1], $0x9E00, s12, s11, $0x38;
	[tilespmem:$0xBA80] =	vst v63  }
0x12: {  	_ =	swait.ge [sflag:s10], $0x9E00  }
0x13: {  	[sflag:s10] =	ssyncset.done $0x0  }
0x14: {  	[sflag:s10] =	ssyncadd.s32 $0xFFFF6200  }
.LBB2_1:
0x15: {  	s17 =	smul.u32 $0xA36F, s1;
	_ =	sdelay $0x1  }
0x16: {  	s17 =	sshrl.u32 s17, $0x10  }
0x17: {  	s18 =	ssub.s32 $0x0, s17  }
0x18: {  	s19 =	sand.u32 $0xFFFE, s18  }
0x19: {  	s19 =	sshrl.u32 s19, $0x1  }
0x1a: {  	s18 =	simm.s32 $0x1;
	s17 =	sadd.s32 s17, s19  }
0x1b: {  	s31 =	smul.u32 $0xA36F, s18;
	s22 =	sand.u32 $0xFE00, s17  }
0x1c: {  	s19 =	simm.s32 $0x2;
	s20 =	sshrl.u32 s22, $0x9  }
0x1d: {  	s21 =	sshrl.u32 s31, $0x10;
	s23 =	smul.u32 $0x271, s20;
	s20 =	simm.s32 $0x0  }
.LBB2_2:
0x1e: {  	p0 =	sne.s32 s19, $0x9C3  }
0x1f: {  	s24 =	ssub.s32 s18, s21;
	s22 =	sshrl.u32 s22, $0xB;
	s17 =	sshrl.u32 s17, $0x2  }
0x20: {  	s24 =	sand.u32 $0xFFFE, s24;
	s23 =	ssub.s32 s20, s23;
	s22 =	smul.u32 $0x27800, s22  }
0x21: {  	s20 =	smov.u32 s18;
	s24 =	sshrl.u32 s24, $0x1;
	s25 =	sshll.u32 s23, $0x6  }
0x22: {  	s23 =	sshll.u32 s23, $0x4;
	s18 =	sand.u32 $0xFE00, s25;
	s22 =	sshrl.u32 s22, $0x2  }
.Ltmp2:
0x23: {  	s25 =	sand.u32 $0x180, s17;
	s18 =	sadd.s32 s18, s22;
	(pc) =	sbr.rel @p0 .LBB2_2-.Ltmp2, $4  }
0x24: {  	s17 =	sadd.s32 s21, s24;
	s21 =	sand.u32 $0x70, s23;
	s18 =	sor.u32 s25, s18  }
0x25: {  	s23 =	smul.u32 $0xA36F, s19;
	s22 =	sand.u32 $0xFE00, s17;
	s18 =	sor.u32 s21, s18  }
0x26: {  	s24 =	sshrl.u32 s22, $0x9;
	[tilespmem:s18+$0xC80] =	vst v0;
	s18 =	smov.u32 s19  }
0x27: {  	s21 =	sshrl.u32 s23, $0x10;
	s23 =	smul.u32 $0x271, s24;
	s19 =	sadd.s32 $0x1, s19  }
0x28: {  	s19 =	ssub.s32 s18, s21  }
0x29: {  	s19 =	sand.u32 $0xFFFE, s19  }
0x2a: {  	s19 =	sshrl.u32 s19, $0x1  }
0x2b: {  	s22 =	sshrl.u32 s22, $0xB;
	s20 =	ssub.s32 s20, s23;
	s19 =	sadd.s32 s21, s19  }
0x2c: {  	s17 =	sshrl.u32 s17, $0x2;
	s24 =	sshll.u32 s20, $0x6;
	s25 =	sand.u32 $0xFE00, s19  }
0x2d: {  	s22 =	smul.u32 $0x27800, s22;
	s21 =	sand.u32 $0xFE00, s24;
	s24 =	sshrl.u32 s25, $0x9  }
0x2e: {  	s17 =	sand.u32 $0x180, s17;
	s20 =	sshll.u32 s20, $0x4;
	s26 =	smul.u32 $0x271, s24  }
0x2f: {  	s22 =	sshrl.u32 s22, $0x2;
	s20 =	sand.u32 $0x70, s20;
	s23 =	sshrl.u32 s25, $0xB  }
0x30: {  	s21 =	sadd.s32 s21, s22;
	s29 =	smul.u32 $0x27800, s23;
	s28 =	ssub.s32 s18, s26  }
0x31: {  	s19 =	sshrl.u32 s19, $0x2;
	s17 =	sor.u32 s17, s21;
	s30 =	sshll.u32 s28, $0x6  }
.Ltmp3:
0x32: {  	s22 =	sshrl.u32 s29, $0x2;
	s21 =	sand.u32 $0xFE00, s30;
	(pc) =	sbr.rel .LBB2_4-.Ltmp3, $4  }
0x33: {  	s19 =	sand.u32 $0x180, s19;
	s18 =	sshll.u32 s28, $0x4;
	s21 =	sadd.s32 s21, s22  }
0x34: {  	s17 =	sor.u32 s20, s17;
	s18 =	sand.u32 $0x70, s18;
	s19 =	sor.u32 s19, s21  }
0x35: {  	[tilespmem:s17+$0xC80] =	vst v0;
	s31 =	sor.u32 s18, s19  }
0x36: {  	s17 =	simm.s32 $0x0;
	s18 =	simm.s32 $0x0;
	[tilespmem:s31+$0xC80] =	vst v0  }
.LBB2_10:
0x37: {  	s18 =	sadd.s32 $0x1, s18  }
0x38: {  	p0 =	sne.s32 s18, $0x1F4  }
.Ltmp4:
0x39: {  	_ = 	snop;
	(pc) =	sbr.rel @!p0 .LBB2_11-.Ltmp4, $1  }
0x3a: {  	_ =	sdelay $0x3  }
.LBB2_4:
0x3b: {  	s19 =	smul.u32 $0x50, s18;
	_ =	sdelay $0x1  }
0x3c: {  	s20 =	smul.u32 $0x1400, s18;
	s19 =	sadd.s32 s4, s19  }
0x3d: {  	[tilespmem:s17], [sflag:$0x1] =	stream.linear.gather [hbm4b:s19+s17], $0x280, $0x38;
	[tilespmem:$0xBA80] =	vst v63  }
0x3e: {  	s31 =	sadd.s32 s5, s20;
	_ =	swait.ge [sflag:s10], $0x280  }
0x3f: {  	s19 =	sshrl.u32 s31, $0x3;
	[sflag:s10] =	ssyncset.done $0x0  }
.Ltmp5:
0x40: {  	s19 =	sadd.s32 s3, s19;
	[sflag:s10] =	ssyncadd.s32 $0xFFFFFD80;
	(pc) =	sbr.rel .LBB2_5-.Ltmp5, $4  }
0x41: {  	[tilespmem:s13], [sflag:$0x1] =	stream.strided.gather [hbm4b:s19+s11], $0xA00, s12, s11, $0x38;
	[tilespmem:$0xBA80] =	vst v63  }
0x42: {  	_ =	swait.ge [sflag:s10], $0xA00  }
0x43: {  	[sflag:s10] =	ssyncset.done $0x0  }
0x44: {  	s19 =	simm.s32 $0x0;
	[sflag:s10] =	ssyncadd.s32 $0xFFFFF600  }
.LBB2_23:
0x45: {  	_ =	sdelay $0x3  }
0x46: {  	v5 =	vld.idx.msk [tilespmem:v3+s13+$0x0], $0xffff  }
0x47: {  	v6 =	vld.idx.msk [tilespmem:v4+s15+$0x0], $0xffff;
	_ =	sdelay $0x1  }
0x48: {  	v7 =	vor.u32 $0x80, v3  }
0x49: {  	v8 =	vor.u32 $0x80, v4;
	_ =	sdelay $0x1  }
0x4a: {  	v5 =	vmax.f32 v6, v5  }
0x4b: {  	[tilespmem:v4+s15+$0x0] =	vst.idx.msk $0xffff, v5  }
0x4c: {  	v5 =	vld.idx.msk [tilespmem:v7+s13+$0x0], $0xffff  }
0x4d: {  	v60 =	vld.idx.msk [tilespmem:v8+s15+$0x0], $0xffff;
	_ =	sdelay $0x1  }
0x4e: {  	v61 =	vor.u32 $0x100, v3  }
0x4f: {  	v9 =	vor.u32 $0x100, v4;
	_ =	sdelay $0x1  }
0x50: {  	v5 =	vmax.f32 v60, v5  }
0x51: {  	[tilespmem:v8+s15+$0x0] =	vst.idx.msk $0xffff, v5  }
0x52: {  	v5 =	vld.idx.msk [tilespmem:v61+s13+$0x0], $0xffff  }
0x53: {  	v62 =	vld.idx.msk [tilespmem:v9+s15+$0x0], $0xffff;
	_ =	sdelay $0x1  }
0x54: {  	v3 =	vor.u32 $0x180, v3  }
0x55: {  	v63 =	vor.u32 $0x180, v4;
	_ =	sdelay $0x1  }
0x56: {  	v5 =	vmax.f32 v62, v5  }
0x57: {  	[tilespmem:v9+s15+$0x0] =	vst.idx.msk $0xffff, v5  }
0x58: {  	v3 =	vld.idx.msk [tilespmem:v3+s13+$0x0], $0xffff  }
0x59: {  	v5 =	vld.idx.msk [tilespmem:v63+s15+$0x0], $0xffff;
	_ =	sdelay $0x4  }
0x5a: {  	v3 =	vmax.f32 v5, v3  }
0x5b: {  	[tilespmem:v63+s15+$0x0] =	vst.idx.msk $0xffff, v3  }
.LBB2_9:
0x5c: {  	s19 =	sadd.s32 $0x1, s19  }
0x5d: {  	p0 =	sne.s32 s19, $0x28  }
.Ltmp6:
0x5e: {  	_ = 	snop;
	(pc) =	sbr.rel @!p0 .LBB2_10-.Ltmp6, $1  }
0x5f: {  	_ =	sdelay $0x3  }
.LBB2_5:
0x60: {  	s20 =	sshll.u32 s19, $0x4  }
0x61: {  	v4 =	vld [tilespmem:s20+$0x0];
	_ =	sdelay $0x4  }
0x62: {  	v3 =	vand.u32 $0xFFF, v4;
	_ =	sdelay $0x4  }
0x63: {  	[tilespmem:v3+s14+$0x0] =	vst.idx.msk $0xffff, v1  }
0x64: {  	v3 =	vld.idx.msk [tilespmem:v3+s14+$0x0], $0xffff;
	_ =	sdelay $0x4  }
0x65: {  	vm0 =	vne.s32 v3, v1  }
0x66: {  	v3 =	vsel vm0, $0x1, v2  }
0x67: {  	v3 =	vor.u32 $0x80000000, v3  }
0x68: {  	(xrf0) =	vmax.scan.msk.u32 $0xffff, v3;
	_ =	sdelay $0x5  }
0x69: {  	v3, _, _ =	vpop (xrf0)  }
0x6a: {  	(v2sf) =	vpush v3, $0xF;
	_ =	sdelay $0xe  }
0x6b: {  	s31 =	spop (v2sf)  }
0x6c: {  	p0 =	seq.s32 s31, $0x80000000  }
.Ltmp7:
0x6d: {  	v3 =	vmov s20;
	(pc) =	sbr.rel @p0 .LBB2_23-.Ltmp7, $4  }
0x6e: {  	v5 =	vor.u32 s20, v1;
	v3 =	vshll.u32 v3, $0x2  }
0x6f: {  	v5 =	vand.u32 $0x7F, v5;
	v6 =	vshll.u32 v4, $0x2;
	v3 =	vand.u32 $0xE00, v3  }
0x70: {  	v4 =	vand.u32 $0x7F, v4;
	v3 =	vor.u32 v5, v3;
	v5 =	vand.u32 $0xFFFFFE00, v6  }
0x71: {  	v4 =	vor.u32 v4, v5  }
0x72: {  	_ =	sdelay $0x2  }
0x73: {  	s20 =	simm.s32 $0x0  }
0x74: {  	v11 =	vld.idx.msk [tilespmem:v4+s15+$0x0], $0xffff;
	v12 =	vmov s20  }
0x75: {  	v13 =	vld.idx.msk [tilespmem:v3+s13+$0x0], $0xffff;
	vm0 =	veq.s32 v12, v1;
	_ =	sdelay $0x1  }
0x76: {  	v5 =	vor.u32 $0x80, v3  }
0x77: {  	v6 =	vor.u32 $0x80, v4;
	_ =	sdelay $0x1  }
0x78: {  	v11 =	vmax.f32 v11, v13  }
0x79: {  	[tilespmem:v4+s15+$0x0] =	vst.idx.msk vm0, v11  }
0x7a: {  	v11 =	vld.idx.msk [tilespmem:v5+s13+$0x0], $0xffff  }
0x7b: {  	v12 =	vld.idx.msk [tilespmem:v6+s15+$0x0], $0xffff;
	_ =	sdelay $0x1  }
0x7c: {  	v7 =	vor.u32 $0x100, v3  }
0x7d: {  	v9 =	vor.u32 $0x100, v4;
	_ =	sdelay $0x1  }
0x7e: {  	v11 =	vmax.f32 v12, v11  }
0x7f: {  	[tilespmem:v6+s15+$0x0] =	vst.idx.msk vm0, v11  }
0x80: {  	v11 =	vld.idx.msk [tilespmem:v7+s13+$0x0], $0xffff  }
0x81: {  	v12 =	vld.idx.msk [tilespmem:v9+s15+$0x0], $0xffff;
	_ =	sdelay $0x1  }
0x82: {  	v10 =	vor.u32 $0x180, v3  }
0x83: {  	v8 =	vor.u32 $0x180, v4;
	_ =	sdelay $0x1  }
0x84: {  	v11 =	vmax.f32 v12, v11  }
0x85: {  	[tilespmem:v9+s15+$0x0] =	vst.idx.msk vm0, v11  }
0x86: {  	v11 =	vld.idx.msk [tilespmem:v10+s13+$0x0], $0xffff  }
0x87: {  	s20 =	simm.s32 $0x1;
	v12 =	vld.idx.msk [tilespmem:v8+s15+$0x0], $0xffff  }
.LBB2_7:
0x88: {  	_ =	sdelay $0x1  }
0x89: {  	p0 =	sne.s32 s20, $0xF;
	s21 =	smov.u32 s20;
	s20 =	sadd.s32 $0x1, s20  }
0x8a: {  	_ = 	snop  }
0x8b: {  	v11 =	vmax.f32 v12, v11  }
0x8c: {  	[tilespmem:v8+s15+$0x0] =	vst.idx.msk vm0, v11  }
0x8d: {  	v11 =	vld.idx.msk [tilespmem:v4+s15+$0x0], $0xffff  }
0x8e: {  	v12 =	vmov s21;
	v13 =	vld.idx.msk [tilespmem:v3+s13+$0x0], $0xffff  }
0x8f: {  	vm0 =	veq.s32 v12, v1;
	_ =	sdelay $0x4  }
0x90: {  	v11 =	vmax.f32 v11, v13  }
0x91: {  	[tilespmem:v4+s15+$0x0] =	vst.idx.msk vm0, v11  }
0x92: {  	v11 =	vld.idx.msk [tilespmem:v5+s13+$0x0], $0xffff  }
0x93: {  	v12 =	vld.idx.msk [tilespmem:v6+s15+$0x0], $0xffff;
	_ =	sdelay $0x5  }
0x94: {  	v11 =	vmax.f32 v12, v11  }
0x95: {  	[tilespmem:v6+s15+$0x0] =	vst.idx.msk vm0, v11  }
0x96: {  	v11 =	vld.idx.msk [tilespmem:v7+s13+$0x0], $0xffff  }
0x97: {  	v12 =	vld.idx.msk [tilespmem:v9+s15+$0x0], $0xffff;
	_ =	sdelay $0x4  }
.Ltmp8:
0x98: {  	(pc) =	sbr.rel @p0 .LBB2_7-.Ltmp8, $4  }
0x99: {  	v11 =	vmax.f32 v12, v11  }
0x9a: {  	[tilespmem:v9+s15+$0x0] =	vst.idx.msk vm0, v11  }
0x9b: {  	v11 =	vld.idx.msk [tilespmem:v10+s13+$0x0], $0xffff  }
0x9c: {  	v12 =	vld.idx.msk [tilespmem:v8+s15+$0x0], $0xffff  }
0x9d: {  	_ = 	snop  }
.Ltmp9:
0x9e: {  	_ = 	snop;
	(pc) =	sbr.rel .LBB2_9-.Ltmp9, $3  }
0x9f: {  	_ =	sdelay $0x1  }
0xa0: {  	v3 =	vmax.f32 v12, v11  }
0xa1: {  	[tilespmem:v8+s15+$0x0] =	vst.idx.msk vm0, v3  }
.LBB2_11:
0xa2: {  	s17 =	simm.s32 $0x0  }
0xa3: {  	s18 =	smul.u32 $0xA36F, s17  }
0xa4: {  	[hbm4b:s6+s11] =	stream.strided.scatter [tilespmem:s15], [sflag:$0x1], $0x9E00, s12, s11, $0x38;
	[tilespmem:$0xBA80] =	vst v63  }
0xa5: {  	s18 =	sshrl.u32 s18, $0x10  }
0xa6: {  	s19 =	ssub.s32 $0x0, s18  }
0xa7: {  	s20 =	sand.u32 $0xFFFE, s19  }
0xa8: {  	s20 =	sshrl.u32 s20, $0x1  }
0xa9: {  	_ =	swait.ge [sflag:s10], $0x9E00;
	s19 =	simm.s32 $0x1;
	s18 =	sadd.s32 s18, s20  }
0xaa: {  	[sflag:s10] =	ssyncset.done $0x0;
	s31 =	smul.u32 $0xA36F, s19;
	s23 =	sand.u32 $0xFE00, s18  }
0xab: {  	[sflag:s10] =	ssyncadd.s32 $0xFFFF6200;
	s20 =	simm.s32 $0x2;
	s21 =	sshrl.u32 s23, $0x9  }
0xac: {  	s22 =	sshrl.u32 s31, $0x10;
	s24 =	smul.u32 $0x271, s21;
	s21 =	simm.s32 $0x0  }
.LBB2_12:
0xad: {  	p0 =	sne.s32 s20, $0x9C3  }
0xae: {  	s25 =	ssub.s32 s19, s22;
	s23 =	sshrl.u32 s23, $0xB;
	s18 =	sshrl.u32 s18, $0x2  }
0xaf: {  	s25 =	sand.u32 $0xFFFE, s25;
	s24 =	ssub.s32 s21, s24;
	s23 =	smul.u32 $0x27800, s23  }
0xb0: {  	s21 =	smov.u32 s19;
	s25 =	sshrl.u32 s25, $0x1;
	s26 =	sshll.u32 s24, $0x6  }
0xb1: {  	s24 =	sshll.u32 s24, $0x4;
	s19 =	sand.u32 $0xFE00, s26;
	s23 =	sshrl.u32 s23, $0x2  }
.Ltmp10:
0xb2: {  	s26 =	sand.u32 $0x180, s18;
	s19 =	sadd.s32 s19, s23;
	(pc) =	sbr.rel @p0 .LBB2_12-.Ltmp10, $4  }
0xb3: {  	s18 =	sadd.s32 s22, s25;
	s22 =	sand.u32 $0x70, s24;
	s19 =	sor.u32 s26, s19  }
0xb4: {  	s24 =	smul.u32 $0xA36F, s20;
	s23 =	sand.u32 $0xFE00, s18;
	s19 =	sor.u32 s22, s19  }
0xb5: {  	s25 =	sshrl.u32 s23, $0x9;
	[tilespmem:s19+$0xC80] =	vst v0;
	s19 =	smov.u32 s20  }
0xb6: {  	s22 =	sshrl.u32 s24, $0x10;
	s24 =	smul.u32 $0x271, s25;
	s20 =	sadd.s32 $0x1, s20  }
0xb7: {  	s20 =	ssub.s32 s19, s22  }
0xb8: {  	s20 =	sand.u32 $0xFFFE, s20  }
0xb9: {  	s20 =	sshrl.u32 s20, $0x1  }
0xba: {  	s23 =	sshrl.u32 s23, $0xB;
	s18 =	sshrl.u32 s18, $0x2;
	s20 =	sadd.s32 s22, s20  }
0xbb: {  	s21 =	ssub.s32 s21, s24;
	s23 =	smul.u32 $0x27800, s23;
	s31 =	sand.u32 $0xFE00, s20  }
0xbc: {  	s18 =	sand.u32 $0x180, s18;
	s30 =	sshll.u32 s21, $0x6;
	s25 =	sshrl.u32 s31, $0x9  }
0xbd: {  	s21 =	sshll.u32 s21, $0x4;
	s22 =	sand.u32 $0xFE00, s30;
	s26 =	smul.u32 $0x271, s25  }
0xbe: {  	s23 =	sshrl.u32 s23, $0x2;
	s21 =	sand.u32 $0x70, s21;
	s24 =	sshrl.u32 s31, $0xB  }
0xbf: {  	s22 =	sadd.s32 s22, s23;
	s29 =	smul.u32 $0x27800, s24;
	s28 =	ssub.s32 s19, s26  }
0xc0: {  	s20 =	sshrl.u32 s20, $0x2;
	s18 =	sor.u32 s18, s22;
	s30 =	sshll.u32 s28, $0x6  }
.Ltmp11:
0xc1: {  	s23 =	sshrl.u32 s29, $0x2;
	s22 =	sand.u32 $0xFE00, s30;
	(pc) =	sbr.rel .LBB2_14-.Ltmp11, $4  }
0xc2: {  	s20 =	sand.u32 $0x180, s20;
	s19 =	sshll.u32 s28, $0x4;
	s22 =	sadd.s32 s22, s23  }
0xc3: {  	s18 =	sor.u32 s21, s18;
	s19 =	sand.u32 $0x70, s19;
	s20 =	sor.u32 s20, s22  }
0xc4: {  	[tilespmem:s18+$0xC80] =	vst v0;
	s31 =	sor.u32 s19, s20  }
0xc5: {  	[tilespmem:s31+$0xC80] =	vst v0  }
.LBB2_20:
0xc6: {  	s17 =	sadd.s32 $0x1, s17  }
0xc7: {  	p0 =	sne.s32 s17, $0x1F4  }
.Ltmp12:
0xc8: {  	_ = 	snop;
	(pc) =	sbr.rel @!p0 .LBB2_21-.Ltmp12, $1  }
0xc9: {  	_ =	sdelay $0x3  }
.LBB2_14:
0xca: {  	s18 =	smul.u32 $0x50, s17;
	_ =	sdelay $0x1  }
0xcb: {  	s20 =	smul.u32 $0x1400, s17;
	s19 =	sadd.s32 s4, s18;
	s18 =	simm.s32 $0x0  }
0xcc: {  	[tilespmem:s18], [sflag:$0x1] =	stream.linear.gather [hbm4b:s19+s18], $0x280, $0x38;
	[tilespmem:$0xBA80] =	vst v63  }
0xcd: {  	s31 =	sadd.s32 s7, s20;
	_ =	swait.ge [sflag:s10], $0x280  }
0xce: {  	s19 =	sshrl.u32 s31, $0x3;
	[sflag:s10] =	ssyncset.done $0x0  }
.Ltmp13:
0xcf: {  	s19 =	sadd.s32 s3, s19;
	[sflag:s10] =	ssyncadd.s32 $0xFFFFFD80;
	(pc) =	sbr.rel .LBB2_15-.Ltmp13, $4  }
0xd0: {  	[tilespmem:s13], [sflag:$0x1] =	stream.strided.gather [hbm4b:s19+s11], $0xA00, s12, s11, $0x38;
	[tilespmem:$0xBA80] =	vst v63  }
0xd1: {  	_ =	swait.ge [sflag:s10], $0xA00  }
0xd2: {  	[sflag:s10] =	ssyncset.done $0x0  }
0xd3: {  	[sflag:s10] =	ssyncadd.s32 $0xFFFFF600  }
.LBB2_24:
0xd4: {  	_ =	sdelay $0x3  }
0xd5: {  	v5 =	vld.idx.msk [tilespmem:v3+s13+$0x0], $0xffff  }
0xd6: {  	v6 =	vld.idx.msk [tilespmem:v4+s15+$0x0], $0xffff;
	_ =	sdelay $0x1  }
0xd7: {  	v7 =	vor.u32 $0x80, v3  }
0xd8: {  	v8 =	vor.u32 $0x80, v4  }
0xd9: {  	v5 =	vxor.u32 $0x80000000, v5  }
0xda: {  	v5 =	vmax.f32 v6, v5  }
0xdb: {  	[tilespmem:v4+s15+$0x0] =	vst.idx.msk $0xffff, v5  }
0xdc: {  	v5 =	vld.idx.msk [tilespmem:v7+s13+$0x0], $0xffff  }
0xdd: {  	v60 =	vld.idx.msk [tilespmem:v8+s15+$0x0], $0xffff;
	_ =	sdelay $0x1  }
0xde: {  	v61 =	vor.u32 $0x100, v3  }
0xdf: {  	v9 =	vor.u32 $0x100, v4  }
0xe0: {  	v5 =	vxor.u32 $0x80000000, v5  }
0xe1: {  	v5 =	vmax.f32 v60, v5  }
0xe2: {  	[tilespmem:v8+s15+$0x0] =	vst.idx.msk $0xffff, v5  }
0xe3: {  	v5 =	vld.idx.msk [tilespmem:v61+s13+$0x0], $0xffff  }
0xe4: {  	v62 =	vld.idx.msk [tilespmem:v9+s15+$0x0], $0xffff;
	_ =	sdelay $0x1  }
0xe5: {  	v3 =	vor.u32 $0x180, v3  }
0xe6: {  	v63 =	vor.u32 $0x180, v4  }
0xe7: {  	v5 =	vxor.u32 $0x80000000, v5  }
0xe8: {  	v5 =	vmax.f32 v62, v5  }
0xe9: {  	[tilespmem:v9+s15+$0x0] =	vst.idx.msk $0xffff, v5  }
0xea: {  	v3 =	vld.idx.msk [tilespmem:v3+s13+$0x0], $0xffff  }
0xeb: {  	v5 =	vld.idx.msk [tilespmem:v63+s15+$0x0], $0xffff;
	_ =	sdelay $0x3  }
0xec: {  	v3 =	vxor.u32 $0x80000000, v3  }
0xed: {  	v3 =	vmax.f32 v5, v3  }
0xee: {  	[tilespmem:v63+s15+$0x0] =	vst.idx.msk $0xffff, v3  }
.LBB2_19:
0xef: {  	s18 =	sadd.s32 $0x1, s18  }
0xf0: {  	p0 =	sne.s32 s18, $0x28  }
.Ltmp14:
0xf1: {  	_ = 	snop;
	(pc) =	sbr.rel @!p0 .LBB2_20-.Ltmp14, $1  }
0xf2: {  	_ =	sdelay $0x3  }
.LBB2_15:
0xf3: {  	s19 =	sshll.u32 s18, $0x4  }
0xf4: {  	v4 =	vld [tilespmem:s19+$0x0];
	_ =	sdelay $0x4  }
0xf5: {  	v3 =	vand.u32 $0xFFF, v4;
	_ =	sdelay $0x4  }
0xf6: {  	[tilespmem:v3+s14+$0x0] =	vst.idx.msk $0xffff, v1  }
0xf7: {  	v3 =	vld.idx.msk [tilespmem:v3+s14+$0x0], $0xffff;
	_ =	sdelay $0x4  }
0xf8: {  	vm0 =	vne.s32 v3, v1  }
0xf9: {  	v3 =	vsel vm0, $0x1, v2  }
0xfa: {  	v3 =	vor.u32 $0x80000000, v3  }
0xfb: {  	(xrf0) =	vmax.scan.msk.u32 $0xffff, v3;
	_ =	sdelay $0x5  }
0xfc: {  	v3, _, _ =	vpop (xrf0)  }
0xfd: {  	(v2sf) =	vpush v3, $0xF;
	_ =	sdelay $0xe  }
0xfe: {  	v3 =	vmov s19;
	s31 =	spop (v2sf)  }
0xff: {  	v5 =	vor.u32 s19, v1;
	v3 =	vshll.u32 v3, $0x2;
	p0 =	seq.s32 s31, $0x80000000  }
.Ltmp15:
0x100: {  	v5 =	vand.u32 $0x7F, v5;
	v6 =	vshll.u32 v4, $0x2;
	v3 =	vand.u32 $0xE00, v3;
	(pc) =	sbr.rel @p0 .LBB2_24-.Ltmp15, $2  }
0x101: {  	v4 =	vand.u32 $0x7F, v4;
	v3 =	vor.u32 v5, v3;
	v5 =	vand.u32 $0xFFFFFE00, v6  }
0x102: {  	v4 =	vor.u32 v4, v5;
	_ =	sdelay $0x2  }
0x103: {  	_ =	sdelay $0x2  }
0x104: {  	s19 =	simm.s32 $0x0  }
0x105: {  	v11 =	vld.idx.msk [tilespmem:v3+s13+$0x0], $0xffff;
	v12 =	vmov s19  }
0x106: {  	v13 =	vld.idx.msk [tilespmem:v4+s15+$0x0], $0xffff;
	vm0 =	veq.s32 v12, v1;
	_ =	sdelay $0x1  }
0x107: {  	v5 =	vor.u32 $0x80, v3  }
0x108: {  	v6 =	vor.u32 $0x80, v4  }
0x109: {  	v11 =	vxor.u32 $0x80000000, v11  }
0x10a: {  	v11 =	vmax.f32 v13, v11  }
0x10b: {  	[tilespmem:v4+s15+$0x0] =	vst.idx.msk vm0, v11  }
0x10c: {  	v11 =	vld.idx.msk [tilespmem:v5+s13+$0x0], $0xffff  }
0x10d: {  	v61 =	vld.idx.msk [tilespmem:v6+s15+$0x0], $0xffff;
	_ =	sdelay $0x1  }
0x10e: {  	v7 =	vor.u32 $0x100, v3  }
0x10f: {  	v8 =	vor.u32 $0x100, v4  }
0x110: {  	v11 =	vxor.u32 $0x80000000, v11  }
0x111: {  	v11 =	vmax.f32 v61, v11  }
0x112: {  	[tilespmem:v6+s15+$0x0] =	vst.idx.msk vm0, v11  }
0x113: {  	v11 =	vld.idx.msk [tilespmem:v7+s13+$0x0], $0xffff  }
0x114: {  	v62 =	vld.idx.msk [tilespmem:v8+s15+$0x0], $0xffff;
	_ =	sdelay $0x1  }
0x115: {  	v10 =	vor.u32 $0x180, v3  }
0x116: {  	v9 =	vor.u32 $0x180, v4  }
0x117: {  	v11 =	vxor.u32 $0x80000000, v11  }
0x118: {  	v11 =	vmax.f32 v62, v11  }
0x119: {  	[tilespmem:v8+s15+$0x0] =	vst.idx.msk vm0, v11  }
0x11a: {  	v11 =	vld.idx.msk [tilespmem:v10+s13+$0x0], $0xffff  }
0x11b: {  	v63 =	vld.idx.msk [tilespmem:v9+s15+$0x0], $0xffff;
	_ =	sdelay $0x3  }
0x11c: {  	v11 =	vxor.u32 $0x80000000, v11  }
0x11d: {  	s19 =	simm.s32 $0x1;
	v11 =	vmax.f32 v63, v11  }
.LBB2_17:
0x11e: {  	p0 =	sne.s32 s19, $0xF;
	[tilespmem:v9+s15+$0x0] =	vst.idx.msk vm0, v11;
	s20 =	smov.u32 s19;
	s19 =	sadd.s32 $0x1, s19  }
0x11f: {  	v11 =	vld.idx.msk [tilespmem:v3+s13+$0x0], $0xffff  }
0x120: {  	v12 =	vmov s20;
	v13 =	vld.idx.msk [tilespmem:v4+s15+$0x0], $0xffff  }
0x121: {  	vm0 =	veq.s32 v12, v1;
	_ =	sdelay $0x3  }
0x122: {  	v11 =	vxor.u32 $0x80000000, v11  }
0x123: {  	v11 =	vmax.f32 v13, v11  }
0x124: {  	[tilespmem:v4+s15+$0x0] =	vst.idx.msk vm0, v11  }
0x125: {  	v11 =	vld.idx.msk [tilespmem:v5+s13+$0x0], $0xffff  }
0x126: {  	v12 =	vld.idx.msk [tilespmem:v6+s15+$0x0], $0xffff;
	_ =	sdelay $0x4  }
0x127: {  	v11 =	vxor.u32 $0x80000000, v11  }
0x128: {  	v11 =	vmax.f32 v12, v11  }
0x129: {  	[tilespmem:v6+s15+$0x0] =	vst.idx.msk vm0, v11  }
0x12a: {  	v11 =	vld.idx.msk [tilespmem:v7+s13+$0x0], $0xffff  }
0x12b: {  	v12 =	vld.idx.msk [tilespmem:v8+s15+$0x0], $0xffff;
	_ =	sdelay $0x4  }
0x12c: {  	v11 =	vxor.u32 $0x80000000, v11  }
0x12d: {  	v11 =	vmax.f32 v12, v11  }
0x12e: {  	[tilespmem:v8+s15+$0x0] =	vst.idx.msk vm0, v11  }
0x12f: {  	v11 =	vld.idx.msk [tilespmem:v10+s13+$0x0], $0xffff  }
0x130: {  	v12 =	vld.idx.msk [tilespmem:v9+s15+$0x0], $0xffff;
	_ =	sdelay $0x1  }
.Ltmp16:
0x131: {  	(pc) =	sbr.rel @p0 .LBB2_17-.Ltmp16, $3  }
0x132: {  	_ =	sdelay $0x1  }
0x133: {  	v11 =	vxor.u32 $0x80000000, v11  }
0x134: {  	v11 =	vmax.f32 v12, v11  }
0x135: {  	_ = 	snop  }
.Ltmp17:
0x136: {  	_ = 	snop;
	(pc) =	sbr.rel .LBB2_19-.Ltmp17, $2  }
0x137: {  	_ =	sdelay $0x2  }
0x138: {  	[tilespmem:v9+s15+$0x0] =	vst.idx.msk vm0, v11  }
.LBB2_22:
0x139: {  	_ =	sfence.sel $0x180000  }
0x13a: {  	[bflag:$0x0] =	sbarrier.arrive $0xFFFF  }
0x13b: {  	p0 =	sne.s32 s2, $0x0;
	_ =	strace $0x9000004A  }
0x13c: {  	s0 =	sadd.s32 @!p0 $0x100000, s0;
	[bflag:$0x2] =	sbarrier.arrive $0xFFFF  }
0x13d: {  	[sflag:s0] =	ssyncadd.tile.s32 @!p0 $0x1;
	_ =	shalt  }
.Lfunc_end2:
_tile_overlayer_lowered:
.L_overlay_start_2:
0x13e: {  	(tag) =	ssettag $0x2  }
0x13f: {  	s0 =	rddreg [dreg:$0x0];
	s2 =	stileid.u32  }
0x140: {  	s1 =	rddreg [dreg:$0x1];
	p0 =	sne.s32 s2, $0x0  }
0x141: {  	s3 =	rddreg [dreg:$0x2];
	[bflag:$0x3] =	sbarrier.arrive $0xFFFF;
	s2 =	simm.s32 @!p0 $0x1C01  }
0x142: {  	[timem:s3], [sflag:s2] =	dma.local @!p0 [hbm:s0], s1  }
0x143: {  	s0 =	simm.s32 @!p0 $0x1  }
0x144: {  	_ =	swait.ge @!p0 [sflag:s0], s1  }
0x145: {  	s1 =	ssub.s32 @!p0 $0x0, s1;
	[sflag:s0] =	ssyncset.done @!p0 $0x0  }
0x146: {  	[sflag:s0] =	ssyncadd.s32 @!p0 s1  }
0x147: {  	[bflag:$0x3] =	sbarrier.arrive $0xFFFF  }
0x148: {  	_ =	shalt  }

// kernel: kernel.7.cloned.1.call-start
scs
__scs_entry_jumppad:
0x0: {  	(pc) =	sbr.rel $0x88, $3  }
0x1: {  	(tag) =	ssettag $0x0;
	lr =	simm.s32 $0x1  }
0x2: {  	[smem:$0x3F96] =	sst lr;
	_ =	strace $0xD0000000  }
0x3: {  	_ = 	snop  }
0x4: {  	_ = 	snop  }
0x5: {  	_ = 	snop  }
0x6: {  	_ = 	snop  }
0x7: {  	_ = 	snop  }
__scs_overlays_trampoline_lowered:
0x8: {  	[smem:$0x3FA5] =	sst s0  }
0x9: {  	[smem:$0x3FA6] =	sst s1  }
0xa: {  	[smem:$0x3FA7] =	sst s2  }
0xb: {  	[smem:$0x3FA8] =	sst s3  }
0xc: {  	[smem:$0x3FA9] =	sst s4  }
0xd: {  	[smem:$0x3FAA] =	sst s5  }
0xe: {  	[smem:$0x3FAB] =	sst s6  }
0xf: {  	[smem:$0x3FAC] =	sst s7  }
0x10: {  	[smem:$0x3FAD] =	sst s8  }
0x11: {  	[smem:$0x3FAE] =	sst s9;
	s0 =	simm.s32 @!p0 $0x0  }
0x12: {  	s1 =	sld [smem:$0x3F94];
	s0 =	simm.s32 @p0 $0x1  }
0x13: {  	[smem:$0x3FAF] =	sst s0;
	s0 =	simm.s32 @!p1 $0x0  }
0x14: {  	s2 =	sld [smem:$0x3F93];
	s0 =	simm.s32 @p1 $0x1  }
0x15: {  	[smem:$0x3FB0] =	sst s0;
	s0 =	simm.s32 @!p2 $0x0  }
0x16: {  	s3 =	sld [smem:$0x3FDB];
	s0 =	simm.s32 @p2 $0x1  }
0x17: {  	s4 =	simm.s32 $0x1BF5;
	[smem:$0x3FB2] =	sst s0  }
0x18: {  	s0 =	sld [smem:$0x3F95];
	_ =	swait.ge [sflag:s4], $0x0  }
0x19: {  	s7 =	sld [smem:$0x3F96]  }
0x1a: {  	s8 =	sadd.s32 $0xFFFFE003, lr  }
0x1b: {  	s9 =	sadd.s32 $0xFFFFFEF7, lr;
	s5 =	simm.s32 $0xFFFFFFFF;
	p2 =	slt.u32 s8, $0xFFFFF086  }
0x1c: {  	p1 =	slt.u32 s9, $0xF7A;
	s5 =	simm.s32 @!p2 $0x0  }
0x1d: {  	s5 =	simm.s32 @p1 $0x1;
	p0 =	seq.s32 s7, s2  }
0x1e: {  	s7 =	smul.u32 @!p0 $0xF7A, s2;
	p2 =	seq.s32 @!p0 s5, $0x0  }
0x1f: {  	s9 =	smul.u32 $0xF7A, s1;
	s8 =	simm.s32 @!p0 $0x1BF5;
	p2 =	por !p2, p0  }
0x20: {  	[sflag:s8] =	ssyncset.s32 @!p0 $0xFFFFF086;
	s6 =	sadd.s32 @!p0 s3, s7;
	s7 =	simm.s32 @!p0 $0x108  }
0x21: {  	s3 =	sadd.s32 s3, s9;
	s6 =	sadd.s32 @!p0 $0x88, s6;
	s7 =	simm.s32 @p2 $0x1082  }
0x22: {  	[simem:s7], [sflag:s8] =	dma.local @!p0 [hbm:s6], $0xF7A  }
0x23: {  	s9 =	sor.u32 $0xD0000000, s2;
	s6 =	simm.s32 $0x108;
	_ =	swait.ge @!p0 [sflag:s8], $0x0  }
0x24: {  	s3 =	sadd.s32 $0x88, s3;
	s6 =	simm.s32 @!p1 $0x1082;
	[sflag:s4] =	ssyncset.s32 $0xFFFFF086  }
0x25: {  	[simem:s6], [sflag:s4] =	dma.local [hbm:s3], $0xF7A  }
0x26: {  	[smem:$0x3F96] =	sst s1;
	(tag) =	ssettag s2;
	_ =	strace s9  }
0x27: {  	s1 =	sld [smem:$0x3FA6]  }
0x28: {  	s2 =	sld [smem:$0x3FA7]  }
0x29: {  	s4 =	sld [smem:$0x3FA9]  }
0x2a: {  	p0 =	seq.s32 s5, $0x0;
	s5 =	sld [smem:$0x3FAA]  }
0x2b: {  	s6 =	sld [smem:$0x3FAB]  }
0x2c: {  	s7 =	sld [smem:$0x3FAC]  }
0x2d: {  	s3 =	simm.s32 $0x108;
	s8 =	sld [smem:$0x3FAD]  }
0x2e: {  	s3 =	simm.s32 @!p0 $0x1082;
	s9 =	sld [smem:$0x3FAE]  }
0x2f: {  	lr =	sadd.s32 s0, s3;
	s0 =	sld [smem:$0x3FA5]  }
0x30: {  	s3 =	sld [smem:$0x3FA8]  }
0x31: {  	[smem:$0x3FB1] =	sst s10  }
0x32: {  	s10 =	sld [smem:$0x3FAF];
	_ =	sdelay $0x3  }
0x33: {  	p0 =	seq.s32 s10, $0x1;
	s10 =	sld [smem:$0x3FB1];
	_ =	sdelay $0x3  }
0x34: {  	[smem:$0x3FB1] =	sst s10  }
0x35: {  	s10 =	sld [smem:$0x3FB0];
	_ =	sdelay $0x3  }
0x36: {  	p1 =	seq.s32 s10, $0x1;
	s10 =	sld [smem:$0x3FB1];
	_ =	sdelay $0x3  }
0x37: {  	[smem:$0x3FB1] =	sst s10  }
0x38: {  	s10 =	sld [smem:$0x3FB2]  }
0x39: {  	_ = 	snop;
	(pc) =	sbr.ind lr, $3  }
0x3a: {  	_ = 	snop  }
0x3b: {  	_ = 	snop  }
0x3c: {  	p2 =	seq.s32 s10, $0x1;
	s10 =	sld [smem:$0x3FB1]  }
0x3d: {  	_ =	shalt  }
0x3e: {  	_ =	shalt  }
0x3f: {  	_ =	shalt  }
0x40: {  	_ =	shalt  }
0x41: {  	_ =	shalt  }
0x42: {  	_ =	shalt  }
0x43: {  	_ =	shalt  }
0x44: {  	_ =	shalt  }
0x45: {  	_ =	shalt  }
0x46: {  	_ =	shalt  }
0x47: {  	_ =	shalt  }
0x48: {  	_ =	shalt  }
0x49: {  	_ =	shalt  }
0x4a: {  	_ =	shalt  }
0x4b: {  	_ =	shalt  }
0x4c: {  	_ =	shalt  }
0x4d: {  	_ =	shalt  }
0x4e: {  	_ =	shalt  }
0x4f: {  	_ =	shalt  }
0x50: {  	_ =	shalt  }
0x51: {  	_ =	shalt  }
0x52: {  	_ =	shalt  }
0x53: {  	_ =	shalt  }
0x54: {  	_ =	shalt  }
0x55: {  	_ =	shalt  }
0x56: {  	_ =	shalt  }
0x57: {  	_ =	shalt  }
0x58: {  	_ =	shalt  }
0x59: {  	_ =	shalt  }
0x5a: {  	_ =	shalt  }
0x5b: {  	_ =	shalt  }
0x5c: {  	_ =	shalt  }
0x5d: {  	_ =	shalt  }
0x5e: {  	_ =	shalt  }
0x5f: {  	_ =	shalt  }
0x60: {  	_ =	shalt  }
0x61: {  	_ =	shalt  }
0x62: {  	_ =	shalt  }
0x63: {  	_ =	shalt  }
0x64: {  	_ =	shalt  }
0x65: {  	_ =	shalt  }
0x66: {  	_ =	shalt  }
0x67: {  	_ =	shalt  }
0x68: {  	_ =	shalt  }
0x69: {  	_ =	shalt  }
0x6a: {  	_ =	shalt  }
0x6b: {  	_ =	shalt  }
0x6c: {  	_ =	shalt  }
0x6d: {  	_ =	shalt  }
0x6e: {  	_ =	shalt  }
0x6f: {  	_ =	shalt  }
0x70: {  	_ =	shalt  }
0x71: {  	_ =	shalt  }
0x72: {  	_ =	shalt  }
0x73: {  	_ =	shalt  }
0x74: {  	_ =	shalt  }
0x75: {  	_ =	shalt  }
0x76: {  	_ =	shalt  }
0x77: {  	_ =	shalt  }
0x78: {  	_ =	shalt  }
0x79: {  	_ =	shalt  }
0x7a: {  	_ =	shalt  }
0x7b: {  	_ =	shalt  }
0x7c: {  	_ =	shalt  }
0x7d: {  	_ =	shalt  }
0x7e: {  	_ =	shalt  }
0x7f: {  	_ =	shalt  }
0x80: {  	_ =	shalt  }
0x81: {  	_ =	shalt  }
0x82: {  	_ =	shalt  }
0x83: {  	_ =	shalt  }
0x84: {  	_ =	shalt  }
0x85: {  	_ =	shalt  }
0x86: {  	_ =	shalt  }
0x87: {  	_ =	shalt  }
.Lfunc_end0:
.L_simem_size_0:
called_computation_lowered:
.L_overlay_start_0:
0x88: {  	s2 =	sld [smem:$0x3FD9]  }
0x89: {  	s3 =	sld [smem:$0x3FFE];
	_ =	sdelay $0x1  }
0x8a: {  	s1 =	srdreg.scid  }
0x8b: {  	s0 =	sand.u32 $0x1, s1  }
0x8c: {  	s14 =	sshll.u32 s0, $0xA;
	s2 =	sadd.s32 s3, s2  }
0x8d: {  	s2 =	sadd.s32 s2, s14  }
0x8e: {  	[smem:$0x3FBD] =	sst s2  }
0x8f: {  	_ = 	snop  }
0x90: {  	s2 =	sld [smem:$0x3FD0];
	_ =	sdelay $0x2  }
0x91: {  	s4 =	simm.s32 $0xB;
	s5 =	simm.s32 $0x10;
	s15 =	sld [smem:$0x3FC9]  }
0x92: {  	[smem:s5], [sflag:s4] =	dma.local [hbm:s2], $0x1  }
0x93: {  	_ =	swait.eq [sflag:s4], $0x1  }
0x94: {  	[sflag:s4] =	ssyncset.done $0x0  }
0x95: {  	[sflag:s4] =	ssyncadd.s32 $0xFFFFFFFF  }
0x96: {  	s16 =	sld [smem:$0x10];
	(tm) =	ssettm $0x1  }
0x97: {  	s17 =	sld [smem:$0x3FFB];
	_ =	sdelay $0x3  }
0x98: {  	_ =	strace s17  }
0x99: {  	s4 =	sld [smem:$0x3FFC];
	_ =	sdelay $0x3  }
0x9a: {  	_ =	strace s4  }
0x9b: {  	s4 =	sld [smem:$0x3FFD];
	_ =	sdelay $0x3  }
0x9c: {  	_ =	strace s4  }
0x9d: {  	_ =	strace $0x8FFFFFFF  }
0x9e: {  	s18 =	sld [smem:$0x3FDB];
	_ =	sdelay $0x1  }
0x9f: {  	s19 =	simm.s32 $_scs_section_size  }
0xa0: {  	s6 =	simm.s32 $_size__tile_overlayer_lowered;
	s7 =	simm.s32 $_tile_overlayer_lowered  }
0xa1: {  	s22 =	simm.s32 $0x1BFF;
	s21 =	sshll.u32 s7, $0x1;
	s4 =	sadd.s32 s19, s18  }
0xa2: {  	s8 =	simm.s32 $0x0;
	s20 =	sshll.u32 s6, $0x1;
	s6 =	sadd.s32 s21, s4  }
0xa3: {  	[timem:s8], [sflag:s22] =	dma.local [hbm:s6], s20  }
0xa4: {  	_ =	swait.ge [sflag:s22], s20  }
0xa5: {  	s5 =	ssub.s32 $0x0, s20;
	[sflag:s22] =	ssyncset.done $0x0  }
0xa6: {  	[sflag:s22] =	ssyncadd.s32 s5;
	_ =	sdelay $0x1  }
0xa7: {  	s23 =	simm.s32 $0x1B8B  }
0xa8: {  	_ =	swait.ge [sflag:s23], $0x1  }
0xa9: {  	[sflag:s23] =	ssyncset.done $0x0  }
0xaa: {  	s25 =	simm.s32 $0x1B8E;
	s24 =	sld [smem:$0x3FFE];
	[sflag:s23] =	ssyncadd.s32 $0xFFFFFFFF  }
0xab: {  	s26 =	simm.s32 $execute0_lowered;
	[smem:$0x3FD2] =	sst s25  }
0xac: {  	s6 =	sshll.u32 s26, $0x1;
	_ =	strace $0x80000046;
	[dreg:$0x1] =	wrdreg $0xFFFFFFFF  }
0xad: {  	s28 =	simm.s32 $_size_execute0_lowered;
	s4 =	sadd.s32 s4, s6;
	[dreg:$0x0] =	wrdreg $0x0  }
0xae: {  	s6 =	sshll.u32 s28, $0x1;
	[dreg:$0x2] =	wrdreg s4  }
0xaf: {  	[dreg:$0x3] =	wrdreg s6  }
0xb0: {  	[dreg:$0x4] =	wrdreg $0xC0  }
0xb1: {  	_ =	task [dreg:s8], $0x5FFFF  }
0xb2: {  	[dreg:$0x1] =	wrdreg $0xFFFFFFFF  }
0xb3: {  	[dreg:$0x0] =	wrdreg $0x60  }
0xb4: {  	[dreg:$0x2] =	wrdreg s15  }
0xb5: {  	[dreg:$0x3] =	wrdreg s16  }
0xb6: {  	[dreg:$0x4] =	wrdreg s24  }
0xb7: {  	[dreg:$0x5] =	wrdreg $0x9  }
0xb8: {  	_ =	task.clear_ibuf [dreg:s8], $0x6FFFF;
	_ =	strace $0x90000046  }
0xb9: {  	s29 =	simm.s32 $0x9;
	_ =	strace $0x80000048  }
0xba: {  	_ =	swait.ge [sflag:s29], $0x1  }
0xbb: {  	[sflag:s29] =	ssyncadd.s32 $0xFFFFFFFF  }
0xbc: {  	_ =	strace $0x90000048  }
0xbd: {  	_ =	sfence  }
0xbe: {  	s30 =	sld [smem:$0x0];
	_ =	sdelay $0x2  }
0xbf: {  	s31 =	sshll.u32 s1, $0xD;
	s1 =	sshrl.u32 s1, $0x2  }
0xc0: {  	s3 =	sand.u32 $0x4000, s31;
	s1 =	sadd.s32 s1, s30  }
0xc1: {  	s0 =	sor.u32 s3, s0;
	s1 =	sshll.u32 s1, $0x11  }
0xc2: {  	s0 =	sor.u32 s1, s0  }
0xc3: {  	s0 =	sadd.s32 $0x8F2B, s0  }
0xc4: {  	[sflag:s0] =	ssyncadd.remote.s32 $0x1  }
0xc5: {  	_ =	sfence.sel $0xFFFF  }
0xc6: {  	[dreg:$0x0] =	wrdreg $0xFFFFFFFF;
	(pc) =	sbr.abs _section_cstart, $3  }
0xc7: {  	[dreg:$0x1] =	wrdreg $0xFFFFFFFF  }
0xc8: {  	_ =	task.clear_ibuf [dreg:s8], $0x2FFFF;
	_ =	strace $0x9FFFFFFF  }
0xc9: {  	(tm) =	ssettm $0x7FFFFFFF  }
tec
execute0_lowered:
.L_overlay_start_1:
0x0: {  	(tag) =	ssettag $0x1  }
0x1: {  	s1 =	rddreg [dreg:$0x0]  }
0x2: {  	s8 =	rddreg [dreg:$0x1]  }
0x3: {  	s4 =	rddreg [dreg:$0x2]  }
0x4: {  	s0 =	rddreg [dreg:$0x3];
	s2 =	stileid.u32  }
0x5: {  	s5 =	srdreg.scid;
	s3 =	simm.s32 $0x0;
	s6 =	smul.u32 $0x4E20, s2  }
0x6: {  	s12 =	simm.s32 $0x1;
	s5 =	sand.u32 $0x1, s5;
	s9 =	smul.u32 $0x4E200, s2  }
0x7: {  	s13 =	simm.s32 $0x0;
	[smem:$0x7FF] =	sst s3;
	s7 =	smul.u32 $0x2710, s5  }
0x8: {  	_ =	strace $0x80000047;
	s10 =	ssub.s32 $0x2, s5;
	s5 =	smul.u32 $0x27100, s5  }
0x9: {  	s29 =	sshrl.u32 s10, $0x1;
	s30 =	sadd.s32 s9, s4;
	s6 =	sadd.s32 s7, s6  }
0xa: {  	s9 =	simm.s32 $0x2;
	s7 =	ssub.s32 s10, s29;
	s11 =	sshrl.u32 s6, $0x3  }
0xb: {  	s10 =	simm.s32 $0x50;
	s6 =	sadd.s32 s5, s30;
	s31 =	sadd.s32 s11, s4  }
0xc: {  	s4 =	smax.u32 s7, $0x1;
	s5 =	sadd.s32 $0xCA00, s6;
	s6 =	sadd.s32 $0x4EEA00, s6  }
0xd: {  	s8 =	sadd.s32 s11, s8;
	s11 =	simm.s32 $0x80;
	s7 =	sadd.s32 $0x2C00, s31  }
.LBB2_1:
0xe: {  	s14 =	sadd.s32 $0x0, s8  }
0xf: {  	[tilespmem:s3], [sflag:$0x2] =	stream.linear.gather [hbm4b:s14+s3], $0x50, $0x38;
	[tilespmem:$0x2880] =	vst v63  }
0x10: {  	_ =	swait.ge [sflag:s9], $0x50  }
0x11: {  	[sflag:s9] =	ssyncset.done $0x0  }
0x12: {  	[sflag:s9] =	ssyncadd.s32 $0xFFFFFFB0  }
0x13: {  	[tilespmem:s11], [sflag:$0x1] =	stream.indirect.gather [hbm4b:s1+s10], $0x80, s3, s10, $0xb8;
	[tilespmem:$0x2880] =	vst v63  }
0x14: {  	_ =	swait.ge [sflag:s12], $0x2800  }
0x15: {  	[sflag:s12] =	ssyncset.done $0x0  }
0x16: {  	[sflag:s12] =	ssyncadd.s32 $0xFFFFD800  }
0x17: {  	[hbm4b:s5+s3] =	stream.linear.scatter [tilespmem:s11], [sflag:$0x2], $0x2800, $0x38;
	[tilespmem:$0x2880] =	vst v63  }
0x18: {  	_ =	swait.ge [sflag:s9], $0x2800  }
0x19: {  	[sflag:s9] =	ssyncset.done $0x0  }
0x1a: {  	s31 =	sadd.s32 $0x0, s7;
	[sflag:s9] =	ssyncadd.s32 $0xFFFFD800  }
0x1b: {  	[tilespmem:s3], [sflag:$0x2] =	stream.linear.gather [hbm4b:s31+s3], $0x50, $0x38;
	[tilespmem:$0x2880] =	vst v63  }
0x1c: {  	_ =	swait.ge [sflag:s9], $0x50  }
0x1d: {  	[sflag:s9] =	ssyncset.done $0x0  }
0x1e: {  	[sflag:s9] =	ssyncadd.s32 $0xFFFFFFB0  }
0x1f: {  	[tilespmem:s11], [sflag:$0x1] =	stream.indirect.gather [hbm4b:s1+s10], $0x80, s3, s10, $0xb8;
	[tilespmem:$0x2880] =	vst v63  }
0x20: {  	_ =	swait.ge [sflag:s12], $0x2800  }
0x21: {  	[sflag:s12] =	ssyncset.done $0x0  }
0x22: {  	[sflag:s12] =	ssyncadd.s32 $0xFFFFD800  }
0x23: {  	[hbm4b:s6+s3] =	stream.linear.scatter [tilespmem:s11], [sflag:$0x2], $0x2800, $0x38;
	[tilespmem:$0x2880] =	vst v63  }
0x24: {  	s15 =	simm.s32 $0xA;
	s17 =	simm.s32 $0x14;
	_ =	swait.ge [sflag:s9], $0x2800  }
0x25: {  	s16 =	sadd.s32 $0x500, s5;
	s14 =	sadd.s32 $0x500, s6;
	[sflag:s9] =	ssyncset.done $0x0  }
.LBB2_2:
0x26: {  	s18 =	sadd.s32 s15, s8  }
0x27: {  	[sflag:s9] =	ssyncadd.s32 $0xFFFFD800;
	s19 =	smov.u32 s17;
	s20 =	sadd.s32 $0xA, s17  }
0x28: {  	[tilespmem:s3], [sflag:$0x2] =	stream.linear.gather [hbm4b:s18+s3], $0x50, $0x38;
	[tilespmem:$0x2880] =	vst v63  }
0x29: {  	p0 =	sne.s32 s17, $0x4D8;
	_ =	swait.ge [sflag:s9], $0x50  }
0x2a: {  	[sflag:s9] =	ssyncset.done $0x0  }
0x2b: {  	[sflag:s9] =	ssyncadd.s32 $0xFFFFFFB0  }
0x2c: {  	[tilespmem:s11], [sflag:$0x1] =	stream.indirect.gather [hbm4b:s1+s10], $0x80, s3, s10, $0xb8;
	[tilespmem:$0x2880] =	vst v63  }
0x2d: {  	_ =	swait.ge [sflag:s12], $0x2800  }
0x2e: {  	[sflag:s12] =	ssyncset.done $0x0  }
0x2f: {  	[sflag:s12] =	ssyncadd.s32 $0xFFFFD800  }
0x30: {  	[hbm4b:s16+s3] =	stream.linear.scatter [tilespmem:s11], [sflag:$0x2], $0x2800, $0x38;
	[tilespmem:$0x2880] =	vst v63  }
0x31: {  	_ =	swait.ge [sflag:s9], $0x2800  }
0x32: {  	[sflag:s9] =	ssyncset.done $0x0  }
0x33: {  	s17 =	sadd.s32 s15, s7;
	s15 =	smov.u32 s19;
	[sflag:s9] =	ssyncadd.s32 $0xFFFFD800  }
0x34: {  	[tilespmem:s3], [sflag:$0x2] =	stream.linear.gather [hbm4b:s17+s3], $0x50, $0x38;
	[tilespmem:$0x2880] =	vst v63  }
0x35: {  	_ =	swait.ge [sflag:s9], $0x50  }
0x36: {  	[sflag:s9] =	ssyncset.done $0x0  }
0x37: {  	[sflag:s9] =	ssyncadd.s32 $0xFFFFFFB0  }
0x38: {  	[tilespmem:s11], [sflag:$0x1] =	stream.indirect.gather [hbm4b:s1+s10], $0x80, s3, s10, $0xb8;
	[tilespmem:$0x2880] =	vst v63  }
0x39: {  	_ =	swait.ge [sflag:s12], $0x2800  }
.Ltmp0:
0x3a: {  	[sflag:s12] =	ssyncset.done $0x0;
	(pc) =	sbr.rel @p0 .LBB2_2-.Ltmp0, $4  }
0x3b: {  	[sflag:s12] =	ssyncadd.s32 $0xFFFFD800  }
0x3c: {  	[hbm4b:s14+s3] =	stream.linear.scatter [tilespmem:s11], [sflag:$0x2], $0x2800, $0x38;
	[tilespmem:$0x2880] =	vst v63  }
0x3d: {  	s16 =	sadd.s32 $0x500, s16;
	_ =	swait.ge [sflag:s9], $0x2800  }
0x3e: {  	s17 =	smov.u32 s20;
	s14 =	sadd.s32 $0x500, s14;
	[sflag:s9] =	ssyncset.done $0x0  }
0x3f: {  	s17 =	sadd.s32 s15, s8;
	[sflag:s9] =	ssyncadd.s32 $0xFFFFD800  }
0x40: {  	[tilespmem:s3], [sflag:$0x2] =	stream.linear.gather [hbm4b:s17+s3], $0x50, $0x38;
	[tilespmem:$0x2880] =	vst v63  }
0x41: {  	_ =	swait.ge [sflag:s9], $0x50  }
0x42: {  	[sflag:s9] =	ssyncset.done $0x0  }
0x43: {  	[sflag:s9] =	ssyncadd.s32 $0xFFFFFFB0  }
0x44: {  	[tilespmem:s11], [sflag:$0x1] =	stream.indirect.gather [hbm4b:s1+s10], $0x80, s3, s10, $0xb8;
	[tilespmem:$0x2880] =	vst v63  }
0x45: {  	_ =	swait.ge [sflag:s12], $0x2800  }
0x46: {  	[sflag:s12] =	ssyncset.done $0x0  }
0x47: {  	[sflag:s12] =	ssyncadd.s32 $0xFFFFD800  }
0x48: {  	[hbm4b:s16+s3] =	stream.linear.scatter [tilespmem:s11], [sflag:$0x2], $0x2800, $0x38;
	[tilespmem:$0x2880] =	vst v63  }
0x49: {  	_ =	swait.ge [sflag:s9], $0x2800  }
0x4a: {  	[sflag:s9] =	ssyncset.done $0x0  }
0x4b: {  	s31 =	sadd.s32 s15, s7;
	[sflag:s9] =	ssyncadd.s32 $0xFFFFD800  }
0x4c: {  	[tilespmem:s3], [sflag:$0x2] =	stream.linear.gather [hbm4b:s31+s3], $0x50, $0x38;
	[tilespmem:$0x2880] =	vst v63  }
0x4d: {  	_ =	swait.ge [sflag:s9], $0x50  }
0x4e: {  	[sflag:s9] =	ssyncset.done $0x0  }
0x4f: {  	[sflag:s9] =	ssyncadd.s32 $0xFFFFFFB0  }
0x50: {  	[tilespmem:s11], [sflag:$0x1] =	stream.indirect.gather [hbm4b:s1+s10], $0x80, s3, s10, $0xb8;
	[tilespmem:$0x2880] =	vst v63  }
0x51: {  	s13 =	sadd.s32 $0x1, s13;
	_ =	swait.ge [sflag:s12], $0x2800  }
0x52: {  	p0 =	sne.s32 s13, s4;
	[sflag:s12] =	ssyncset.done $0x0  }
.Ltmp1:
0x53: {  	[sflag:s12] =	ssyncadd.s32 $0xFFFFD800;
	(pc) =	sbr.rel @p0 .LBB2_1-.Ltmp1, $4  }
0x54: {  	[hbm4b:s14+s3] =	stream.linear.scatter [tilespmem:s11], [sflag:$0x2], $0x2800, $0x38;
	[tilespmem:$0x2880] =	vst v63  }
0x55: {  	_ =	swait.ge [sflag:s9], $0x2800  }
0x56: {  	[sflag:s9] =	ssyncset.done $0x0  }
0x57: {  	[sflag:s9] =	ssyncadd.s32 $0xFFFFD800  }
0x58: {  	_ =	sfence.sel $0x180000  }
0x59: {  	[bflag:$0x0] =	sbarrier.arrive $0xFFFF  }
0x5a: {  	p0 =	sne.s32 s2, $0x0;
	_ =	strace $0x90000047  }
0x5b: {  	s0 =	sadd.s32 @!p0 $0x100000, s0;
	[bflag:$0x2] =	sbarrier.arrive $0xFFFF  }
0x5c: {  	[sflag:s0] =	ssyncadd.tile.s32 @!p0 $0x1;
	_ =	shalt  }
.Lfunc_end2:
_tile_overlayer_lowered:
.L_overlay_start_2:
0x5d: {  	(tag) =	ssettag $0x2  }
0x5e: {  	s0 =	rddreg [dreg:$0x0];
	s2 =	stileid.u32  }
0x5f: {  	s1 =	rddreg [dreg:$0x1];
	p0 =	sne.s32 s2, $0x0  }
0x60: {  	s3 =	rddreg [dreg:$0x2];
	[bflag:$0x3] =	sbarrier.arrive $0xFFFF;
	s2 =	simm.s32 @!p0 $0x1C02  }
0x61: {  	[timem:s3], [sflag:s2] =	dma.local @!p0 [hbm:s0], s1  }
0x62: {  	s0 =	simm.s32 @!p0 $0x2  }
0x63: {  	_ =	swait.ge @!p0 [sflag:s0], s1  }
0x64: {  	s1 =	ssub.s32 @!p0 $0x0, s1;
	[sflag:s0] =	ssyncset.done @!p0 $0x0  }
0x65: {  	[sflag:s0] =	ssyncadd.s32 @!p0 s1  }
0x66: {  	[bflag:$0x3] =	sbarrier.arrive $0xFFFF  }
0x67: {  	_ =	shalt  }

</sc_bundles>
